<compile_context>
chip_gen: v7x
topology: tpu7x:2x2x1
jax: 0.10.2.dev20260603
libtpu: 0.0.44.dev20260713+nightly
codegen_flags: <defaults>
</compile_context>

<pallas_src>
import jax
import jax.numpy as jnp
from jax import lax
from jax.experimental import pallas as pl
from jax.experimental.pallas import tpu as pltpu
from jax.experimental.pallas import tpu_sc as plsc

H, W = 1536, 2048
K = 5000
NB = 4096
EDGE_T = (10 + 1) ** 2 / 10.0


def _stencil_body(top_ref, mid_ref, bot_ref, out_ref):
    i = pl.program_id(0)
    s = jnp.concatenate([top_ref[...], mid_ref[...], bot_ref[...]], axis=0)
    sm = s[8:136]
    l1 = jnp.roll(s, 1, axis=1)
    r1 = jnp.roll(s, -1, axis=1)
    rowmax = jnp.maximum(jnp.maximum(l1, s), r1)
    m9 = jnp.maximum(jnp.maximum(rowmax[7:135], rowmax[8:136]), rowmax[9:137])
    nms = jnp.logical_and(sm > 0.5, sm == m9)
    sb = s.astype(jnp.bfloat16).astype(jnp.float32)
    smb = sb[8:136]
    l3 = jnp.roll(sb, 3, axis=1)
    r3 = jnp.roll(sb, -3, axis=1)
    dii = sb[5:133] - 2.0 * smb + sb[11:139]
    djj = l3[8:136] - 2.0 * smb + r3[8:136]
    dij = 0.25 * (l3[5:133] - r3[5:133] - l3[11:139] + r3[11:139])
    det = dii * djj - dij * dij
    tr = dii + djj
    edge = jnp.logical_and(tr * tr / det <= EDGE_T, det > 0)
    r = lax.broadcasted_iota(jnp.int32, (128, W), 0) + i * 128
    c = lax.broadcasted_iota(jnp.int32, (128, W), 1)
    eof = (r >= 5) & (r < H - 5) & (c >= 5) & (c < W - 5)
    keep = nms & eof & edge
    out_ref[...] = jnp.where(keep, sm, 0.0)


def _masked_map(score2d):
    return pl.pallas_call(
        _stencil_body,
        grid=(12,),
        in_specs=[
            pl.BlockSpec((8, W), lambda i: (jnp.maximum(16 * i - 1, 0), 0)),
            pl.BlockSpec((128, W), lambda i: (i, 0)),
            pl.BlockSpec((8, W), lambda i: (jnp.minimum(16 * i + 16, 191), 0)),
        ],
        out_specs=pl.BlockSpec((128, W), lambda i: (i, 0)),
        out_shape=jax.ShapeDtypeStruct((H, W), jnp.float32),
    )(score2d, score2d, score2d)


NW = 32
ROWS_W = H // NW
PER_W = ROWS_W * W
CAP_T = 256
L = 16
PK_CAP = 12288
PK_PAD = PK_CAP + W + L
CK_ROWS = 16
N_CK = ROWS_W // CK_ROWS

_sc_mesh = None


def _mesh():
    global _sc_mesh
    if _sc_mesh is None:
        _sc_mesh = plsc.VectorSubcoreMesh(
            core_axis_name="c", subcore_axis_name="s",
            num_cores=2, num_subcores=16)
    return _sc_mesh


def _scan_body(x_hbm, hist_hbm, pks_hbm, pki_hbm,
               buf0, buf1, pks, pki, hist, sem0, sem1):
    wid = lax.axis_index("c") * 16 + lax.axis_index("s")
    base = wid * PER_W
    zerosf = jnp.zeros((L,), jnp.float32)
    zerosi = jnp.zeros((L,), jnp.int32)

    def zh(i, _):
        hist[pl.ds(i * L, L)] = zerosi
        return 0
    lax.fori_loop(0, NB // L, zh, 0)

    def zp(i, _):
        pks[pl.ds(i * L, L)] = zerosf
        pki[pl.ds(i * L, L)] = zerosi
        return 0
    lax.fori_loop(0, PK_PAD // L, zp, 0)

    bufs = (buf0, buf1)
    sems = (sem0, sem1)
    cps = [None, None]
    cps[0] = pltpu.async_copy(
        x_hbm.at[pl.ds(wid * ROWS_W, CK_ROWS)], buf0, sem0)
    lanes = lax.iota(jnp.int32, L)
    off = jnp.int32(0)
    for ci in range(N_CK):
        if ci + 1 < N_CK:
            cps[(ci + 1) % 2] = pltpu.async_copy(
                x_hbm.at[pl.ds(wid * ROWS_W + (ci + 1) * CK_ROWS, CK_ROWS)],
                bufs[(ci + 1) % 2], sems[(ci + 1) % 2])
        cps[ci % 2].wait()
        buf = bufs[ci % 2]

        def rbody(r, off, _ci=ci, _buf=buf):
            rowbase = base + (_ci * CK_ROWS) * W + r * W

            def vbody(j, off):
                vs, ms, cs = [], [], []
                for u in range(16):
                    v = _buf[r, pl.ds((j * 16 + u) * L, L)]
                    m = v > 0.5
                    vs.append(v)
                    ms.append(m)
                    cs.append(jnp.sum(m.astype(jnp.int32)))
                for u in range(16):
                    iv = (rowbase + (j * 16 + u) * L) + lanes
                    plsc.store_compressed(pks.at[pl.ds(off, L)], vs[u], mask=ms[u])
                    plsc.store_compressed(pki.at[pl.ds(off, L)], iv, mask=ms[u])
                    off = off + cs[u]
                return off
            off = lax.fori_loop(0, W // L // 16, vbody, off)
            return jnp.minimum(off, PK_CAP)
        off = lax.fori_loop(0, CK_ROWS, rbody, off)
    ones = jnp.ones((L,), jnp.int32)

    def hbody(i, _):
        v = pks[pl.ds(i * L, L)]
        m = v > 0.5
        b = ((v - 0.5) * (2 * NB)).astype(jnp.int32)
        plsc.addupdate_scatter(hist, [b], ones, mask=m)
        return 0
    lax.fori_loop(0, (off + (L - 1)) // L, hbody, 0)
    pltpu.sync_copy(hist, hist_hbm.at[wid])
    pltpu.sync_copy(pks.at[pl.ds(0, PK_CAP)], pks_hbm.at[wid])
    pltpu.sync_copy(pki.at[pl.ds(0, PK_CAP)], pki_hbm.at[wid])


def _sc_scan(masked2d):
    return pl.kernel(
        _scan_body,
        out_type=(
            jax.ShapeDtypeStruct((NW, NB), jnp.int32),
            jax.ShapeDtypeStruct((NW, PK_CAP), jnp.float32),
            jax.ShapeDtypeStruct((NW, PK_CAP), jnp.int32),
        ),
        mesh=_mesh(),
        compiler_params=pltpu.CompilerParams(needs_layout_passes=False),
        scratch_types=[
            pltpu.VMEM((CK_ROWS, W), jnp.float32),
            pltpu.VMEM((CK_ROWS, W), jnp.float32),
            pltpu.VMEM((PK_PAD,), jnp.float32),
            pltpu.VMEM((PK_PAD,), jnp.int32),
            pltpu.VMEM((NB,), jnp.int32),
            pltpu.SemaphoreType.DMA,
            pltpu.SemaphoreType.DMA,
        ],
    )(masked2d)


def _select_body(pks_hbm, pki_hbm, lo_hbm, sc_hbm, ix_hbm,
                 ps, pi, sbuf, ibuf, lvec):
    wid = lax.axis_index("c") * 16 + lax.axis_index("s")
    neg = jnp.full((L,), -jnp.inf, jnp.float32)
    zer = jnp.zeros((L,), jnp.int32)

    def zbody(i, _):
        sbuf[pl.ds(i * L, L)] = neg
        ibuf[pl.ds(i * L, L)] = zer
        return 0
    lax.fori_loop(0, CAP_T // L, zbody, 0)
    pltpu.sync_copy(lo_hbm, lvec)
    lo = lvec[...]
    pltpu.sync_copy(pks_hbm.at[wid], ps)
    pltpu.sync_copy(pki_hbm.at[wid], pi)

    def vbody(i, cnt):
        vs, ms, exs, cs = [], [], [], []
        for u in range(4):
            sl = pl.ds((i * 4 + u) * L, L)
            v = ps[sl]
            m = v >= lo
            mi = m.astype(jnp.int32)
            vs.append(v)
            ms.append(m)
            exs.append(plsc.cumsum(mi) - mi)
            cs.append(jnp.sum(mi))
        for u in range(4):
            pos = cnt + exs[u]
            mg = jnp.logical_and(ms[u], pos < CAP_T)
            posc = jnp.minimum(pos, CAP_T - 1)
            plsc.store_scatter(sbuf, [posc], vs[u], mask=mg)
            plsc.store_scatter(ibuf, [posc], pi[pl.ds((i * 4 + u) * L, L)],
                               mask=mg)
            cnt = cnt + cs[u]
        return cnt
    lax.fori_loop(0, PK_CAP // L // 4, vbody, jnp.int32(0))
    pltpu.sync_copy(sbuf, sc_hbm.at[pl.ds(wid * CAP_T, CAP_T)])
    pltpu.sync_copy(ibuf, ix_hbm.at[pl.ds(wid * CAP_T, CAP_T)])


def _sc_select(pks, pki, lo_vec):
    return pl.kernel(
        _select_body,
        out_type=(
            jax.ShapeDtypeStruct((NW * CAP_T,), jnp.float32),
            jax.ShapeDtypeStruct((NW * CAP_T,), jnp.int32),
        ),
        mesh=_mesh(),
        compiler_params=pltpu.CompilerParams(needs_layout_passes=False),
        scratch_types=[
            pltpu.VMEM((PK_CAP,), jnp.float32),
            pltpu.VMEM((PK_CAP,), jnp.int32),
            pltpu.VMEM((CAP_T,), jnp.float32),
            pltpu.VMEM((CAP_T,), jnp.int32),
            pltpu.VMEM((L,), jnp.float32),
        ],
    )(pks, pki, lo_vec)


def kernel(score_map, k):
    score2d = score_map.reshape(H, W)
    masked = _masked_map(score2d)
    hist32, pks, pki = _sc_scan(masked)
    hist = hist32.sum(axis=0)
    above = jnp.cumsum(hist[::-1])[::-1] >= K
    bstar = jnp.maximum(jnp.sum(above.astype(jnp.int32)) - 1, 0)
    lo = 0.5 + bstar.astype(jnp.float32) * (1.0 / (2 * NB))
    lo_vec = jnp.full((L,), lo, jnp.float32)
    cscores, cidx = _sc_select(pks, pki, lo_vec)
    negs, topi = lax.sort_key_val(-cscores, cidx)
    topv = -negs[:K]
    topi = topi[:K]
    nfin = jnp.sum((topv > 0.5).astype(jnp.int32))
    filler = lax.iota(jnp.int32, K) - nfin
    topi = jnp.where(topv > 0.5, topi, filler)
    topv = jnp.where(topv > 0.5, topv, -jnp.inf)
    topi = topi + jnp.asarray(k - k, dtype=topi.dtype)
    indices = jnp.stack([topi // W, topi % W], axis=-1)
    return (indices[None], topv[None])

# --- scband reference (transcript-rebuilt; emitter-appended) ---
"""Pipeline reference for scband-dark-feat-14620068675692 (READ-ONLY COPY).

The authoritative reference and input builder live on the scoring server;
editing this copy changes nothing except your own understanding.
"""

import jax, jax.numpy as jnp
import numpy as np


def _conv2d(x, filt, dilation):
    return jax.lax.conv_general_dilated(
        x, filt, window_strides=(1, 1),
        padding=[(dilation, dilation), (dilation, dilation)],
        rhs_dilation=(dilation, dilation),
        dimension_numbers=('NCHW', 'OIHW', 'NCHW'))


def _edge_mask(inputs, dilation=3, edge_thld=10):
    dii_f = jnp.array([[0., 1., 0.], [0., -2., 0.], [0., 1., 0.]], dtype=jnp.float32).reshape(1, 1, 3, 3)
    dij_f = 0.25 * jnp.array([[1., 0., -1.], [0., 0., 0.], [-1., 0., 1.]], dtype=jnp.float32).reshape(1, 1, 3, 3)
    djj_f = jnp.array([[0., 0., 0.], [1., -2., 1.], [0., 0., 0.]], dtype=jnp.float32).reshape(1, 1, 3, 3)
    dii = _conv2d(inputs, dii_f, dilation)
    dij = _conv2d(inputs, dij_f, dilation)
    djj = _conv2d(inputs, djj_f, dilation)
    det = dii * djj - dij * dij
    tr = dii + djj
    threshold = (edge_thld + 1) ** 2 / edge_thld
    # torch.min of two bool tensors == logical AND
    return jnp.logical_and(tr * tr / det <= threshold, det > 0)


def setup_inputs(seed: int = 0) -> dict:
    key = jax.random.key(seed)
    score_map = jax.random.uniform(key, (1, 1, 1536, 2048), dtype=jnp.float32)
    return {"score_map": score_map, "k": 5000}


def reference(score_map, k):
    # DarkFeat extract_kpts: threshold mask + 3x3 NMS + border (eof) mask + edge mask + top-k
    score_thld = 0.5
    nms_size = 3
    eof_size = 5
    edge_thld = 10
    b, c, h, w = score_map.shape
    mask = score_map > score_thld
    # NMS: keep only local maxima of a nms_size x nms_size window
    pad = nms_size // 2
    nms_max = jax.lax.reduce_window(
        score_map, -jnp.inf, jax.lax.max,
        window_dimensions=(1, 1, nms_size, nms_size),
        window_strides=(1, 1, 1, 1),
        padding=[(0, 0), (0, 0), (pad, pad), (pad, pad)])
    mask = jnp.logical_and(mask, score_map == nms_max)
    # eof (border) mask
    ii = jnp.arange(h)
    jj = jnp.arange(w)
    eof = jnp.logical_and(ii >= eof_size, ii < h - eof_size)[:, None] & \
          jnp.logical_and(jj >= eof_size, jj < w - eof_size)[None, :]
    mask = jnp.logical_and(mask, eof[None, None, :, :])
    # edge mask (dilation=3 per DarkFeat)
    mask = jnp.logical_and(mask, _edge_mask(score_map, dilation=3, edge_thld=edge_thld))
    # top-k over masked scores (jit-friendly equivalent of nonzero+sort+slice)
    masked = jnp.where(mask, score_map, -jnp.inf)
    flat = masked.reshape(b, h * w)
    k_static = 5000
    scores, flat_idx = jax.lax.top_k(flat, k_static)
    flat_idx = flat_idx + jnp.asarray(k - k, dtype=flat_idx.dtype)
    indices = jnp.stack([flat_idx // w, flat_idx % w], axis=-1)
    return (indices, scores)

if __name__ == "__main__":
    import jax
    _d = setup_inputs()
    print(jax.jit(kernel)(*tuple(_d.values())))

</pallas_src>

<mosaic_0001>
#map = affine_map<(d0, d1) -> (0, 0)>
#map1 = affine_map<(d0, d1) -> (0)>
module attributes {stable_mosaic.version = 14 : i64} {
  func.func @_select_body(%arg0: i32, %arg1: i32, %arg2: memref<32x12288xf32, #tpu.memory_space<hbm>>, %arg3: memref<32x12288xi32, #tpu.memory_space<hbm>>, %arg4: memref<16xf32, #tpu.memory_space<hbm>>, %arg5: memref<8192xf32, #tpu.memory_space<hbm>>, %arg6: memref<8192xi32, #tpu.memory_space<hbm>>, %arg7: memref<12288xf32, #tpu.memory_space<vmem>>, %arg8: memref<12288xi32, #tpu.memory_space<vmem>>, %arg9: memref<256xf32, #tpu.memory_space<vmem>>, %arg10: memref<256xi32, #tpu.memory_space<vmem>>, %arg11: memref<16xf32, #tpu.memory_space<vmem>>) attributes {dimension_semantics = [#tpu.dimension_semantics<core_parallel>, #tpu.dimension_semantics<subcore_parallel>], iteration_bounds = array<i64: 2, 16>, scalar_prefetch = 0 : i64, scratch_operands = 5 : i64, tpu.core_type = #tpu.core_type<sc_vector_subcore>, window_params = [{transform_indices = #map}, {transform_indices = #map}, {transform_indices = #map1}, {transform_indices = #map1}, {transform_indices = #map1}]} {
    %mul3A = arith.constant 16 : i32
    %mul3A_0 = arith.muli %arg0, %mul3A : i32
    %add3A = arith.addi %mul3A_0, %arg1 : i32
    %broadcast_in_dim3A = arith.constant 0xFF800000 : f32
    %broadcast_in_dim3A_1 = vector.broadcast %broadcast_in_dim3A : f32 to vector<16xf32>
    %broadcast_in_dim3A_2 = arith.constant 0 : i32
    %broadcast_in_dim3A_3 = vector.broadcast %broadcast_in_dim3A_2 : i32 to vector<16xi32>
    %scan3A = arith.constant 0 : i32
    %scan3A_4 = arith.constant 0 : i32
    %scan3A_5 = arith.constant 16 : i32
    %scan3A_6 = arith.addi %scan3A_4, %scan3A_5 : i32
    %scan3A_7 = arith.constant 1 : i32
    %scan3A_8 = scf.for %scan3A_22 = %scan3A_4 to %scan3A_6 step %scan3A_7 iter_args(%scan3A_23 = %scan3A) -> (i32)  : i32 {
      %mul3A_24 = arith.constant 16 : i32
      %mul3A_25 = arith.muli %scan3A_22, %mul3A_24 : i32
      %swap3A = arith.index_cast %mul3A_25 : i32 to index
      %swap3A_26 = tpu.vector_load %arg9[%swap3A] {strides = array<i32>} : memref<256xf32, #tpu.memory_space<vmem>>, vector<16xf32>,
      tpu.vector_store %arg9[%swap3A], %broadcast_in_dim3A_1 {strides = array<i32>} : memref<256xf32, #tpu.memory_space<vmem>>, vector<16xf32>,
      %mul3A_27 = arith.constant 16 : i32
      %mul3A_28 = arith.muli %scan3A_22, %mul3A_27 : i32
      %swap3A_29 = arith.index_cast %mul3A_28 : i32 to index
      %swap3A_30 = tpu.vector_load %arg10[%swap3A_29] {strides = array<i32>} : memref<256xi32, #tpu.memory_space<vmem>>, vector<16xi32>,
      tpu.vector_store %arg10[%swap3A_29], %broadcast_in_dim3A_3 {strides = array<i32>} : memref<256xi32, #tpu.memory_space<vmem>>, vector<16xi32>,
      %scan3A_31 = arith.constant 0 : i32
      scf.yield %scan3A_31 : i32
    }
    %scan3A_9 = arith.constant 16 : i32
    "tpu.region"() ({
      %run_scoped3A = tpu.sem_alloc : memref<!tpu.dma_semaphore, #tpu.memory_space<semaphore_mem>>
      tpu.enqueue_dma source(%arg4 : memref<16xf32, #tpu.memory_space<hbm>>) target(%arg11 : memref<16xf32, #tpu.memory_space<vmem>>) target_semaphore(%run_scoped3A : memref<!tpu.dma_semaphore, #tpu.memory_space<semaphore_mem>>)
      tpu.wait_dma2 semaphore(%run_scoped3A : memref<!tpu.dma_semaphore, #tpu.memory_space<semaphore_mem>>) src(%arg4 : memref<16xf32, #tpu.memory_space<hbm>>) dst(%arg11 : memref<16xf32, #tpu.memory_space<vmem>>)
      tpu.yield
    }) : () -> ()
    %get3A = arith.constant 0 : index
    %get3A_10 = tpu.vector_load %arg11[%get3A] {strides = array<i32>} : memref<16xf32, #tpu.memory_space<vmem>>, vector<16xf32>,
    "tpu.region"() ({
      %run_scoped3A = tpu.sem_alloc : memref<!tpu.dma_semaphore, #tpu.memory_space<semaphore_mem>>
      %dma_start3A = arith.constant 0 : i32
      %dma_start3A_22 = tpu.memref_slice %arg2[%add3A, %dma_start3A] : memref<32x12288xf32, #tpu.memory_space<hbm>> -> memref<1x12288xf32, #tpu.memory_space<hbm>>
      %dma_start3A_23 = tpu.memref_squeeze %dma_start3A_22 : memref<1x12288xf32, #tpu.memory_space<hbm>> -> memref<12288xf32, #tpu.memory_space<hbm>>
      %dma_start3A_24 = arith.constant 0 : i32
      %dma_start3A_25 = tpu.memref_slice %arg2[%add3A, %dma_start3A_24] : memref<32x12288xf32, #tpu.memory_space<hbm>> -> memref<1x12288xf32, #tpu.memory_space<hbm>>
      %dma_start3A_26 = tpu.memref_squeeze %dma_start3A_25 : memref<1x12288xf32, #tpu.memory_space<hbm>> -> memref<12288xf32, #tpu.memory_space<hbm>>
      tpu.enqueue_dma source(%dma_start3A_26 : memref<12288xf32, #tpu.memory_space<hbm>>) target(%arg7 : memref<12288xf32, #tpu.memory_space<vmem>>) target_semaphore(%run_scoped3A : memref<!tpu.dma_semaphore, #tpu.memory_space<semaphore_mem>>)
      %dma_wait3A = arith.constant 0 : i32
      %dma_wait3A_27 = tpu.memref_slice %arg2[%add3A, %dma_wait3A] : memref<32x12288xf32, #tpu.memory_space<hbm>> -> memref<1x12288xf32, #tpu.memory_space<hbm>>
      %dma_wait3A_28 = tpu.memref_squeeze %dma_wait3A_27 : memref<1x12288xf32, #tpu.memory_space<hbm>> -> memref<12288xf32, #tpu.memory_space<hbm>>
      %dma_wait3A_29 = arith.constant 0 : i32
      %dma_wait3A_30 = tpu.memref_slice %arg2[%add3A, %dma_wait3A_29] : memref<32x12288xf32, #tpu.memory_space<hbm>> -> memref<1x12288xf32, #tpu.memory_space<hbm>>
      %dma_wait3A_31 = tpu.memref_squeeze %dma_wait3A_30 : memref<1x12288xf32, #tpu.memory_space<hbm>> -> memref<12288xf32, #tpu.memory_space<hbm>>
      tpu.wait_dma2 semaphore(%run_scoped3A : memref<!tpu.dma_semaphore, #tpu.memory_space<semaphore_mem>>) src(%dma_wait3A_31 : memref<12288xf32, #tpu.memory_space<hbm>>) dst(%arg7 : memref<12288xf32, #tpu.memory_space<vmem>>)
      tpu.yield
    }) : () -> ()
    "tpu.region"() ({
      %run_scoped3A = tpu.sem_alloc : memref<!tpu.dma_semaphore, #tpu.memory_space<semaphore_mem>>
      %dma_start3A = arith.constant 0 : i32
      %dma_start3A_22 = tpu.memref_slice %arg3[%add3A, %dma_start3A] : memref<32x12288xi32, #tpu.memory_space<hbm>> -> memref<1x12288xi32, #tpu.memory_space<hbm>>
      %dma_start3A_23 = tpu.memref_squeeze %dma_start3A_22 : memref<1x12288xi32, #tpu.memory_space<hbm>> -> memref<12288xi32, #tpu.memory_space<hbm>>
      %dma_start3A_24 = arith.constant 0 : i32
      %dma_start3A_25 = tpu.memref_slice %arg3[%add3A, %dma_start3A_24] : memref<32x12288xi32, #tpu.memory_space<hbm>> -> memref<1x12288xi32, #tpu.memory_space<hbm>>
      %dma_start3A_26 = tpu.memref_squeeze %dma_start3A_25 : memref<1x12288xi32, #tpu.memory_space<hbm>> -> memref<12288xi32, #tpu.memory_space<hbm>>
      tpu.enqueue_dma source(%dma_start3A_26 : memref<12288xi32, #tpu.memory_space<hbm>>) target(%arg8 : memref<12288xi32, #tpu.memory_space<vmem>>) target_semaphore(%run_scoped3A : memref<!tpu.dma_semaphore, #tpu.memory_space<semaphore_mem>>)
      %dma_wait3A = arith.constant 0 : i32
      %dma_wait3A_27 = tpu.memref_slice %arg3[%add3A, %dma_wait3A] : memref<32x12288xi32, #tpu.memory_space<hbm>> -> memref<1x12288xi32, #tpu.memory_space<hbm>>
      %dma_wait3A_28 = tpu.memref_squeeze %dma_wait3A_27 : memref<1x12288xi32, #tpu.memory_space<hbm>> -> memref<12288xi32, #tpu.memory_space<hbm>>
      %dma_wait3A_29 = arith.constant 0 : i32
      %dma_wait3A_30 = tpu.memref_slice %arg3[%add3A, %dma_wait3A_29] : memref<32x12288xi32, #tpu.memory_space<hbm>> -> memref<1x12288xi32, #tpu.memory_space<hbm>>
      %dma_wait3A_31 = tpu.memref_squeeze %dma_wait3A_30 : memref<1x12288xi32, #tpu.memory_space<hbm>> -> memref<12288xi32, #tpu.memory_space<hbm>>
      tpu.wait_dma2 semaphore(%run_scoped3A : memref<!tpu.dma_semaphore, #tpu.memory_space<semaphore_mem>>) src(%dma_wait3A_31 : memref<12288xi32, #tpu.memory_space<hbm>>) dst(%arg8 : memref<12288xi32, #tpu.memory_space<vmem>>)
      tpu.yield
    }) : () -> ()
    %scan3A_11 = arith.constant 0 : i32
    %scan3A_12 = arith.constant 0 : i32
    %scan3A_13 = arith.constant 192 : i32
    %scan3A_14 = arith.addi %scan3A_12, %scan3A_13 : i32
    %scan3A_15 = arith.constant 1 : i32
    %scan3A_16 = scf.for %scan3A_22 = %scan3A_12 to %scan3A_14 step %scan3A_15 iter_args(%scan3A_23 = %scan3A_11) -> (i32)  : i32 {
      %mul3A_24 = arith.constant 4 : i32
      %mul3A_25 = arith.muli %scan3A_22, %mul3A_24 : i32
      %add3A_26 = arith.constant 0 : i32
      %add3A_27 = arith.addi %mul3A_25, %add3A_26 : i32
      %mul3A_28 = arith.constant 16 : i32
      %mul3A_29 = arith.muli %add3A_27, %mul3A_28 : i32
      %get3A_30 = arith.index_cast %mul3A_29 : i32 to index
      %get3A_31 = tpu.vector_load %arg7[%get3A_30] {strides = array<i32>} : memref<12288xf32, #tpu.memory_space<vmem>>, vector<16xf32>,
      %ge3A = arith.cmpf oge, %get3A_31, %get3A_10 : vector<16xf32>
      %convert_element_type3A = arith.extui %ge3A : vector<16xi1> to vector<16xi32>
      %broadcast_in_dim3A_32 = arith.constant true
      %broadcast_in_dim3A_33 = vector.broadcast %broadcast_in_dim3A_32 : i1 to vector<16xi1>
      %masked_cumsum3A = tpu.scan <sum>, %convert_element_type3A masked %broadcast_in_dim3A_33 : vector<16xi32>, vector<16xi1> -> vector<16xi32>
      %sub3A = arith.subi %masked_cumsum3A, %convert_element_type3A : vector<16xi32>
      %reduce_sum3A = arith.constant true
      %reduce_sum3A_34 = vector.broadcast %reduce_sum3A : i1 to vector<16xi1>
      %reduce_sum3A_35 = tpu.scan <sum>, %convert_element_type3A masked %reduce_sum3A_34 : vector<16xi32>, vector<16xi1> -> vector<16xi32>
      %reduce_sum3A_36 = vector.extract %reduce_sum3A_35[15] : i32 from vector<16xi32>
      %mul3A_37 = arith.constant 4 : i32
      %mul3A_38 = arith.muli %scan3A_22, %mul3A_37 : i32
      %add3A_39 = arith.constant 1 : i32
      %add3A_40 = arith.addi %mul3A_38, %add3A_39 : i32
      %mul3A_41 = arith.constant 16 : i32
      %mul3A_42 = arith.muli %add3A_40, %mul3A_41 : i32
      %get3A_43 = arith.index_cast %mul3A_42 : i32 to index
      %get3A_44 = tpu.vector_load %arg7[%get3A_43] {strides = array<i32>} : memref<12288xf32, #tpu.memory_space<vmem>>, vector<16xf32>,
      %ge3A_45 = arith.cmpf oge, %get3A_44, %get3A_10 : vector<16xf32>
      %convert_element_type3A_46 = arith.extui %ge3A_45 : vector<16xi1> to vector<16xi32>
      %broadcast_in_dim3A_47 = arith.constant true
      %broadcast_in_dim3A_48 = vector.broadcast %broadcast_in_dim3A_47 : i1 to vector<16xi1>
      %masked_cumsum3A_49 = tpu.scan <sum>, %convert_element_type3A_46 masked %broadcast_in_dim3A_48 : vector<16xi32>, vector<16xi1> -> vector<16xi32>
      %sub3A_50 = arith.subi %masked_cumsum3A_49, %convert_element_type3A_46 : vector<16xi32>
      %reduce_sum3A_51 = arith.constant true
      %reduce_sum3A_52 = vector.broadcast %reduce_sum3A_51 : i1 to vector<16xi1>
      %reduce_sum3A_53 = tpu.scan <sum>, %convert_element_type3A_46 masked %reduce_sum3A_52 : vector<16xi32>, vector<16xi1> -> vector<16xi32>
      %reduce_sum3A_54 = vector.extract %reduce_sum3A_53[15] : i32 from vector<16xi32>
      %mul3A_55 = arith.constant 4 : i32
      %mul3A_56 = arith.muli %scan3A_22, %mul3A_55 : i32
      %add3A_57 = arith.constant 2 : i32
      %add3A_58 = arith.addi %mul3A_56, %add3A_57 : i32
      %mul3A_59 = arith.constant 16 : i32
      %mul3A_60 = arith.muli %add3A_58, %mul3A_59 : i32
      %get3A_61 = arith.index_cast %mul3A_60 : i32 to index
      %get3A_62 = tpu.vector_load %arg7[%get3A_61] {strides = array<i32>} : memref<12288xf32, #tpu.memory_space<vmem>>, vector<16xf32>,
      %ge3A_63 = arith.cmpf oge, %get3A_62, %get3A_10 : vector<16xf32>
      %convert_element_type3A_64 = arith.extui %ge3A_63 : vector<16xi1> to vector<16xi32>
      %broadcast_in_dim3A_65 = arith.constant true
      %broadcast_in_dim3A_66 = vector.broadcast %broadcast_in_dim3A_65 : i1 to vector<16xi1>
      %masked_cumsum3A_67 = tpu.scan <sum>, %convert_element_type3A_64 masked %broadcast_in_dim3A_66 : vector<16xi32>, vector<16xi1> -> vector<16xi32>
      %sub3A_68 = arith.subi %masked_cumsum3A_67, %convert_element_type3A_64 : vector<16xi32>
      %reduce_sum3A_69 = arith.constant true
      %reduce_sum3A_70 = vector.broadcast %reduce_sum3A_69 : i1 to vector<16xi1>
      %reduce_sum3A_71 = tpu.scan <sum>, %convert_element_type3A_64 masked %reduce_sum3A_70 : vector<16xi32>, vector<16xi1> -> vector<16xi32>
      %reduce_sum3A_72 = vector.extract %reduce_sum3A_71[15] : i32 from vector<16xi32>
      %mul3A_73 = arith.constant 4 : i32
      %mul3A_74 = arith.muli %scan3A_22, %mul3A_73 : i32
      %add3A_75 = arith.constant 3 : i32
      %add3A_76 = arith.addi %mul3A_74, %add3A_75 : i32
      %mul3A_77 = arith.constant 16 : i32
      %mul3A_78 = arith.muli %add3A_76, %mul3A_77 : i32
      %get3A_79 = arith.index_cast %mul3A_78 : i32 to index
      %get3A_80 = tpu.vector_load %arg7[%get3A_79] {strides = array<i32>} : memref<12288xf32, #tpu.memory_space<vmem>>, vector<16xf32>,
      %ge3A_81 = arith.cmpf oge, %get3A_80, %get3A_10 : vector<16xf32>
      %convert_element_type3A_82 = arith.extui %ge3A_81 : vector<16xi1> to vector<16xi32>
      %broadcast_in_dim3A_83 = arith.constant true
      %broadcast_in_dim3A_84 = vector.broadcast %broadcast_in_dim3A_83 : i1 to vector<16xi1>
      %masked_cumsum3A_85 = tpu.scan <sum>, %convert_element_type3A_82 masked %broadcast_in_dim3A_84 : vector<16xi32>, vector<16xi1> -> vector<16xi32>
      %sub3A_86 = arith.subi %masked_cumsum3A_85, %convert_element_type3A_82 : vector<16xi32>
      %reduce_sum3A_87 = arith.constant true
      %reduce_sum3A_88 = vector.broadcast %reduce_sum3A_87 : i1 to vector<16xi1>
      %reduce_sum3A_89 = tpu.scan <sum>, %convert_element_type3A_82 masked %reduce_sum3A_88 : vector<16xi32>, vector<16xi1> -> vector<16xi32>
      %reduce_sum3A_90 = vector.extract %reduce_sum3A_89[15] : i32 from vector<16xi32>
      %add3A_91 = vector.broadcast %scan3A_23 : i32 to vector<16xi32>
      %add3A_92 = arith.addi %add3A_91, %sub3A : vector<16xi32>
      %lt3A = arith.constant 256 : i32
      %lt3A_93 = vector.broadcast %lt3A : i32 to vector<16xi32>
      %lt3A_94 = arith.cmpi slt, %add3A_92, %lt3A_93 : vector<16xi32>
      %and3A = arith.andi %ge3A, %lt3A_94 : vector<16xi1>
      %min3A = arith.constant 255 : i32
      %min3A_95 = vector.broadcast %min3A : i32 to vector<16xi32>
      %min3A_96 = arith.minsi %add3A_92, %min3A_95 : vector<16xi32>
      tpu.vector_store_idx %arg9[%min3A_96], %get3A_31 masked %and3A : memref<256xf32, #tpu.memory_space<vmem>>[vector<16xi32>], vector<16xf32>, vector<16xi1>
      %mul3A_97 = arith.constant 4 : i32
      %mul3A_98 = arith.muli %scan3A_22, %mul3A_97 : i32
      %add3A_99 = arith.constant 0 : i32
      %add3A_100 = arith.addi %mul3A_98, %add3A_99 : i32
      %mul3A_101 = arith.constant 16 : i32
      %mul3A_102 = arith.muli %add3A_100, %mul3A_101 : i32
      %get3A_103 = arith.index_cast %mul3A_102 : i32 to index
      %get3A_104 = tpu.vector_load %arg8[%get3A_103] {strides = array<i32>} : memref<12288xi32, #tpu.memory_space<vmem>>, vector<16xi32>,
      tpu.vector_store_idx %arg10[%min3A_96], %get3A_104 masked %and3A : memref<256xi32, #tpu.memory_space<vmem>>[vector<16xi32>], vector<16xi32>, vector<16xi1>
      %add3A_105 = arith.addi %scan3A_23, %reduce_sum3A_36 : i32
      %add3A_106 = vector.broadcast %add3A_105 : i32 to vector<16xi32>
      %add3A_107 = arith.addi %add3A_106, %sub3A_50 : vector<16xi32>
      %lt3A_108 = arith.constant 256 : i32
      %lt3A_109 = vector.broadcast %lt3A_108 : i32 to vector<16xi32>
      %lt3A_110 = arith.cmpi slt, %add3A_107, %lt3A_109 : vector<16xi32>
      %and3A_111 = arith.andi %ge3A_45, %lt3A_110 : vector<16xi1>
      %min3A_112 = arith.constant 255 : i32
      %min3A_113 = vector.broadcast %min3A_112 : i32 to vector<16xi32>
      %min3A_114 = arith.minsi %add3A_107, %min3A_113 : vector<16xi32>
      tpu.vector_store_idx %arg9[%min3A_114], %get3A_44 masked %and3A_111 : memref<256xf32, #tpu.memory_space<vmem>>[vector<16xi32>], vector<16xf32>, vector<16xi1>
      %mul3A_115 = arith.constant 4 : i32
      %mul3A_116 = arith.muli %scan3A_22, %mul3A_115 : i32
      %add3A_117 = arith.constant 1 : i32
      %add3A_118 = arith.addi %mul3A_116, %add3A_117 : i32
      %mul3A_119 = arith.constant 16 : i32
      %mul3A_120 = arith.muli %add3A_118, %mul3A_119 : i32
      %get3A_121 = arith.index_cast %mul3A_120 : i32 to index
      %get3A_122 = tpu.vector_load %arg8[%get3A_121] {strides = array<i32>} : memref<12288xi32, #tpu.memory_space<vmem>>, vector<16xi32>,
      tpu.vector_store_idx %arg10[%min3A_114], %get3A_122 masked %and3A_111 : memref<256xi32, #tpu.memory_space<vmem>>[vector<16xi32>], vector<16xi32>, vector<16xi1>
      %add3A_123 = arith.addi %add3A_105, %reduce_sum3A_54 : i32
      %add3A_124 = vector.broadcast %add3A_123 : i32 to vector<16xi32>
      %add3A_125 = arith.addi %add3A_124, %sub3A_68 : vector<16xi32>
      %lt3A_126 = arith.constant 256 : i32
      %lt3A_127 = vector.broadcast %lt3A_126 : i32 to vector<16xi32>
      %lt3A_128 = arith.cmpi slt, %add3A_125, %lt3A_127 : vector<16xi32>
      %and3A_129 = arith.andi %ge3A_63, %lt3A_128 : vector<16xi1>
      %min3A_130 = arith.constant 255 : i32
      %min3A_131 = vector.broadcast %min3A_130 : i32 to vector<16xi32>
      %min3A_132 = arith.minsi %add3A_125, %min3A_131 : vector<16xi32>
      tpu.vector_store_idx %arg9[%min3A_132], %get3A_62 masked %and3A_129 : memref<256xf32, #tpu.memory_space<vmem>>[vector<16xi32>], vector<16xf32>, vector<16xi1>
      %mul3A_133 = arith.constant 4 : i32
      %mul3A_134 = arith.muli %scan3A_22, %mul3A_133 : i32
      %add3A_135 = arith.constant 2 : i32
      %add3A_136 = arith.addi %mul3A_134, %add3A_135 : i32
      %mul3A_137 = arith.constant 16 : i32
      %mul3A_138 = arith.muli %add3A_136, %mul3A_137 : i32
      %get3A_139 = arith.index_cast %mul3A_138 : i32 to index
      %get3A_140 = tpu.vector_load %arg8[%get3A_139] {strides = array<i32>} : memref<12288xi32, #tpu.memory_space<vmem>>, vector<16xi32>,
      tpu.vector_store_idx %arg10[%min3A_132], %get3A_140 masked %and3A_129 : memref<256xi32, #tpu.memory_space<vmem>>[vector<16xi32>], vector<16xi32>, vector<16xi1>
      %add3A_141 = arith.addi %add3A_123, %reduce_sum3A_72 : i32
      %add3A_142 = vector.broadcast %add3A_141 : i32 to vector<16xi32>
      %add3A_143 = arith.addi %add3A_142, %sub3A_86 : vector<16xi32>
      %lt3A_144 = arith.constant 256 : i32
      %lt3A_145 = vector.broadcast %lt3A_144 : i32 to vector<16xi32>
      %lt3A_146 = arith.cmpi slt, %add3A_143, %lt3A_145 : vector<16xi32>
      %and3A_147 = arith.andi %ge3A_81, %lt3A_146 : vector<16xi1>
      %min3A_148 = arith.constant 255 : i32
      %min3A_149 = vector.broadcast %min3A_148 : i32 to vector<16xi32>
      %min3A_150 = arith.minsi %add3A_143, %min3A_149 : vector<16xi32>
      tpu.vector_store_idx %arg9[%min3A_150], %get3A_80 masked %and3A_147 : memref<256xf32, #tpu.memory_space<vmem>>[vector<16xi32>], vector<16xf32>, vector<16xi1>
      %mul3A_151 = arith.constant 4 : i32
      %mul3A_152 = arith.muli %scan3A_22, %mul3A_151 : i32
      %add3A_153 = arith.constant 3 : i32
      %add3A_154 = arith.addi %mul3A_152, %add3A_153 : i32
      %mul3A_155 = arith.constant 16 : i32
      %mul3A_156 = arith.muli %add3A_154, %mul3A_155 : i32
      %get3A_157 = arith.index_cast %mul3A_156 : i32 to index
      %get3A_158 = tpu.vector_load %arg8[%get3A_157] {strides = array<i32>} : memref<12288xi32, #tpu.memory_space<vmem>>, vector<16xi32>,
      tpu.vector_store_idx %arg10[%min3A_150], %get3A_158 masked %and3A_147 : memref<256xi32, #tpu.memory_space<vmem>>[vector<16xi32>], vector<16xi32>, vector<16xi1>
      %add3A_159 = arith.addi %add3A_141, %reduce_sum3A_90 : i32
      scf.yield %add3A_159 : i32
    }
    %scan3A_17 = arith.constant 192 : i32
    %mul3A_18 = arith.constant 256 : i32
    %mul3A_19 = arith.muli %add3A, %mul3A_18 : i32
    "tpu.region"() ({
      %run_scoped3A = tpu.sem_alloc : memref<!tpu.dma_semaphore, #tpu.memory_space<semaphore_mem>>
      %dma_start3A = tpu.memref_slice %arg5[%mul3A_19] : memref<8192xf32, #tpu.memory_space<hbm>> -> memref<256xf32, #tpu.memory_space<hbm>>
      %dma_start3A_22 = tpu.memref_slice %arg5[%mul3A_19] : memref<8192xf32, #tpu.memory_space<hbm>> -> memref<256xf32, #tpu.memory_space<hbm>>
      tpu.enqueue_dma source(%arg9 : memref<256xf32, #tpu.memory_space<vmem>>) target(%dma_start3A_22 : memref<256xf32, #tpu.memory_space<hbm>>) target_semaphore(%run_scoped3A : memref<!tpu.dma_semaphore, #tpu.memory_space<semaphore_mem>>)
      %dma_wait3A = tpu.memref_slice %arg5[%mul3A_19] : memref<8192xf32, #tpu.memory_space<hbm>> -> memref<256xf32, #tpu.memory_space<hbm>>
      %dma_wait3A_23 = tpu.memref_slice %arg5[%mul3A_19] : memref<8192xf32, #tpu.memory_space<hbm>> -> memref<256xf32, #tpu.memory_space<hbm>>
      tpu.wait_dma2 semaphore(%run_scoped3A : memref<!tpu.dma_semaphore, #tpu.memory_space<semaphore_mem>>) src(%arg9 : memref<256xf32, #tpu.memory_space<vmem>>) dst(%dma_wait3A_23 : memref<256xf32, #tpu.memory_space<hbm>>)
      tpu.yield
    }) : () -> ()
    %mul3A_20 = arith.constant 256 : i32
    %mul3A_21 = arith.muli %add3A, %mul3A_20 : i32
    "tpu.region"() ({
      %run_scoped3A = tpu.sem_alloc : memref<!tpu.dma_semaphore, #tpu.memory_space<semaphore_mem>>
      %dma_start3A = tpu.memref_slice %arg6[%mul3A_21] : memref<8192xi32, #tpu.memory_space<hbm>> -> memref<256xi32, #tpu.memory_space<hbm>>
      %dma_start3A_22 = tpu.memref_slice %arg6[%mul3A_21] : memref<8192xi32, #tpu.memory_space<hbm>> -> memref<256xi32, #tpu.memory_space<hbm>>
      tpu.enqueue_dma source(%arg10 : memref<256xi32, #tpu.memory_space<vmem>>) target(%dma_start3A_22 : memref<256xi32, #tpu.memory_space<hbm>>) target_semaphore(%run_scoped3A : memref<!tpu.dma_semaphore, #tpu.memory_space<semaphore_mem>>)
      %dma_wait3A = tpu.memref_slice %arg6[%mul3A_21] : memref<8192xi32, #tpu.memory_space<hbm>> -> memref<256xi32, #tpu.memory_space<hbm>>
      %dma_wait3A_23 = tpu.memref_slice %arg6[%mul3A_21] : memref<8192xi32, #tpu.memory_space<hbm>> -> memref<256xi32, #tpu.memory_space<hbm>>
      tpu.wait_dma2 semaphore(%run_scoped3A : memref<!tpu.dma_semaphore, #tpu.memory_space<semaphore_mem>>) src(%arg10 : memref<256xi32, #tpu.memory_space<vmem>>) dst(%dma_wait3A_23 : memref<256xi32, #tpu.memory_space<hbm>>)
      tpu.yield
    }) : () -> ()
    return
  }
}

#map = affine_map<(d0, d1) -> (0, 0)>
module attributes {stable_mosaic.version = 14 : i64} {
  func.func @_scan_body(%arg0: i32, %arg1: i32, %arg2: memref<1536x2048xf32, #tpu.memory_space<hbm>>, %arg3: memref<32x4096xi32, #tpu.memory_space<hbm>>, %arg4: memref<32x12288xf32, #tpu.memory_space<hbm>>, %arg5: memref<32x12288xi32, #tpu.memory_space<hbm>>, %arg6: memref<16x2048xf32, #tpu.memory_space<vmem>>, %arg7: memref<16x2048xf32, #tpu.memory_space<vmem>>, %arg8: memref<14352xf32, #tpu.memory_space<vmem>>, %arg9: memref<14352xi32, #tpu.memory_space<vmem>>, %arg10: memref<4096xi32, #tpu.memory_space<vmem>>, %arg11: memref<!tpu.dma_semaphore, #tpu.memory_space<semaphore_mem>>, %arg12: memref<!tpu.dma_semaphore, #tpu.memory_space<semaphore_mem>>) attributes {dimension_semantics = [#tpu.dimension_semantics<core_parallel>, #tpu.dimension_semantics<subcore_parallel>], iteration_bounds = array<i64: 2, 16>, scalar_prefetch = 0 : i64, scratch_operands = 7 : i64, tpu.core_type = #tpu.core_type<sc_vector_subcore>, window_params = [{transform_indices = #map}, {transform_indices = #map}, {transform_indices = #map}, {transform_indices = #map}]} {
    %mul3A = arith.constant 16 : i32
    %mul3A_0 = arith.muli %arg0, %mul3A : i32
    %add3A = arith.addi %mul3A_0, %arg1 : i32
    %mul3A_1 = arith.constant 98304 : i32
    %mul3A_2 = arith.muli %add3A, %mul3A_1 : i32
    %broadcast_in_dim3A = arith.constant 0.000000e+00 : f32
    %broadcast_in_dim3A_3 = vector.broadcast %broadcast_in_dim3A : f32 to vector<16xf32>
    %broadcast_in_dim3A_4 = arith.constant 0 : i32
    %broadcast_in_dim3A_5 = vector.broadcast %broadcast_in_dim3A_4 : i32 to vector<16xi32>
    %scan3A = arith.constant 0 : i32
    %scan3A_6 = arith.constant 0 : i32
    %scan3A_7 = arith.constant 256 : i32
    %scan3A_8 = arith.addi %scan3A_6, %scan3A_7 : i32
    %scan3A_9 = arith.constant 1 : i32
    %scan3A_10 = scf.for %scan3A_101 = %scan3A_6 to %scan3A_8 step %scan3A_9 iter_args(%scan3A_102 = %scan3A) -> (i32)  : i32 {
      %mul3A_103 = arith.constant 16 : i32
      %mul3A_104 = arith.muli %scan3A_101, %mul3A_103 : i32
      %swap3A = arith.index_cast %mul3A_104 : i32 to index
      %swap3A_105 = tpu.vector_load %arg10[%swap3A] {strides = array<i32>} : memref<4096xi32, #tpu.memory_space<vmem>>, vector<16xi32>,
      tpu.vector_store %arg10[%swap3A], %broadcast_in_dim3A_5 {strides = array<i32>} : memref<4096xi32, #tpu.memory_space<vmem>>, vector<16xi32>,
      %scan3A_106 = arith.constant 0 : i32
      scf.yield %scan3A_106 : i32
    }
    %scan3A_11 = arith.constant 256 : i32
    %scan3A_12 = arith.constant 0 : i32
    %scan3A_13 = arith.constant 0 : i32
    %scan3A_14 = arith.constant 897 : i32
    %scan3A_15 = arith.addi %scan3A_13, %scan3A_14 : i32
    %scan3A_16 = arith.constant 1 : i32
    %scan3A_17 = scf.for %scan3A_101 = %scan3A_13 to %scan3A_15 step %scan3A_16 iter_args(%scan3A_102 = %scan3A_12) -> (i32)  : i32 {
      %mul3A_103 = arith.constant 16 : i32
      %mul3A_104 = arith.muli %scan3A_101, %mul3A_103 : i32
      %swap3A = arith.index_cast %mul3A_104 : i32 to index
      %swap3A_105 = tpu.vector_load %arg8[%swap3A] {strides = array<i32>} : memref<14352xf32, #tpu.memory_space<vmem>>, vector<16xf32>,
      tpu.vector_store %arg8[%swap3A], %broadcast_in_dim3A_3 {strides = array<i32>} : memref<14352xf32, #tpu.memory_space<vmem>>, vector<16xf32>,
      %mul3A_106 = arith.constant 16 : i32
      %mul3A_107 = arith.muli %scan3A_101, %mul3A_106 : i32
      %swap3A_108 = arith.index_cast %mul3A_107 : i32 to index
      %swap3A_109 = tpu.vector_load %arg9[%swap3A_108] {strides = array<i32>} : memref<14352xi32, #tpu.memory_space<vmem>>, vector<16xi32>,
      tpu.vector_store %arg9[%swap3A_108], %broadcast_in_dim3A_5 {strides = array<i32>} : memref<14352xi32, #tpu.memory_space<vmem>>, vector<16xi32>,
      %scan3A_110 = arith.constant 0 : i32
      scf.yield %scan3A_110 : i32
    }
    %scan3A_18 = arith.constant 897 : i32
    %mul3A_19 = arith.constant 48 : i32
    %mul3A_20 = arith.muli %add3A, %mul3A_19 : i32
    %dma_start3A = arith.constant 0 : i32
    %dma_start3A_21 = tpu.memref_slice %arg2[%mul3A_20, %dma_start3A] : memref<1536x2048xf32, #tpu.memory_space<hbm>> -> memref<16x2048xf32, #tpu.memory_space<hbm>>
    %dma_start3A_22 = arith.constant 0 : i32
    %dma_start3A_23 = tpu.memref_slice %arg2[%mul3A_20, %dma_start3A_22] : memref<1536x2048xf32, #tpu.memory_space<hbm>> -> memref<16x2048xf32, #tpu.memory_space<hbm>>
    tpu.enqueue_dma source(%dma_start3A_23 : memref<16x2048xf32, #tpu.memory_space<hbm>>) target(%arg6 : memref<16x2048xf32, #tpu.memory_space<vmem>>) target_semaphore(%arg11 : memref<!tpu.dma_semaphore, #tpu.memory_space<semaphore_mem>>)
    %iota3A = tpu.iota {dimensions = array<i32: 0>} : vector<16xi32>
    %mul3A_24 = arith.constant 48 : i32
    %mul3A_25 = arith.muli %add3A, %mul3A_24 : i32
    %add3A_26 = arith.constant 16 : i32
    %add3A_27 = arith.addi %mul3A_25, %add3A_26 : i32
    %dma_start3A_28 = arith.constant 0 : i32
    %dma_start3A_29 = tpu.memref_slice %arg2[%add3A_27, %dma_start3A_28] : memref<1536x2048xf32, #tpu.memory_space<hbm>> -> memref<16x2048xf32, #tpu.memory_space<hbm>>
    %dma_start3A_30 = arith.constant 0 : i32
    %dma_start3A_31 = tpu.memref_slice %arg2[%add3A_27, %dma_start3A_30] : memref<1536x2048xf32, #tpu.memory_space<hbm>> -> memref<16x2048xf32, #tpu.memory_space<hbm>>
    tpu.enqueue_dma source(%dma_start3A_31 : memref<16x2048xf32, #tpu.memory_space<hbm>>) target(%arg7 : memref<16x2048xf32, #tpu.memory_space<vmem>>) target_semaphore(%arg12 : memref<!tpu.dma_semaphore, #tpu.memory_space<semaphore_mem>>)
    %dma_wait3A = arith.constant 0 : i32
    %dma_wait3A_32 = tpu.memref_slice %arg2[%mul3A_20, %dma_wait3A] : memref<1536x2048xf32, #tpu.memory_space<hbm>> -> memref<16x2048xf32, #tpu.memory_space<hbm>>
    %dma_wait3A_33 = arith.constant 0 : i32
    %dma_wait3A_34 = tpu.memref_slice %arg2[%mul3A_20, %dma_wait3A_33] : memref<1536x2048xf32, #tpu.memory_space<hbm>> -> memref<16x2048xf32, #tpu.memory_space<hbm>>
    tpu.wait_dma2 semaphore(%arg11 : memref<!tpu.dma_semaphore, #tpu.memory_space<semaphore_mem>>) src(%dma_wait3A_34 : memref<16x2048xf32, #tpu.memory_space<hbm>>) dst(%arg6 : memref<16x2048xf32, #tpu.memory_space<vmem>>)
    %scan3A_35 = arith.constant 0 : i32
    %scan3A_36 = arith.constant 0 : i32
    %scan3A_37 = arith.constant 16 : i32
    %scan3A_38 = arith.addi %scan3A_36, %scan3A_37 : i32
    %scan3A_39 = arith.constant 1 : i32
    %scan3A_40 = scf.for %scan3A_101 = %scan3A_36 to %scan3A_38 step %scan3A_39 iter_args(%scan3A_102 = %scan3A_35) -> (i32)  : i32 {
      %add3A_103 = arith.constant 0 : i32
      %add3A_104 = arith.addi %mul3A_2, %add3A_103 : i32
      %mul3A_105 = arith.constant 2048 : i32
      %mul3A_106 = arith.muli %scan3A_101, %mul3A_105 : i32
      %add3A_107 = arith.addi %add3A_104, %mul3A_106 : i32
      %scan3A_108 = arith.constant 0 : i32
      %scan3A_109 = arith.constant 8 : i32
      %scan3A_110 = arith.addi %scan3A_108, %scan3A_109 : i32
      %scan3A_111 = arith.constant 1 : i32
      %scan3A_112 = scf.for %scan3A_115 = %scan3A_108 to %scan3A_110 step %scan3A_111 iter_args(%scan3A_116 = %scan3A_102) -> (i32)  : i32 {
        %mul3A_117 = arith.constant 16 : i32
        %mul3A_118 = arith.muli %scan3A_115, %mul3A_117 : i32
        %add3A_119 = arith.constant 0 : i32
        %add3A_120 = arith.addi %mul3A_118, %add3A_119 : i32
        %mul3A_121 = arith.constant 16 : i32
        %mul3A_122 = arith.muli %add3A_120, %mul3A_121 : i32
        %get3A = arith.index_cast %scan3A_101 : i32 to index
        %get3A_123 = arith.index_cast %mul3A_122 : i32 to index
        %get3A_124 = tpu.vector_load %arg6[%get3A, %get3A_123] {strides = array<i32>} : memref<16x2048xf32, #tpu.memory_space<vmem>>, vector<16xf32>,
        %gt3A = arith.constant 5.000000e-01 : f32
        %gt3A_125 = vector.broadcast %gt3A : f32 to vector<16xf32>
        %gt3A_126 = arith.cmpf ogt, %get3A_124, %gt3A_125 : vector<16xf32>
        %convert_element_type3A = arith.extui %gt3A_126 : vector<16xi1> to vector<16xi32>
        %reduce_sum3A = arith.constant true
        %reduce_sum3A_127 = vector.broadcast %reduce_sum3A : i1 to vector<16xi1>
        %reduce_sum3A_128 = tpu.scan <sum>, %convert_element_type3A masked %reduce_sum3A_127 : vector<16xi32>, vector<16xi1> -> vector<16xi32>
        %reduce_sum3A_129 = vector.extract %reduce_sum3A_128[15] : i32 from vector<16xi32>
        %mul3A_130 = arith.constant 16 : i32
        %mul3A_131 = arith.muli %scan3A_115, %mul3A_130 : i32
        %add3A_132 = arith.constant 1 : i32
        %add3A_133 = arith.addi %mul3A_131, %add3A_132 : i32
        %mul3A_134 = arith.constant 16 : i32
        %mul3A_135 = arith.muli %add3A_133, %mul3A_134 : i32
        %get3A_136 = arith.index_cast %scan3A_101 : i32 to index
        %get3A_137 = arith.index_cast %mul3A_135 : i32 to index
        %get3A_138 = tpu.vector_load %arg6[%get3A_136, %get3A_137] {strides = array<i32>} : memref<16x2048xf32, #tpu.memory_space<vmem>>, vector<16xf32>,
        %gt3A_139 = arith.constant 5.000000e-01 : f32
        %gt3A_140 = vector.broadcast %gt3A_139 : f32 to vector<16xf32>
        %gt3A_141 = arith.cmpf ogt, %get3A_138, %gt3A_140 : vector<16xf32>
        %convert_element_type3A_142 = arith.extui %gt3A_141 : vector<16xi1> to vector<16xi32>
        %reduce_sum3A_143 = arith.constant true
        %reduce_sum3A_144 = vector.broadcast %reduce_sum3A_143 : i1 to vector<16xi1>
        %reduce_sum3A_145 = tpu.scan <sum>, %convert_element_type3A_142 masked %reduce_sum3A_144 : vector<16xi32>, vector<16xi1> -> vector<16xi32>
        %reduce_sum3A_146 = vector.extract %reduce_sum3A_145[15] : i32 from vector<16xi32>
        %mul3A_147 = arith.constant 16 : i32
        %mul3A_148 = arith.muli %scan3A_115, %mul3A_147 : i32
        %add3A_149 = arith.constant 2 : i32
        %add3A_150 = arith.addi %mul3A_148, %add3A_149 : i32
        %mul3A_151 = arith.constant 16 : i32
        %mul3A_152 = arith.muli %add3A_150, %mul3A_151 : i32
        %get3A_153 = arith.index_cast %scan3A_101 : i32 to index
        %get3A_154 = arith.index_cast %mul3A_152 : i32 to index
        %get3A_155 = tpu.vector_load %arg6[%get3A_153, %get3A_154] {strides = array<i32>} : memref<16x2048xf32, #tpu.memory_space<vmem>>, vector<16xf32>,
        %gt3A_156 = arith.constant 5.000000e-01 : f32
        %gt3A_157 = vector.broadcast %gt3A_156 : f32 to vector<16xf32>
        %gt3A_158 = arith.cmpf ogt, %get3A_155, %gt3A_157 : vector<16xf32>
        %convert_element_type3A_159 = arith.extui %gt3A_158 : vector<16xi1> to vector<16xi32>
        %reduce_sum3A_160 = arith.constant true
        %reduce_sum3A_161 = vector.broadcast %reduce_sum3A_160 : i1 to vector<16xi1>
        %reduce_sum3A_162 = tpu.scan <sum>, %convert_element_type3A_159 masked %reduce_sum3A_161 : vector<16xi32>, vector<16xi1> -> vector<16xi32>
        %reduce_sum3A_163 = vector.extract %reduce_sum3A_162[15] : i32 from vector<16xi32>
        %mul3A_164 = arith.constant 16 : i32
        %mul3A_165 = arith.muli %scan3A_115, %mul3A_164 : i32
        %add3A_166 = arith.constant 3 : i32
        %add3A_167 = arith.addi %mul3A_165, %add3A_166 : i32
        %mul3A_168 = arith.constant 16 : i32
        %mul3A_169 = arith.muli %add3A_167, %mul3A_168 : i32
        %get3A_170 = arith.index_cast %scan3A_101 : i32 to index
        %get3A_171 = arith.index_cast %mul3A_169 : i32 to index
        %get3A_172 = tpu.vector_load %arg6[%get3A_170, %get3A_171] {strides = array<i32>} : memref<16x2048xf32, #tpu.memory_space<vmem>>, vector<16xf32>,
        %gt3A_173 = arith.constant 5.000000e-01 : f32
        %gt3A_174 = vector.broadcast %gt3A_173 : f32 to vector<16xf32>
        %gt3A_175 = arith.cmpf ogt, %get3A_172, %gt3A_174 : vector<16xf32>
        %convert_element_type3A_176 = arith.extui %gt3A_175 : vector<16xi1> to vector<16xi32>
        %reduce_sum3A_177 = arith.constant true
        %reduce_sum3A_178 = vector.broadcast %reduce_sum3A_177 : i1 to vector<16xi1>
        %reduce_sum3A_179 = tpu.scan <sum>, %convert_element_type3A_176 masked %reduce_sum3A_178 : vector<16xi32>, vector<16xi1> -> vector<16xi32>
        %reduce_sum3A_180 = vector.extract %reduce_sum3A_179[15] : i32 from vector<16xi32>
        %mul3A_181 = arith.constant 16 : i32
        %mul3A_182 = arith.muli %scan3A_115, %mul3A_181 : i32
        %add3A_183 = arith.constant 4 : i32
        %add3A_184 = arith.addi %mul3A_182, %add3A_183 : i32
        %mul3A_185 = arith.constant 16 : i32
        %mul3A_186 = arith.muli %add3A_184, %mul3A_185 : i32
        %get3A_187 = arith.index_cast %scan3A_101 : i32 to index
        %get3A_188 = arith.index_cast %mul3A_186 : i32 to index
        %get3A_189 = tpu.vector_load %arg6[%get3A_187, %get3A_188] {strides = array<i32>} : memref<16x2048xf32, #tpu.memory_space<vmem>>, vector<16xf32>,
        %gt3A_190 = arith.constant 5.000000e-01 : f32
        %gt3A_191 = vector.broadcast %gt3A_190 : f32 to vector<16xf32>
        %gt3A_192 = arith.cmpf ogt, %get3A_189, %gt3A_191 : vector<16xf32>
        %convert_element_type3A_193 = arith.extui %gt3A_192 : vector<16xi1> to vector<16xi32>
        %reduce_sum3A_194 = arith.constant true
        %reduce_sum3A_195 = vector.broadcast %reduce_sum3A_194 : i1 to vector<16xi1>
        %reduce_sum3A_196 = tpu.scan <sum>, %convert_element_type3A_193 masked %reduce_sum3A_195 : vector<16xi32>, vector<16xi1> -> vector<16xi32>
        %reduce_sum3A_197 = vector.extract %reduce_sum3A_196[15] : i32 from vector<16xi32>
        %mul3A_198 = arith.constant 16 : i32
        %mul3A_199 = arith.muli %scan3A_115, %mul3A_198 : i32
        %add3A_200 = arith.constant 5 : i32
        %add3A_201 = arith.addi %mul3A_199, %add3A_200 : i32
        %mul3A_202 = arith.constant 16 : i32
        %mul3A_203 = arith.muli %add3A_201, %mul3A_202 : i32
        %get3A_204 = arith.index_cast %scan3A_101 : i32 to index
        %get3A_205 = arith.index_cast %mul3A_203 : i32 to index
        %get3A_206 = tpu.vector_load %arg6[%get3A_204, %get3A_205] {strides = array<i32>} : memref<16x2048xf32, #tpu.memory_space<vmem>>, vector<16xf32>,
        %gt3A_207 = arith.constant 5.000000e-01 : f32
        %gt3A_208 = vector.broadcast %gt3A_207 : f32 to vector<16xf32>
        %gt3A_209 = arith.cmpf ogt, %get3A_206, %gt3A_208 : vector<16xf32>
        %convert_element_type3A_210 = arith.extui %gt3A_209 : vector<16xi1> to vector<16xi32>
        %reduce_sum3A_211 = arith.constant true
        %reduce_sum3A_212 = vector.broadcast %reduce_sum3A_211 : i1 to vector<16xi1>
        %reduce_sum3A_213 = tpu.scan <sum>, %convert_element_type3A_210 masked %reduce_sum3A_212 : vector<16xi32>, vector<16xi1> -> vector<16xi32>
        %reduce_sum3A_214 = vector.extract %reduce_sum3A_213[15] : i32 from vector<16xi32>
        %mul3A_215 = arith.constant 16 : i32
        %mul3A_216 = arith.muli %scan3A_115, %mul3A_215 : i32
        %add3A_217 = arith.constant 6 : i32
        %add3A_218 = arith.addi %mul3A_216, %add3A_217 : i32
        %mul3A_219 = arith.constant 16 : i32
        %mul3A_220 = arith.muli %add3A_218, %mul3A_219 : i32
        %get3A_221 = arith.index_cast %scan3A_101 : i32 to index
        %get3A_222 = arith.index_cast %mul3A_220 : i32 to index
        %get3A_223 = tpu.vector_load %arg6[%get3A_221, %get3A_222] {strides = array<i32>} : memref<16x2048xf32, #tpu.memory_space<vmem>>, vector<16xf32>,
        %gt3A_224 = arith.constant 5.000000e-01 : f32
        %gt3A_225 = vector.broadcast %gt3A_224 : f32 to vector<16xf32>
        %gt3A_226 = arith.cmpf ogt, %get3A_223, %gt3A_225 : vector<16xf32>
        %convert_element_type3A_227 = arith.extui %gt3A_226 : vector<16xi1> to vector<16xi32>
        %reduce_sum3A_228 = arith.constant true
        %reduce_sum3A_229 = vector.broadcast %reduce_sum3A_228 : i1 to vector<16xi1>
        %reduce_sum3A_230 = tpu.scan <sum>, %convert_element_type3A_227 masked %reduce_sum3A_229 : vector<16xi32>, vector<16xi1> -> vector<16xi32>
        %reduce_sum3A_231 = vector.extract %reduce_sum3A_230[15] : i32 from vector<16xi32>
        %mul3A_232 = arith.constant 16 : i32
        %mul3A_233 = arith.muli %scan3A_115, %mul3A_232 : i32
        %add3A_234 = arith.constant 7 : i32
        %add3A_235 = arith.addi %mul3A_233, %add3A_234 : i32
        %mul3A_236 = arith.constant 16 : i32
        %mul3A_237 = arith.muli %add3A_235, %mul3A_236 : i32
        %get3A_238 = arith.index_cast %scan3A_101 : i32 to index
        %get3A_239 = arith.index_cast %mul3A_237 : i32 to index
        %get3A_240 = tpu.vector_load %arg6[%get3A_238, %get3A_239] {strides = array<i32>} : memref<16x2048xf32, #tpu.memory_space<vmem>>, vector<16xf32>,
        %gt3A_241 = arith.constant 5.000000e-01 : f32
        %gt3A_242 = vector.broadcast %gt3A_241 : f32 to vector<16xf32>
        %gt3A_243 = arith.cmpf ogt, %get3A_240, %gt3A_242 : vector<16xf32>
        %convert_element_type3A_244 = arith.extui %gt3A_243 : vector<16xi1> to vector<16xi32>
        %reduce_sum3A_245 = arith.constant true
        %reduce_sum3A_246 = vector.broadcast %reduce_sum3A_245 : i1 to vector<16xi1>
        %reduce_sum3A_247 = tpu.scan <sum>, %convert_element_type3A_244 masked %reduce_sum3A_246 : vector<16xi32>, vector<16xi1> -> vector<16xi32>
        %reduce_sum3A_248 = vector.extract %reduce_sum3A_247[15] : i32 from vector<16xi32>
        %mul3A_249 = arith.constant 16 : i32
        %mul3A_250 = arith.muli %scan3A_115, %mul3A_249 : i32
        %add3A_251 = arith.constant 8 : i32
        %add3A_252 = arith.addi %mul3A_250, %add3A_251 : i32
        %mul3A_253 = arith.constant 16 : i32
        %mul3A_254 = arith.muli %add3A_252, %mul3A_253 : i32
        %get3A_255 = arith.index_cast %scan3A_101 : i32 to index
        %get3A_256 = arith.index_cast %mul3A_254 : i32 to index
        %get3A_257 = tpu.vector_load %arg6[%get3A_255, %get3A_256] {strides = array<i32>} : memref<16x2048xf32, #tpu.memory_space<vmem>>, vector<16xf32>,
        %gt3A_258 = arith.constant 5.000000e-01 : f32
        %gt3A_259 = vector.broadcast %gt3A_258 : f32 to vector<16xf32>
        %gt3A_260 = arith.cmpf ogt, %get3A_257, %gt3A_259 : vector<16xf32>
        %convert_element_type3A_261 = arith.extui %gt3A_260 : vector<16xi1> to vector<16xi32>
        %reduce_sum3A_262 = arith.constant true
        %reduce_sum3A_263 = vector.broadcast %reduce_sum3A_262 : i1 to vector<16xi1>
        %reduce_sum3A_264 = tpu.scan <sum>, %convert_element_type3A_261 masked %reduce_sum3A_263 : vector<16xi32>, vector<16xi1> -> vector<16xi32>
        %reduce_sum3A_265 = vector.extract %reduce_sum3A_264[15] : i32 from vector<16xi32>
        %mul3A_266 = arith.constant 16 : i32
        %mul3A_267 = arith.muli %scan3A_115, %mul3A_266 : i32
        %add3A_268 = arith.constant 9 : i32
        %add3A_269 = arith.addi %mul3A_267, %add3A_268 : i32
        %mul3A_270 = arith.constant 16 : i32
        %mul3A_271 = arith.muli %add3A_269, %mul3A_270 : i32
        %get3A_272 = arith.index_cast %scan3A_101 : i32 to index
        %get3A_273 = arith.index_cast %mul3A_271 : i32 to index
        %get3A_274 = tpu.vector_load %arg6[%get3A_272, %get3A_273] {strides = array<i32>} : memref<16x2048xf32, #tpu.memory_space<vmem>>, vector<16xf32>,
        %gt3A_275 = arith.constant 5.000000e-01 : f32
        %gt3A_276 = vector.broadcast %gt3A_275 : f32 to vector<16xf32>
        %gt3A_277 = arith.cmpf ogt, %get3A_274, %gt3A_276 : vector<16xf32>
        %convert_element_type3A_278 = arith.extui %gt3A_277 : vector<16xi1> to vector<16xi32>
        %reduce_sum3A_279 = arith.constant true
        %reduce_sum3A_280 = vector.broadcast %reduce_sum3A_279 : i1 to vector<16xi1>
        %reduce_sum3A_281 = tpu.scan <sum>, %convert_element_type3A_278 masked %reduce_sum3A_280 : vector<16xi32>, vector<16xi1> -> vector<16xi32>
        %reduce_sum3A_282 = vector.extract %reduce_sum3A_281[15] : i32 from vector<16xi32>
        %mul3A_283 = arith.constant 16 : i32
        %mul3A_284 = arith.muli %scan3A_115, %mul3A_283 : i32
        %add3A_285 = arith.constant 10 : i32
        %add3A_286 = arith.addi %mul3A_284, %add3A_285 : i32
        %mul3A_287 = arith.constant 16 : i32
        %mul3A_288 = arith.muli %add3A_286, %mul3A_287 : i32
        %get3A_289 = arith.index_cast %scan3A_101 : i32 to index
        %get3A_290 = arith.index_cast %mul3A_288 : i32 to index
        %get3A_291 = tpu.vector_load %arg6[%get3A_289, %get3A_290] {strides = array<i32>} : memref<16x2048xf32, #tpu.memory_space<vmem>>, vector<16xf32>,
        %gt3A_292 = arith.constant 5.000000e-01 : f32
        %gt3A_293 = vector.broadcast %gt3A_292 : f32 to vector<16xf32>
        %gt3A_294 = arith.cmpf ogt, %get3A_291, %gt3A_293 : vector<16xf32>
        %convert_element_type3A_295 = arith.extui %gt3A_294 : vector<16xi1> to vector<16xi32>
        %reduce_sum3A_296 = arith.constant true
        %reduce_sum3A_297 = vector.broadcast %reduce_sum3A_296 : i1 to vector<16xi1>
        %reduce_sum3A_298 = tpu.scan <sum>, %convert_element_type3A_295 masked %reduce_sum3A_297 : vector<16xi32>, vector<16xi1> -> vector<16xi32>
        %reduce_sum3A_299 = vector.extract %reduce_sum3A_298[15] : i32 from vector<16xi32>
        %mul3A_300 = arith.constant 16 : i32
        %mul3A_301 = arith.muli %scan3A_115, %mul3A_300 : i32
        %add3A_302 = arith.constant 11 : i32
        %add3A_303 = arith.addi %mul3A_301, %add3A_302 : i32
        %mul3A_304 = arith.constant 16 : i32
        %mul3A_305 = arith.muli %add3A_303, %mul3A_304 : i32
        %get3A_306 = arith.index_cast %scan3A_101 : i32 to index
        %get3A_307 = arith.index_cast %mul3A_305 : i32 to index
        %get3A_308 = tpu.vector_load %arg6[%get3A_306, %get3A_307] {strides = array<i32>} : memref<16x2048xf32, #tpu.memory_space<vmem>>, vector<16xf32>,
        %gt3A_309 = arith.constant 5.000000e-01 : f32
        %gt3A_310 = vector.broadcast %gt3A_309 : f32 to vector<16xf32>
        %gt3A_311 = arith.cmpf ogt, %get3A_308, %gt3A_310 : vector<16xf32>
        %convert_element_type3A_312 = arith.extui %gt3A_311 : vector<16xi1> to vector<16xi32>
        %reduce_sum3A_313 = arith.constant true
        %reduce_sum3A_314 = vector.broadcast %reduce_sum3A_313 : i1 to vector<16xi1>
        %reduce_sum3A_315 = tpu.scan <sum>, %convert_element_type3A_312 masked %reduce_sum3A_314 : vector<16xi32>, vector<16xi1> -> vector<16xi32>
        %reduce_sum3A_316 = vector.extract %reduce_sum3A_315[15] : i32 from vector<16xi32>
        %mul3A_317 = arith.constant 16 : i32
        %mul3A_318 = arith.muli %scan3A_115, %mul3A_317 : i32
        %add3A_319 = arith.constant 12 : i32
        %add3A_320 = arith.addi %mul3A_318, %add3A_319 : i32
        %mul3A_321 = arith.constant 16 : i32
        %mul3A_322 = arith.muli %add3A_320, %mul3A_321 : i32
        %get3A_323 = arith.index_cast %scan3A_101 : i32 to index
        %get3A_324 = arith.index_cast %mul3A_322 : i32 to index
        %get3A_325 = tpu.vector_load %arg6[%get3A_323, %get3A_324] {strides = array<i32>} : memref<16x2048xf32, #tpu.memory_space<vmem>>, vector<16xf32>,
        %gt3A_326 = arith.constant 5.000000e-01 : f32
        %gt3A_327 = vector.broadcast %gt3A_326 : f32 to vector<16xf32>
        %gt3A_328 = arith.cmpf ogt, %get3A_325, %gt3A_327 : vector<16xf32>
        %convert_element_type3A_329 = arith.extui %gt3A_328 : vector<16xi1> to vector<16xi32>
        %reduce_sum3A_330 = arith.constant true
        %reduce_sum3A_331 = vector.broadcast %reduce_sum3A_330 : i1 to vector<16xi1>
        %reduce_sum3A_332 = tpu.scan <sum>, %convert_element_type3A_329 masked %reduce_sum3A_331 : vector<16xi32>, vector<16xi1> -> vector<16xi32>
        %reduce_sum3A_333 = vector.extract %reduce_sum3A_332[15] : i32 from vector<16xi32>
        %mul3A_334 = arith.constant 16 : i32
        %mul3A_335 = arith.muli %scan3A_115, %mul3A_334 : i32
        %add3A_336 = arith.constant 13 : i32
        %add3A_337 = arith.addi %mul3A_335, %add3A_336 : i32
        %mul3A_338 = arith.constant 16 : i32
        %mul3A_339 = arith.muli %add3A_337, %mul3A_338 : i32
        %get3A_340 = arith.index_cast %scan3A_101 : i32 to index
        %get3A_341 = arith.index_cast %mul3A_339 : i32 to index
        %get3A_342 = tpu.vector_load %arg6[%get3A_340, %get3A_341] {strides = array<i32>} : memref<16x2048xf32, #tpu.memory_space<vmem>>, vector<16xf32>,
        %gt3A_343 = arith.constant 5.000000e-01 : f32
        %gt3A_344 = vector.broadcast %gt3A_343 : f32 to vector<16xf32>
        %gt3A_345 = arith.cmpf ogt, %get3A_342, %gt3A_344 : vector<16xf32>
        %convert_element_type3A_346 = arith.extui %gt3A_345 : vector<16xi1> to vector<16xi32>
        %reduce_sum3A_347 = arith.constant true
        %reduce_sum3A_348 = vector.broadcast %reduce_sum3A_347 : i1 to vector<16xi1>
        %reduce_sum3A_349 = tpu.scan <sum>, %convert_element_type3A_346 masked %reduce_sum3A_348 : vector<16xi32>, vector<16xi1> -> vector<16xi32>
        %reduce_sum3A_350 = vector.extract %reduce_sum3A_349[15] : i32 from vector<16xi32>
        %mul3A_351 = arith.constant 16 : i32
        %mul3A_352 = arith.muli %scan3A_115, %mul3A_351 : i32
        %add3A_353 = arith.constant 14 : i32
        %add3A_354 = arith.addi %mul3A_352, %add3A_353 : i32
        %mul3A_355 = arith.constant 16 : i32
        %mul3A_356 = arith.muli %add3A_354, %mul3A_355 : i32
        %get3A_357 = arith.index_cast %scan3A_101 : i32 to index
        %get3A_358 = arith.index_cast %mul3A_356 : i32 to index
        %get3A_359 = tpu.vector_load %arg6[%get3A_357, %get3A_358] {strides = array<i32>} : memref<16x2048xf32, #tpu.memory_space<vmem>>, vector<16xf32>,
        %gt3A_360 = arith.constant 5.000000e-01 : f32
        %gt3A_361 = vector.broadcast %gt3A_360 : f32 to vector<16xf32>
        %gt3A_362 = arith.cmpf ogt, %get3A_359, %gt3A_361 : vector<16xf32>
        %convert_element_type3A_363 = arith.extui %gt3A_362 : vector<16xi1> to vector<16xi32>
        %reduce_sum3A_364 = arith.constant true
        %reduce_sum3A_365 = vector.broadcast %reduce_sum3A_364 : i1 to vector<16xi1>
        %reduce_sum3A_366 = tpu.scan <sum>, %convert_element_type3A_363 masked %reduce_sum3A_365 : vector<16xi32>, vector<16xi1> -> vector<16xi32>
        %reduce_sum3A_367 = vector.extract %reduce_sum3A_366[15] : i32 from vector<16xi32>
        %mul3A_368 = arith.constant 16 : i32
        %mul3A_369 = arith.muli %scan3A_115, %mul3A_368 : i32
        %add3A_370 = arith.constant 15 : i32
        %add3A_371 = arith.addi %mul3A_369, %add3A_370 : i32
        %mul3A_372 = arith.constant 16 : i32
        %mul3A_373 = arith.muli %add3A_371, %mul3A_372 : i32
        %get3A_374 = arith.index_cast %scan3A_101 : i32 to index
        %get3A_375 = arith.index_cast %mul3A_373 : i32 to index
        %get3A_376 = tpu.vector_load %arg6[%get3A_374, %get3A_375] {strides = array<i32>} : memref<16x2048xf32, #tpu.memory_space<vmem>>, vector<16xf32>,
        %gt3A_377 = arith.constant 5.000000e-01 : f32
        %gt3A_378 = vector.broadcast %gt3A_377 : f32 to vector<16xf32>
        %gt3A_379 = arith.cmpf ogt, %get3A_376, %gt3A_378 : vector<16xf32>
        %convert_element_type3A_380 = arith.extui %gt3A_379 : vector<16xi1> to vector<16xi32>
        %reduce_sum3A_381 = arith.constant true
        %reduce_sum3A_382 = vector.broadcast %reduce_sum3A_381 : i1 to vector<16xi1>
        %reduce_sum3A_383 = tpu.scan <sum>, %convert_element_type3A_380 masked %reduce_sum3A_382 : vector<16xi32>, vector<16xi1> -> vector<16xi32>
        %reduce_sum3A_384 = vector.extract %reduce_sum3A_383[15] : i32 from vector<16xi32>
        %mul3A_385 = arith.constant 16 : i32
        %mul3A_386 = arith.muli %scan3A_115, %mul3A_385 : i32
        %add3A_387 = arith.constant 0 : i32
        %add3A_388 = arith.addi %mul3A_386, %add3A_387 : i32
        %mul3A_389 = arith.constant 16 : i32
        %mul3A_390 = arith.muli %add3A_388, %mul3A_389 : i32
        %add3A_391 = arith.addi %add3A_107, %mul3A_390 : i32
        %add3A_392 = vector.broadcast %add3A_391 : i32 to vector<16xi32>
        %add3A_393 = arith.addi %add3A_392, %iota3A : vector<16xi32>
        %swap3A = arith.index_cast %scan3A_116 : i32 to index
        %swap3A_394 = tpu.vector_load %arg8[%swap3A] masked %gt3A_126 {strides = array<i32>} : memref<14352xf32, #tpu.memory_space<vmem>>, vector<16xf32>, vector<16xi1>
        tpu.vector_store %arg8[%swap3A], %get3A_124 masked %gt3A_126 {strides = array<i32>} : memref<14352xf32, #tpu.memory_space<vmem>>, vector<16xf32>, vector<16xi1>
        %swap3A_395 = arith.index_cast %scan3A_116 : i32 to index
        %swap3A_396 = tpu.vector_load %arg9[%swap3A_395] masked %gt3A_126 {strides = array<i32>} : memref<14352xi32, #tpu.memory_space<vmem>>, vector<16xi32>, vector<16xi1>
        tpu.vector_store %arg9[%swap3A_395], %add3A_393 masked %gt3A_126 {strides = array<i32>} : memref<14352xi32, #tpu.memory_space<vmem>>, vector<16xi32>, vector<16xi1>
        %add3A_397 = arith.addi %scan3A_116, %reduce_sum3A_129 : i32
        %mul3A_398 = arith.constant 16 : i32
        %mul3A_399 = arith.muli %scan3A_115, %mul3A_398 : i32
        %add3A_400 = arith.constant 1 : i32
        %add3A_401 = arith.addi %mul3A_399, %add3A_400 : i32
        %mul3A_402 = arith.constant 16 : i32
        %mul3A_403 = arith.muli %add3A_401, %mul3A_402 : i32
        %add3A_404 = arith.addi %add3A_107, %mul3A_403 : i32
        %add3A_405 = vector.broadcast %add3A_404 : i32 to vector<16xi32>
        %add3A_406 = arith.addi %add3A_405, %iota3A : vector<16xi32>
        %swap3A_407 = arith.index_cast %add3A_397 : i32 to index
        %swap3A_408 = tpu.vector_load %arg8[%swap3A_407] masked %gt3A_141 {strides = array<i32>} : memref<14352xf32, #tpu.memory_space<vmem>>, vector<16xf32>, vector<16xi1>
        tpu.vector_store %arg8[%swap3A_407], %get3A_138 masked %gt3A_141 {strides = array<i32>} : memref<14352xf32, #tpu.memory_space<vmem>>, vector<16xf32>, vector<16xi1>
        %swap3A_409 = arith.index_cast %add3A_397 : i32 to index
        %swap3A_410 = tpu.vector_load %arg9[%swap3A_409] masked %gt3A_141 {strides = array<i32>} : memref<14352xi32, #tpu.memory_space<vmem>>, vector<16xi32>, vector<16xi1>
        tpu.vector_store %arg9[%swap3A_409], %add3A_406 masked %gt3A_141 {strides = array<i32>} : memref<14352xi32, #tpu.memory_space<vmem>>, vector<16xi32>, vector<16xi1>
        %add3A_411 = arith.addi %add3A_397, %reduce_sum3A_146 : i32
        %mul3A_412 = arith.constant 16 : i32
        %mul3A_413 = arith.muli %scan3A_115, %mul3A_412 : i32
        %add3A_414 = arith.constant 2 : i32
        %add3A_415 = arith.addi %mul3A_413, %add3A_414 : i32
        %mul3A_416 = arith.constant 16 : i32
        %mul3A_417 = arith.muli %add3A_415, %mul3A_416 : i32
        %add3A_418 = arith.addi %add3A_107, %mul3A_417 : i32
        %add3A_419 = vector.broadcast %add3A_418 : i32 to vector<16xi32>
        %add3A_420 = arith.addi %add3A_419, %iota3A : vector<16xi32>
        %swap3A_421 = arith.index_cast %add3A_411 : i32 to index
        %swap3A_422 = tpu.vector_load %arg8[%swap3A_421] masked %gt3A_158 {strides = array<i32>} : memref<14352xf32, #tpu.memory_space<vmem>>, vector<16xf32>, vector<16xi1>
        tpu.vector_store %arg8[%swap3A_421], %get3A_155 masked %gt3A_158 {strides = array<i32>} : memref<14352xf32, #tpu.memory_space<vmem>>, vector<16xf32>, vector<16xi1>
        %swap3A_423 = arith.index_cast %add3A_411 : i32 to index
        %swap3A_424 = tpu.vector_load %arg9[%swap3A_423] masked %gt3A_158 {strides = array<i32>} : memref<14352xi32, #tpu.memory_space<vmem>>, vector<16xi32>, vector<16xi1>
        tpu.vector_store %arg9[%swap3A_423], %add3A_420 masked %gt3A_158 {strides = array<i32>} : memref<14352xi32, #tpu.memory_space<vmem>>, vector<16xi32>, vector<16xi1>
        %add3A_425 = arith.addi %add3A_411, %reduce_sum3A_163 : i32
        %mul3A_426 = arith.constant 16 : i32
        %mul3A_427 = arith.muli %scan3A_115, %mul3A_426 : i32
        %add3A_428 = arith.constant 3 : i32
        %add3A_429 = arith.addi %mul3A_427, %add3A_428 : i32
        %mul3A_430 = arith.constant 16 : i32
        %mul3A_431 = arith.muli %add3A_429, %mul3A_430 : i32
        %add3A_432 = arith.addi %add3A_107, %mul3A_431 : i32
        %add3A_433 = vector.broadcast %add3A_432 : i32 to vector<16xi32>
        %add3A_434 = arith.addi %add3A_433, %iota3A : vector<16xi32>
        %swap3A_435 = arith.index_cast %add3A_425 : i32 to index
        %swap3A_436 = tpu.vector_load %arg8[%swap3A_435] masked %gt3A_175 {strides = array<i32>} : memref<14352xf32, #tpu.memory_space<vmem>>, vector<16xf32>, vector<16xi1>
        tpu.vector_store %arg8[%swap3A_435], %get3A_172 masked %gt3A_175 {strides = array<i32>} : memref<14352xf32, #tpu.memory_space<vmem>>, vector<16xf32>, vector<16xi1>
        %swap3A_437 = arith.index_cast %add3A_425 : i32 to index
        %swap3A_438 = tpu.vector_load %arg9[%swap3A_437] masked %gt3A_175 {strides = array<i32>} : memref<14352xi32, #tpu.memory_space<vmem>>, vector<16xi32>, vector<16xi1>
        tpu.vector_store %arg9[%swap3A_437], %add3A_434 masked %gt3A_175 {strides = array<i32>} : memref<14352xi32, #tpu.memory_space<vmem>>, vector<16xi32>, vector<16xi1>
        %add3A_439 = arith.addi %add3A_425, %reduce_sum3A_180 : i32
        %mul3A_440 = arith.constant 16 : i32
        %mul3A_441 = arith.muli %scan3A_115, %mul3A_440 : i32
        %add3A_442 = arith.constant 4 : i32
        %add3A_443 = arith.addi %mul3A_441, %add3A_442 : i32
        %mul3A_444 = arith.constant 16 : i32
        %mul3A_445 = arith.muli %add3A_443, %mul3A_444 : i32
        %add3A_446 = arith.addi %add3A_107, %mul3A_445 : i32
        %add3A_447 = vector.broadcast %add3A_446 : i32 to vector<16xi32>
        %add3A_448 = arith.addi %add3A_447, %iota3A : vector<16xi32>
        %swap3A_449 = arith.index_cast %add3A_439 : i32 to index
        %swap3A_450 = tpu.vector_load %arg8[%swap3A_449] masked %gt3A_192 {strides = array<i32>} : memref<14352xf32, #tpu.memory_space<vmem>>, vector<16xf32>, vector<16xi1>
        tpu.vector_store %arg8[%swap3A_449], %get3A_189 masked %gt3A_192 {strides = array<i32>} : memref<14352xf32, #tpu.memory_space<vmem>>, vector<16xf32>, vector<16xi1>
        %swap3A_451 = arith.index_cast %add3A_439 : i32 to index
        %swap3A_452 = tpu.vector_load %arg9[%swap3A_451] masked %gt3A_192 {strides = array<i32>} : memref<14352xi32, #tpu.memory_space<vmem>>, vector<16xi32>, vector<16xi1>
        tpu.vector_store %arg9[%swap3A_451], %add3A_448 masked %gt3A_192 {strides = array<i32>} : memref<14352xi32, #tpu.memory_space<vmem>>, vector<16xi32>, vector<16xi1>
        %add3A_453 = arith.addi %add3A_439, %reduce_sum3A_197 : i32
        %mul3A_454 = arith.constant 16 : i32
        %mul3A_455 = arith.muli %scan3A_115, %mul3A_454 : i32
        %add3A_456 = arith.constant 5 : i32
        %add3A_457 = arith.addi %mul3A_455, %add3A_456 : i32
        %mul3A_458 = arith.constant 16 : i32
        %mul3A_459 = arith.muli %add3A_457, %mul3A_458 : i32
        %add3A_460 = arith.addi %add3A_107, %mul3A_459 : i32
        %add3A_461 = vector.broadcast %add3A_460 : i32 to vector<16xi32>
        %add3A_462 = arith.addi %add3A_461, %iota3A : vector<16xi32>
        %swap3A_463 = arith.index_cast %add3A_453 : i32 to index
        %swap3A_464 = tpu.vector_load %arg8[%swap3A_463] masked %gt3A_209 {strides = array<i32>} : memref<14352xf32, #tpu.memory_space<vmem>>, vector<16xf32>, vector<16xi1>
        tpu.vector_store %arg8[%swap3A_463], %get3A_206 masked %gt3A_209 {strides = array<i32>} : memref<14352xf32, #tpu.memory_space<vmem>>, vector<16xf32>, vector<16xi1>
        %swap3A_465 = arith.index_cast %add3A_453 : i32 to index
        %swap3A_466 = tpu.vector_load %arg9[%swap3A_465] masked %gt3A_209 {strides = array<i32>} : memref<14352xi32, #tpu.memory_space<vmem>>, vector<16xi32>, vector<16xi1>
        tpu.vector_store %arg9[%swap3A_465], %add3A_462 masked %gt3A_209 {strides = array<i32>} : memref<14352xi32, #tpu.memory_space<vmem>>, vector<16xi32>, vector<16xi1>
        %add3A_467 = arith.addi %add3A_453, %reduce_sum3A_214 : i32
        %mul3A_468 = arith.constant 16 : i32
        %mul3A_469 = arith.muli %scan3A_115, %mul3A_468 : i32
        %add3A_470 = arith.constant 6 : i32
        %add3A_471 = arith.addi %mul3A_469, %add3A_470 : i32
        %mul3A_472 = arith.constant 16 : i32
        %mul3A_473 = arith.muli %add3A_471, %mul3A_472 : i32
        %add3A_474 = arith.addi %add3A_107, %mul3A_473 : i32
        %add3A_475 = vector.broadcast %add3A_474 : i32 to vector<16xi32>
        %add3A_476 = arith.addi %add3A_475, %iota3A : vector<16xi32>
        %swap3A_477 = arith.index_cast %add3A_467 : i32 to index
        %swap3A_478 = tpu.vector_load %arg8[%swap3A_477] masked %gt3A_226 {strides = array<i32>} : memref<14352xf32, #tpu.memory_space<vmem>>, vector<16xf32>, vector<16xi1>
        tpu.vector_store %arg8[%swap3A_477], %get3A_223 masked %gt3A_226 {strides = array<i32>} : memref<14352xf32, #tpu.memory_space<vmem>>, vector<16xf32>, vector<16xi1>
        %swap3A_479 = arith.index_cast %add3A_467 : i32 to index
        %swap3A_480 = tpu.vector_load %arg9[%swap3A_479] masked %gt3A_226 {strides = array<i32>} : memref<14352xi32, #tpu.memory_space<vmem>>, vector<16xi32>, vector<16xi1>
        tpu.vector_store %arg9[%swap3A_479], %add3A_476 masked %gt3A_226 {strides = array<i32>} : memref<14352xi32, #tpu.memory_space<vmem>>, vector<16xi32>, vector<16xi1>
        %add3A_481 = arith.addi %add3A_467, %reduce_sum3A_231 : i32
        %mul3A_482 = arith.constant 16 : i32
        %mul3A_483 = arith.muli %scan3A_115, %mul3A_482 : i32
        %add3A_484 = arith.constant 7 : i32
        %add3A_485 = arith.addi %mul3A_483, %add3A_484 : i32
        %mul3A_486 = arith.constant 16 : i32
        %mul3A_487 = arith.muli %add3A_485, %mul3A_486 : i32
        %add3A_488 = arith.addi %add3A_107, %mul3A_487 : i32
        %add3A_489 = vector.broadcast %add3A_488 : i32 to vector<16xi32>
        %add3A_490 = arith.addi %add3A_489, %iota3A : vector<16xi32>
        %swap3A_491 = arith.index_cast %add3A_481 : i32 to index
        %swap3A_492 = tpu.vector_load %arg8[%swap3A_491] masked %gt3A_243 {strides = array<i32>} : memref<14352xf32, #tpu.memory_space<vmem>>, vector<16xf32>, vector<16xi1>
        tpu.vector_store %arg8[%swap3A_491], %get3A_240 masked %gt3A_243 {strides = array<i32>} : memref<14352xf32, #tpu.memory_space<vmem>>, vector<16xf32>, vector<16xi1>
        %swap3A_493 = arith.index_cast %add3A_481 : i32 to index
        %swap3A_494 = tpu.vector_load %arg9[%swap3A_493] masked %gt3A_243 {strides = array<i32>} : memref<14352xi32, #tpu.memory_space<vmem>>, vector<16xi32>, vector<16xi1>
        tpu.vector_store %arg9[%swap3A_493], %add3A_490 masked %gt3A_243 {strides = array<i32>} : memref<14352xi32, #tpu.memory_space<vmem>>, vector<16xi32>, vector<16xi1>
        %add3A_495 = arith.addi %add3A_481, %reduce_sum3A_248 : i32
        %mul3A_496 = arith.constant 16 : i32
        %mul3A_497 = arith.muli %scan3A_115, %mul3A_496 : i32
        %add3A_498 = arith.constant 8 : i32
        %add3A_499 = arith.addi %mul3A_497, %add3A_498 : i32
        %mul3A_500 = arith.constant 16 : i32
        %mul3A_501 = arith.muli %add3A_499, %mul3A_500 : i32
        %add3A_502 = arith.addi %add3A_107, %mul3A_501 : i32
        %add3A_503 = vector.broadcast %add3A_502 : i32 to vector<16xi32>
        %add3A_504 = arith.addi %add3A_503, %iota3A : vector<16xi32>
        %swap3A_505 = arith.index_cast %add3A_495 : i32 to index
        %swap3A_506 = tpu.vector_load %arg8[%swap3A_505] masked %gt3A_260 {strides = array<i32>} : memref<14352xf32, #tpu.memory_space<vmem>>, vector<16xf32>, vector<16xi1>
        tpu.vector_store %arg8[%swap3A_505], %get3A_257 masked %gt3A_260 {strides = array<i32>} : memref<14352xf32, #tpu.memory_space<vmem>>, vector<16xf32>, vector<16xi1>
        %swap3A_507 = arith.index_cast %add3A_495 : i32 to index
        %swap3A_508 = tpu.vector_load %arg9[%swap3A_507] masked %gt3A_260 {strides = array<i32>} : memref<14352xi32, #tpu.memory_space<vmem>>, vector<16xi32>, vector<16xi1>
        tpu.vector_store %arg9[%swap3A_507], %add3A_504 masked %gt3A_260 {strides = array<i32>} : memref<14352xi32, #tpu.memory_space<vmem>>, vector<16xi32>, vector<16xi1>
        %add3A_509 = arith.addi %add3A_495, %reduce_sum3A_265 : i32
        %mul3A_510 = arith.constant 16 : i32
        %mul3A_511 = arith.muli %scan3A_115, %mul3A_510 : i32
        %add3A_512 = arith.constant 9 : i32
        %add3A_513 = arith.addi %mul3A_511, %add3A_512 : i32
        %mul3A_514 = arith.constant 16 : i32
        %mul3A_515 = arith.muli %add3A_513, %mul3A_514 : i32
        %add3A_516 = arith.addi %add3A_107, %mul3A_515 : i32
        %add3A_517 = vector.broadcast %add3A_516 : i32 to vector<16xi32>
        %add3A_518 = arith.addi %add3A_517, %iota3A : vector<16xi32>
        %swap3A_519 = arith.index_cast %add3A_509 : i32 to index
        %swap3A_520 = tpu.vector_load %arg8[%swap3A_519] masked %gt3A_277 {strides = array<i32>} : memref<14352xf32, #tpu.memory_space<vmem>>, vector<16xf32>, vector<16xi1>
        tpu.vector_store %arg8[%swap3A_519], %get3A_274 masked %gt3A_277 {strides = array<i32>} : memref<14352xf32, #tpu.memory_space<vmem>>, vector<16xf32>, vector<16xi1>
        %swap3A_521 = arith.index_cast %add3A_509 : i32 to index
        %swap3A_522 = tpu.vector_load %arg9[%swap3A_521] masked %gt3A_277 {strides = array<i32>} : memref<14352xi32, #tpu.memory_space<vmem>>, vector<16xi32>, vector<16xi1>
        tpu.vector_store %arg9[%swap3A_521], %add3A_518 masked %gt3A_277 {strides = array<i32>} : memref<14352xi32, #tpu.memory_space<vmem>>, vector<16xi32>, vector<16xi1>
        %add3A_523 = arith.addi %add3A_509, %reduce_sum3A_282 : i32
        %mul3A_524 = arith.constant 16 : i32
        %mul3A_525 = arith.muli %scan3A_115, %mul3A_524 : i32
        %add3A_526 = arith.constant 10 : i32
        %add3A_527 = arith.addi %mul3A_525, %add3A_526 : i32
        %mul3A_528 = arith.constant 16 : i32
        %mul3A_529 = arith.muli %add3A_527, %mul3A_528 : i32
        %add3A_530 = arith.addi %add3A_107, %mul3A_529 : i32
        %add3A_531 = vector.broadcast %add3A_530 : i32 to vector<16xi32>
        %add3A_532 = arith.addi %add3A_531, %iota3A : vector<16xi32>
        %swap3A_533 = arith.index_cast %add3A_523 : i32 to index
        %swap3A_534 = tpu.vector_load %arg8[%swap3A_533] masked %gt3A_294 {strides = array<i32>} : memref<14352xf32, #tpu.memory_space<vmem>>, vector<16xf32>, vector<16xi1>
        tpu.vector_store %arg8[%swap3A_533], %get3A_291 masked %gt3A_294 {strides = array<i32>} : memref<14352xf32, #tpu.memory_space<vmem>>, vector<16xf32>, vector<16xi1>
        %swap3A_535 = arith.index_cast %add3A_523 : i32 to index
        %swap3A_536 = tpu.vector_load %arg9[%swap3A_535] masked %gt3A_294 {strides = array<i32>} : memref<14352xi32, #tpu.memory_space<vmem>>, vector<16xi32>, vector<16xi1>
        tpu.vector_store %arg9[%swap3A_535], %add3A_532 masked %gt3A_294 {strides = array<i32>} : memref<14352xi32, #tpu.memory_space<vmem>>, vector<16xi32>, vector<16xi1>
        %add3A_537 = arith.addi %add3A_523, %reduce_sum3A_299 : i32
        %mul3A_538 = arith.constant 16 : i32
        %mul3A_539 = arith.muli %scan3A_115, %mul3A_538 : i32
        %add3A_540 = arith.constant 11 : i32
        %add3A_541 = arith.addi %mul3A_539, %add3A_540 : i32
        %mul3A_542 = arith.constant 16 : i32
        %mul3A_543 = arith.muli %add3A_541, %mul3A_542 : i32
        %add3A_544 = arith.addi %add3A_107, %mul3A_543 : i32
        %add3A_545 = vector.broadcast %add3A_544 : i32 to vector<16xi32>
        %add3A_546 = arith.addi %add3A_545, %iota3A : vector<16xi32>
        %swap3A_547 = arith.index_cast %add3A_537 : i32 to index
        %swap3A_548 = tpu.vector_load %arg8[%swap3A_547] masked %gt3A_311 {strides = array<i32>} : memref<14352xf32, #tpu.memory_space<vmem>>, vector<16xf32>, vector<16xi1>
        tpu.vector_store %arg8[%swap3A_547], %get3A_308 masked %gt3A_311 {strides = array<i32>} : memref<14352xf32, #tpu.memory_space<vmem>>, vector<16xf32>, vector<16xi1>
        %swap3A_549 = arith.index_cast %add3A_537 : i32 to index
        %swap3A_550 = tpu.vector_load %arg9[%swap3A_549] masked %gt3A_311 {strides = array<i32>} : memref<14352xi32, #tpu.memory_space<vmem>>, vector<16xi32>, vector<16xi1>
        tpu.vector_store %arg9[%swap3A_549], %add3A_546 masked %gt3A_311 {strides = array<i32>} : memref<14352xi32, #tpu.memory_space<vmem>>, vector<16xi32>, vector<16xi1>
        %add3A_551 = arith.addi %add3A_537, %reduce_sum3A_316 : i32
        %mul3A_552 = arith.constant 16 : i32
        %mul3A_553 = arith.muli %scan3A_115, %mul3A_552 : i32
        %add3A_554 = arith.constant 12 : i32
        %add3A_555 = arith.addi %mul3A_553, %add3A_554 : i32
        %mul3A_556 = arith.constant 16 : i32
        %mul3A_557 = arith.muli %add3A_555, %mul3A_556 : i32
        %add3A_558 = arith.addi %add3A_107, %mul3A_557 : i32
        %add3A_559 = vector.broadcast %add3A_558 : i32 to vector<16xi32>
        %add3A_560 = arith.addi %add3A_559, %iota3A : vector<16xi32>
        %swap3A_561 = arith.index_cast %add3A_551 : i32 to index
        %swap3A_562 = tpu.vector_load %arg8[%swap3A_561] masked %gt3A_328 {strides = array<i32>} : memref<14352xf32, #tpu.memory_space<vmem>>, vector<16xf32>, vector<16xi1>
        tpu.vector_store %arg8[%swap3A_561], %get3A_325 masked %gt3A_328 {strides = array<i32>} : memref<14352xf32, #tpu.memory_space<vmem>>, vector<16xf32>, vector<16xi1>
        %swap3A_563 = arith.index_cast %add3A_551 : i32 to index
        %swap3A_564 = tpu.vector_load %arg9[%swap3A_563] masked %gt3A_328 {strides = array<i32>} : memref<14352xi32, #tpu.memory_space<vmem>>, vector<16xi32>, vector<16xi1>
        tpu.vector_store %arg9[%swap3A_563], %add3A_560 masked %gt3A_328 {strides = array<i32>} : memref<14352xi32, #tpu.memory_space<vmem>>, vector<16xi32>, vector<16xi1>
        %add3A_565 = arith.addi %add3A_551, %reduce_sum3A_333 : i32
        %mul3A_566 = arith.constant 16 : i32
        %mul3A_567 = arith.muli %scan3A_115, %mul3A_566 : i32
        %add3A_568 = arith.constant 13 : i32
        %add3A_569 = arith.addi %mul3A_567, %add3A_568 : i32
        %mul3A_570 = arith.constant 16 : i32
        %mul3A_571 = arith.muli %add3A_569, %mul3A_570 : i32
        %add3A_572 = arith.addi %add3A_107, %mul3A_571 : i32
        %add3A_573 = vector.broadcast %add3A_572 : i32 to vector<16xi32>
        %add3A_574 = arith.addi %add3A_573, %iota3A : vector<16xi32>
        %swap3A_575 = arith.index_cast %add3A_565 : i32 to index
        %swap3A_576 = tpu.vector_load %arg8[%swap3A_575] masked %gt3A_345 {strides = array<i32>} : memref<14352xf32, #tpu.memory_space<vmem>>, vector<16xf32>, vector<16xi1>
        tpu.vector_store %arg8[%swap3A_575], %get3A_342 masked %gt3A_345 {strides = array<i32>} : memref<14352xf32, #tpu.memory_space<vmem>>, vector<16xf32>, vector<16xi1>
        %swap3A_577 = arith.index_cast %add3A_565 : i32 to index
        %swap3A_578 = tpu.vector_load %arg9[%swap3A_577] masked %gt3A_345 {strides = array<i32>} : memref<14352xi32, #tpu.memory_space<vmem>>, vector<16xi32>, vector<16xi1>
        tpu.vector_store %arg9[%swap3A_577], %add3A_574 masked %gt3A_345 {strides = array<i32>} : memref<14352xi32, #tpu.memory_space<vmem>>, vector<16xi32>, vector<16xi1>
        %add3A_579 = arith.addi %add3A_565, %reduce_sum3A_350 : i32
        %mul3A_580 = arith.constant 16 : i32
        %mul3A_581 = arith.muli %scan3A_115, %mul3A_580 : i32
        %add3A_582 = arith.constant 14 : i32
        %add3A_583 = arith.addi %mul3A_581, %add3A_582 : i32
        %mul3A_584 = arith.constant 16 : i32
        %mul3A_585 = arith.muli %add3A_583, %mul3A_584 : i32
        %add3A_586 = arith.addi %add3A_107, %mul3A_585 : i32
        %add3A_587 = vector.broadcast %add3A_586 : i32 to vector<16xi32>
        %add3A_588 = arith.addi %add3A_587, %iota3A : vector<16xi32>
        %swap3A_589 = arith.index_cast %add3A_579 : i32 to index
        %swap3A_590 = tpu.vector_load %arg8[%swap3A_589] masked %gt3A_362 {strides = array<i32>} : memref<14352xf32, #tpu.memory_space<vmem>>, vector<16xf32>, vector<16xi1>
        tpu.vector_store %arg8[%swap3A_589], %get3A_359 masked %gt3A_362 {strides = array<i32>} : memref<14352xf32, #tpu.memory_space<vmem>>, vector<16xf32>, vector<16xi1>
        %swap3A_591 = arith.index_cast %add3A_579 : i32 to index
        %swap3A_592 = tpu.vector_load %arg9[%swap3A_591] masked %gt3A_362 {strides = array<i32>} : memref<14352xi32, #tpu.memory_space<vmem>>, vector<16xi32>, vector<16xi1>
        tpu.vector_store %arg9[%swap3A_591], %add3A_588 masked %gt3A_362 {strides = array<i32>} : memref<14352xi32, #tpu.memory_space<vmem>>, vector<16xi32>, vector<16xi1>
        %add3A_593 = arith.addi %add3A_579, %reduce_sum3A_367 : i32
        %mul3A_594 = arith.constant 16 : i32
        %mul3A_595 = arith.muli %scan3A_115, %mul3A_594 : i32
        %add3A_596 = arith.constant 15 : i32
        %add3A_597 = arith.addi %mul3A_595, %add3A_596 : i32
        %mul3A_598 = arith.constant 16 : i32
        %mul3A_599 = arith.muli %add3A_597, %mul3A_598 : i32
        %add3A_600 = arith.addi %add3A_107, %mul3A_599 : i32
        %add3A_601 = vector.broadcast %add3A_600 : i32 to vector<16xi32>
        %add3A_602 = arith.addi %add3A_601, %iota3A : vector<16xi32>
        %swap3A_603 = arith.index_cast %add3A_593 : i32 to index
        %swap3A_604 = tpu.vector_load %arg8[%swap3A_603] masked %gt3A_379 {strides = array<i32>} : memref<14352xf32, #tpu.memory_space<vmem>>, vector<16xf32>, vector<16xi1>
        tpu.vector_store %arg8[%swap3A_603], %get3A_376 masked %gt3A_379 {strides = array<i32>} : memref<14352xf32, #tpu.memory_space<vmem>>, vector<16xf32>, vector<16xi1>
        %swap3A_605 = arith.index_cast %add3A_593 : i32 to index
        %swap3A_606 = tpu.vector_load %arg9[%swap3A_605] masked %gt3A_379 {strides = array<i32>} : memref<14352xi32, #tpu.memory_space<vmem>>, vector<16xi32>, vector<16xi1>
        tpu.vector_store %arg9[%swap3A_605], %add3A_602 masked %gt3A_379 {strides = array<i32>} : memref<14352xi32, #tpu.memory_space<vmem>>, vector<16xi32>, vector<16xi1>
        %add3A_607 = arith.addi %add3A_593, %reduce_sum3A_384 : i32
        scf.yield %add3A_607 : i32
      }
      %scan3A_113 = arith.constant 8 : i32
      %min3A = arith.constant 12288 : i32
      %min3A_114 = arith.minsi %scan3A_112, %min3A : i32
      scf.yield %min3A_114 : i32
    }
    %scan3A_41 = arith.constant 16 : i32
    %mul3A_42 = arith.constant 48 : i32
    %mul3A_43 = arith.muli %add3A, %mul3A_42 : i32
    %add3A_44 = arith.constant 32 : i32
    %add3A_45 = arith.addi %mul3A_43, %add3A_44 : i32
    %dma_start3A_46 = arith.constant 0 : i32
    %dma_start3A_47 = tpu.memref_slice %arg2[%add3A_45, %dma_start3A_46] : memref<1536x2048xf32, #tpu.memory_space<hbm>> -> memref<16x2048xf32, #tpu.memory_space<hbm>>
    %dma_start3A_48 = arith.constant 0 : i32
    %dma_start3A_49 = tpu.memref_slice %arg2[%add3A_45, %dma_start3A_48] : memref<1536x2048xf32, #tpu.memory_space<hbm>> -> memref<16x2048xf32, #tpu.memory_space<hbm>>
    tpu.enqueue_dma source(%dma_start3A_49 : memref<16x2048xf32, #tpu.memory_space<hbm>>) target(%arg6 : memref<16x2048xf32, #tpu.memory_space<vmem>>) target_semaphore(%arg11 : memref<!tpu.dma_semaphore, #tpu.memory_space<semaphore_mem>>)
    %dma_wait3A_50 = arith.constant 0 : i32
    %dma_wait3A_51 = tpu.memref_slice %arg2[%add3A_27, %dma_wait3A_50] : memref<1536x2048xf32, #tpu.memory_space<hbm>> -> memref<16x2048xf32, #tpu.memory_space<hbm>>
    %dma_wait3A_52 = arith.constant 0 : i32
    %dma_wait3A_53 = tpu.memref_slice %arg2[%add3A_27, %dma_wait3A_52] : memref<1536x2048xf32, #tpu.memory_space<hbm>> -> memref<16x2048xf32, #tpu.memory_space<hbm>>
    tpu.wait_dma2 semaphore(%arg12 : memref<!tpu.dma_semaphore, #tpu.memory_space<semaphore_mem>>) src(%dma_wait3A_53 : memref<16x2048xf32, #tpu.memory_space<hbm>>) dst(%arg7 : memref<16x2048xf32, #tpu.memory_space<vmem>>)
    %scan3A_54 = arith.constant 0 : i32
    %scan3A_55 = arith.constant 16 : i32
    %scan3A_56 = arith.addi %scan3A_54, %scan3A_55 : i32
    %scan3A_57 = arith.constant 1 : i32
    %scan3A_58 = scf.for %scan3A_101 = %scan3A_54 to %scan3A_56 step %scan3A_57 iter_args(%scan3A_102 = %scan3A_40) -> (i32)  : i32 {
      %add3A_103 = arith.constant 32768 : i32
      %add3A_104 = arith.addi %mul3A_2, %add3A_103 : i32
      %mul3A_105 = arith.constant 2048 : i32
      %mul3A_106 = arith.muli %scan3A_101, %mul3A_105 : i32
      %add3A_107 = arith.addi %add3A_104, %mul3A_106 : i32
      %scan3A_108 = arith.constant 0 : i32
      %scan3A_109 = arith.constant 8 : i32
      %scan3A_110 = arith.addi %scan3A_108, %scan3A_109 : i32
      %scan3A_111 = arith.constant 1 : i32
      %scan3A_112 = scf.for %scan3A_115 = %scan3A_108 to %scan3A_110 step %scan3A_111 iter_args(%scan3A_116 = %scan3A_102) -> (i32)  : i32 {
        %mul3A_117 = arith.constant 16 : i32
        %mul3A_118 = arith.muli %scan3A_115, %mul3A_117 : i32
        %add3A_119 = arith.constant 0 : i32
        %add3A_120 = arith.addi %mul3A_118, %add3A_119 : i32
        %mul3A_121 = arith.constant 16 : i32
        %mul3A_122 = arith.muli %add3A_120, %mul3A_121 : i32
        %get3A = arith.index_cast %scan3A_101 : i32 to index
        %get3A_123 = arith.index_cast %mul3A_122 : i32 to index
        %get3A_124 = tpu.vector_load %arg7[%get3A, %get3A_123] {strides = array<i32>} : memref<16x2048xf32, #tpu.memory_space<vmem>>, vector<16xf32>,
        %gt3A = arith.constant 5.000000e-01 : f32
        %gt3A_125 = vector.broadcast %gt3A : f32 to vector<16xf32>
        %gt3A_126 = arith.cmpf ogt, %get3A_124, %gt3A_125 : vector<16xf32>
        %convert_element_type3A = arith.extui %gt3A_126 : vector<16xi1> to vector<16xi32>
        %reduce_sum3A = arith.constant true
        %reduce_sum3A_127 = vector.broadcast %reduce_sum3A : i1 to vector<16xi1>
        %reduce_sum3A_128 = tpu.scan <sum>, %convert_element_type3A masked %reduce_sum3A_127 : vector<16xi32>, vector<16xi1> -> vector<16xi32>
        %reduce_sum3A_129 = vector.extract %reduce_sum3A_128[15] : i32 from vector<16xi32>
        %mul3A_130 = arith.constant 16 : i32
        %mul3A_131 = arith.muli %scan3A_115, %mul3A_130 : i32
        %add3A_132 = arith.constant 1 : i32
        %add3A_133 = arith.addi %mul3A_131, %add3A_132 : i32
        %mul3A_134 = arith.constant 16 : i32
        %mul3A_135 = arith.muli %add3A_133, %mul3A_134 : i32
        %get3A_136 = arith.index_cast %scan3A_101 : i32 to index
        %get3A_137 = arith.index_cast %mul3A_135 : i32 to index
        %get3A_138 = tpu.vector_load %arg7[%get3A_136, %get3A_137] {strides = array<i32>} : memref<16x2048xf32, #tpu.memory_space<vmem>>, vector<16xf32>,
        %gt3A_139 = arith.constant 5.000000e-01 : f32
        %gt3A_140 = vector.broadcast %gt3A_139 : f32 to vector<16xf32>
        %gt3A_141 = arith.cmpf ogt, %get3A_138, %gt3A_140 : vector<16xf32>
        %convert_element_type3A_142 = arith.extui %gt3A_141 : vector<16xi1> to vector<16xi32>
        %reduce_sum3A_143 = arith.constant true
        %reduce_sum3A_144 = vector.broadcast %reduce_sum3A_143 : i1 to vector<16xi1>
        %reduce_sum3A_145 = tpu.scan <sum>, %convert_element_type3A_142 masked %reduce_sum3A_144 : vector<16xi32>, vector<16xi1> -> vector<16xi32>
        %reduce_sum3A_146 = vector.extract %reduce_sum3A_145[15] : i32 from vector<16xi32>
        %mul3A_147 = arith.constant 16 : i32
        %mul3A_148 = arith.muli %scan3A_115, %mul3A_147 : i32
        %add3A_149 = arith.constant 2 : i32
        %add3A_150 = arith.addi %mul3A_148, %add3A_149 : i32
        %mul3A_151 = arith.constant 16 : i32
        %mul3A_152 = arith.muli %add3A_150, %mul3A_151 : i32
        %get3A_153 = arith.index_cast %scan3A_101 : i32 to index
        %get3A_154 = arith.index_cast %mul3A_152 : i32 to index
        %get3A_155 = tpu.vector_load %arg7[%get3A_153, %get3A_154] {strides = array<i32>} : memref<16x2048xf32, #tpu.memory_space<vmem>>, vector<16xf32>,
        %gt3A_156 = arith.constant 5.000000e-01 : f32
        %gt3A_157 = vector.broadcast %gt3A_156 : f32 to vector<16xf32>
        %gt3A_158 = arith.cmpf ogt, %get3A_155, %gt3A_157 : vector<16xf32>
        %convert_element_type3A_159 = arith.extui %gt3A_158 : vector<16xi1> to vector<16xi32>
        %reduce_sum3A_160 = arith.constant true
        %reduce_sum3A_161 = vector.broadcast %reduce_sum3A_160 : i1 to vector<16xi1>
        %reduce_sum3A_162 = tpu.scan <sum>, %convert_element_type3A_159 masked %reduce_sum3A_161 : vector<16xi32>, vector<16xi1> -> vector<16xi32>
        %reduce_sum3A_163 = vector.extract %reduce_sum3A_162[15] : i32 from vector<16xi32>
        %mul3A_164 = arith.constant 16 : i32
        %mul3A_165 = arith.muli %scan3A_115, %mul3A_164 : i32
        %add3A_166 = arith.constant 3 : i32
        %add3A_167 = arith.addi %mul3A_165, %add3A_166 : i32
        %mul3A_168 = arith.constant 16 : i32
        %mul3A_169 = arith.muli %add3A_167, %mul3A_168 : i32
        %get3A_170 = arith.index_cast %scan3A_101 : i32 to index
        %get3A_171 = arith.index_cast %mul3A_169 : i32 to index
        %get3A_172 = tpu.vector_load %arg7[%get3A_170, %get3A_171] {strides = array<i32>} : memref<16x2048xf32, #tpu.memory_space<vmem>>, vector<16xf32>,
        %gt3A_173 = arith.constant 5.000000e-01 : f32
        %gt3A_174 = vector.broadcast %gt3A_173 : f32 to vector<16xf32>
        %gt3A_175 = arith.cmpf ogt, %get3A_172, %gt3A_174 : vector<16xf32>
        %convert_element_type3A_176 = arith.extui %gt3A_175 : vector<16xi1> to vector<16xi32>
        %reduce_sum3A_177 = arith.constant true
        %reduce_sum3A_178 = vector.broadcast %reduce_sum3A_177 : i1 to vector<16xi1>
        %reduce_sum3A_179 = tpu.scan <sum>, %convert_element_type3A_176 masked %reduce_sum3A_178 : vector<16xi32>, vector<16xi1> -> vector<16xi32>
        %reduce_sum3A_180 = vector.extract %reduce_sum3A_179[15] : i32 from vector<16xi32>
        %mul3A_181 = arith.constant 16 : i32
        %mul3A_182 = arith.muli %scan3A_115, %mul3A_181 : i32
        %add3A_183 = arith.constant 4 : i32
        %add3A_184 = arith.addi %mul3A_182, %add3A_183 : i32
        %mul3A_185 = arith.constant 16 : i32
        %mul3A_186 = arith.muli %add3A_184, %mul3A_185 : i32
        %get3A_187 = arith.index_cast %scan3A_101 : i32 to index
        %get3A_188 = arith.index_cast %mul3A_186 : i32 to index
        %get3A_189 = tpu.vector_load %arg7[%get3A_187, %get3A_188] {strides = array<i32>} : memref<16x2048xf32, #tpu.memory_space<vmem>>, vector<16xf32>,
        %gt3A_190 = arith.constant 5.000000e-01 : f32
        %gt3A_191 = vector.broadcast %gt3A_190 : f32 to vector<16xf32>
        %gt3A_192 = arith.cmpf ogt, %get3A_189, %gt3A_191 : vector<16xf32>
        %convert_element_type3A_193 = arith.extui %gt3A_192 : vector<16xi1> to vector<16xi32>
        %reduce_sum3A_194 = arith.constant true
        %reduce_sum3A_195 = vector.broadcast %reduce_sum3A_194 : i1 to vector<16xi1>
        %reduce_sum3A_196 = tpu.scan <sum>, %convert_element_type3A_193 masked %reduce_sum3A_195 : vector<16xi32>, vector<16xi1> -> vector<16xi32>
        %reduce_sum3A_197 = vector.extract %reduce_sum3A_196[15] : i32 from vector<16xi32>
        %mul3A_198 = arith.constant 16 : i32
        %mul3A_199 = arith.muli %scan3A_115, %mul3A_198 : i32
        %add3A_200 = arith.constant 5 : i32
        %add3A_201 = arith.addi %mul3A_199, %add3A_200 : i32
        %mul3A_202 = arith.constant 16 : i32
        %mul3A_203 = arith.muli %add3A_201, %mul3A_202 : i32
        %get3A_204 = arith.index_cast %scan3A_101 : i32 to index
        %get3A_205 = arith.index_cast %mul3A_203 : i32 to index
        %get3A_206 = tpu.vector_load %arg7[%get3A_204, %get3A_205] {strides = array<i32>} : memref<16x2048xf32, #tpu.memory_space<vmem>>, vector<16xf32>,
        %gt3A_207 = arith.constant 5.000000e-01 : f32
        %gt3A_208 = vector.broadcast %gt3A_207 : f32 to vector<16xf32>
        %gt3A_209 = arith.cmpf ogt, %get3A_206, %gt3A_208 : vector<16xf32>
        %convert_element_type3A_210 = arith.extui %gt3A_209 : vector<16xi1> to vector<16xi32>
        %reduce_sum3A_211 = arith.constant true
        %reduce_sum3A_212 = vector.broadcast %reduce_sum3A_211 : i1 to vector<16xi1>
        %reduce_sum3A_213 = tpu.scan <sum>, %convert_element_type3A_210 masked %reduce_sum3A_212 : vector<16xi32>, vector<16xi1> -> vector<16xi32>
        %reduce_sum3A_214 = vector.extract %reduce_sum3A_213[15] : i32 from vector<16xi32>
        %mul3A_215 = arith.constant 16 : i32
        %mul3A_216 = arith.muli %scan3A_115, %mul3A_215 : i32
        %add3A_217 = arith.constant 6 : i32
        %add3A_218 = arith.addi %mul3A_216, %add3A_217 : i32
        %mul3A_219 = arith.constant 16 : i32
        %mul3A_220 = arith.muli %add3A_218, %mul3A_219 : i32
        %get3A_221 = arith.index_cast %scan3A_101 : i32 to index
        %get3A_222 = arith.index_cast %mul3A_220 : i32 to index
        %get3A_223 = tpu.vector_load %arg7[%get3A_221, %get3A_222] {strides = array<i32>} : memref<16x2048xf32, #tpu.memory_space<vmem>>, vector<16xf32>,
        %gt3A_224 = arith.constant 5.000000e-01 : f32
        %gt3A_225 = vector.broadcast %gt3A_224 : f32 to vector<16xf32>
        %gt3A_226 = arith.cmpf ogt, %get3A_223, %gt3A_225 : vector<16xf32>
        %convert_element_type3A_227 = arith.extui %gt3A_226 : vector<16xi1> to vector<16xi32>
        %reduce_sum3A_228 = arith.constant true
        %reduce_sum3A_229 = vector.broadcast %reduce_sum3A_228 : i1 to vector<16xi1>
        %reduce_sum3A_230 = tpu.scan <sum>, %convert_element_type3A_227 masked %reduce_sum3A_229 : vector<16xi32>, vector<16xi1> -> vector<16xi32>
        %reduce_sum3A_231 = vector.extract %reduce_sum3A_230[15] : i32 from vector<16xi32>
        %mul3A_232 = arith.constant 16 : i32
        %mul3A_233 = arith.muli %scan3A_115, %mul3A_232 : i32
        %add3A_234 = arith.constant 7 : i32
        %add3A_235 = arith.addi %mul3A_233, %add3A_234 : i32
        %mul3A_236 = arith.constant 16 : i32
        %mul3A_237 = arith.muli %add3A_235, %mul3A_236 : i32
        %get3A_238 = arith.index_cast %scan3A_101 : i32 to index
        %get3A_239 = arith.index_cast %mul3A_237 : i32 to index
        %get3A_240 = tpu.vector_load %arg7[%get3A_238, %get3A_239] {strides = array<i32>} : memref<16x2048xf32, #tpu.memory_space<vmem>>, vector<16xf32>,
        %gt3A_241 = arith.constant 5.000000e-01 : f32
        %gt3A_242 = vector.broadcast %gt3A_241 : f32 to vector<16xf32>
        %gt3A_243 = arith.cmpf ogt, %get3A_240, %gt3A_242 : vector<16xf32>
        %convert_element_type3A_244 = arith.extui %gt3A_243 : vector<16xi1> to vector<16xi32>
        %reduce_sum3A_245 = arith.constant true
        %reduce_sum3A_246 = vector.broadcast %reduce_sum3A_245 : i1 to vector<16xi1>
        %reduce_sum3A_247 = tpu.scan <sum>, %convert_element_type3A_244 masked %reduce_sum3A_246 : vector<16xi32>, vector<16xi1> -> vector<16xi32>
        %reduce_sum3A_248 = vector.extract %reduce_sum3A_247[15] : i32 from vector<16xi32>
        %mul3A_249 = arith.constant 16 : i32
        %mul3A_250 = arith.muli %scan3A_115, %mul3A_249 : i32
        %add3A_251 = arith.constant 8 : i32
        %add3A_252 = arith.addi %mul3A_250, %add3A_251 : i32
        %mul3A_253 = arith.constant 16 : i32
        %mul3A_254 = arith.muli %add3A_252, %mul3A_253 : i32
        %get3A_255 = arith.index_cast %scan3A_101 : i32 to index
        %get3A_256 = arith.index_cast %mul3A_254 : i32 to index
        %get3A_257 = tpu.vector_load %arg7[%get3A_255, %get3A_256] {strides = array<i32>} : memref<16x2048xf32, #tpu.memory_space<vmem>>, vector<16xf32>,
        %gt3A_258 = arith.constant 5.000000e-01 : f32
        %gt3A_259 = vector.broadcast %gt3A_258 : f32 to vector<16xf32>
        %gt3A_260 = arith.cmpf ogt, %get3A_257, %gt3A_259 : vector<16xf32>
        %convert_element_type3A_261 = arith.extui %gt3A_260 : vector<16xi1> to vector<16xi32>
        %reduce_sum3A_262 = arith.constant true
        %reduce_sum3A_263 = vector.broadcast %reduce_sum3A_262 : i1 to vector<16xi1>
        %reduce_sum3A_264 = tpu.scan <sum>, %convert_element_type3A_261 masked %reduce_sum3A_263 : vector<16xi32>, vector<16xi1> -> vector<16xi32>
        %reduce_sum3A_265 = vector.extract %reduce_sum3A_264[15] : i32 from vector<16xi32>
        %mul3A_266 = arith.constant 16 : i32
        %mul3A_267 = arith.muli %scan3A_115, %mul3A_266 : i32
        %add3A_268 = arith.constant 9 : i32
        %add3A_269 = arith.addi %mul3A_267, %add3A_268 : i32
        %mul3A_270 = arith.constant 16 : i32
        %mul3A_271 = arith.muli %add3A_269, %mul3A_270 : i32
        %get3A_272 = arith.index_cast %scan3A_101 : i32 to index
        %get3A_273 = arith.index_cast %mul3A_271 : i32 to index
        %get3A_274 = tpu.vector_load %arg7[%get3A_272, %get3A_273] {strides = array<i32>} : memref<16x2048xf32, #tpu.memory_space<vmem>>, vector<16xf32>,
        %gt3A_275 = arith.constant 5.000000e-01 : f32
        %gt3A_276 = vector.broadcast %gt3A_275 : f32 to vector<16xf32>
        %gt3A_277 = arith.cmpf ogt, %get3A_274, %gt3A_276 : vector<16xf32>
        %convert_element_type3A_278 = arith.extui %gt3A_277 : vector<16xi1> to vector<16xi32>
        %reduce_sum3A_279 = arith.constant true
        %reduce_sum3A_280 = vector.broadcast %reduce_sum3A_279 : i1 to vector<16xi1>
        %reduce_sum3A_281 = tpu.scan <sum>, %convert_element_type3A_278 masked %reduce_sum3A_280 : vector<16xi32>, vector<16xi1> -> vector<16xi32>
        %reduce_sum3A_282 = vector.extract %reduce_sum3A_281[15] : i32 from vector<16xi32>
        %mul3A_283 = arith.constant 16 : i32
        %mul3A_284 = arith.muli %scan3A_115, %mul3A_283 : i32
        %add3A_285 = arith.constant 10 : i32
        %add3A_286 = arith.addi %mul3A_284, %add3A_285 : i32
        %mul3A_287 = arith.constant 16 : i32
        %mul3A_288 = arith.muli %add3A_286, %mul3A_287 : i32
        %get3A_289 = arith.index_cast %scan3A_101 : i32 to index
        %get3A_290 = arith.index_cast %mul3A_288 : i32 to index
        %get3A_291 = tpu.vector_load %arg7[%get3A_289, %get3A_290] {strides = array<i32>} : memref<16x2048xf32, #tpu.memory_space<vmem>>, vector<16xf32>,
        %gt3A_292 = arith.constant 5.000000e-01 : f32
        %gt3A_293 = vector.broadcast %gt3A_292 : f32 to vector<16xf32>
        %gt3A_294 = arith.cmpf ogt, %get3A_291, %gt3A_293 : vector<16xf32>
        %convert_element_type3A_295 = arith.extui %gt3A_294 : vector<16xi1> to vector<16xi32>
        %reduce_sum3A_296 = arith.constant true
        %reduce_sum3A_297 = vector.broadcast %reduce_sum3A_296 : i1 to vector<16xi1>
        %reduce_sum3A_298 = tpu.scan <sum>, %convert_element_type3A_295 masked %reduce_sum3A_297 : vector<16xi32>, vector<16xi1> -> vector<16xi32>
        %reduce_sum3A_299 = vector.extract %reduce_sum3A_298[15] : i32 from vector<16xi32>
        %mul3A_300 = arith.constant 16 : i32
        %mul3A_301 = arith.muli %scan3A_115, %mul3A_300 : i32
        %add3A_302 = arith.constant 11 : i32
        %add3A_303 = arith.addi %mul3A_301, %add3A_302 : i32
        %mul3A_304 = arith.constant 16 : i32
        %mul3A_305 = arith.muli %add3A_303, %mul3A_304 : i32
        %get3A_306 = arith.index_cast %scan3A_101 : i32 to index
        %get3A_307 = arith.index_cast %mul3A_305 : i32 to index
        %get3A_308 = tpu.vector_load %arg7[%get3A_306, %get3A_307] {strides = array<i32>} : memref<16x2048xf32, #tpu.memory_space<vmem>>, vector<16xf32>,
        %gt3A_309 = arith.constant 5.000000e-01 : f32
        %gt3A_310 = vector.broadcast %gt3A_309 : f32 to vector<16xf32>
        %gt3A_311 = arith.cmpf ogt, %get3A_308, %gt3A_310 : vector<16xf32>
        %convert_element_type3A_312 = arith.extui %gt3A_311 : vector<16xi1> to vector<16xi32>
        %reduce_sum3A_313 = arith.constant true
        %reduce_sum3A_314 = vector.broadcast %reduce_sum3A_313 : i1 to vector<16xi1>
        %reduce_sum3A_315 = tpu.scan <sum>, %convert_element_type3A_312 masked %reduce_sum3A_314 : vector<16xi32>, vector<16xi1> -> vector<16xi32>
        %reduce_sum3A_316 = vector.extract %reduce_sum3A_315[15] : i32 from vector<16xi32>
        %mul3A_317 = arith.constant 16 : i32
        %mul3A_318 = arith.muli %scan3A_115, %mul3A_317 : i32
        %add3A_319 = arith.constant 12 : i32
        %add3A_320 = arith.addi %mul3A_318, %add3A_319 : i32
        %mul3A_321 = arith.constant 16 : i32
        %mul3A_322 = arith.muli %add3A_320, %mul3A_321 : i32
        %get3A_323 = arith.index_cast %scan3A_101 : i32 to index
        %get3A_324 = arith.index_cast %mul3A_322 : i32 to index
        %get3A_325 = tpu.vector_load %arg7[%get3A_323, %get3A_324] {strides = array<i32>} : memref<16x2048xf32, #tpu.memory_space<vmem>>, vector<16xf32>,
        %gt3A_326 = arith.constant 5.000000e-01 : f32
        %gt3A_327 = vector.broadcast %gt3A_326 : f32 to vector<16xf32>
        %gt3A_328 = arith.cmpf ogt, %get3A_325, %gt3A_327 : vector<16xf32>
        %convert_element_type3A_329 = arith.extui %gt3A_328 : vector<16xi1> to vector<16xi32>
        %reduce_sum3A_330 = arith.constant true
        %reduce_sum3A_331 = vector.broadcast %reduce_sum3A_330 : i1 to vector<16xi1>
        %reduce_sum3A_332 = tpu.scan <sum>, %convert_element_type3A_329 masked %reduce_sum3A_331 : vector<16xi32>, vector<16xi1> -> vector<16xi32>
        %reduce_sum3A_333 = vector.extract %reduce_sum3A_332[15] : i32 from vector<16xi32>
        %mul3A_334 = arith.constant 16 : i32
        %mul3A_335 = arith.muli %scan3A_115, %mul3A_334 : i32
        %add3A_336 = arith.constant 13 : i32
        %add3A_337 = arith.addi %mul3A_335, %add3A_336 : i32
        %mul3A_338 = arith.constant 16 : i32
        %mul3A_339 = arith.muli %add3A_337, %mul3A_338 : i32
        %get3A_340 = arith.index_cast %scan3A_101 : i32 to index
        %get3A_341 = arith.index_cast %mul3A_339 : i32 to index
        %get3A_342 = tpu.vector_load %arg7[%get3A_340, %get3A_341] {strides = array<i32>} : memref<16x2048xf32, #tpu.memory_space<vmem>>, vector<16xf32>,
        %gt3A_343 = arith.constant 5.000000e-01 : f32
        %gt3A_344 = vector.broadcast %gt3A_343 : f32 to vector<16xf32>
        %gt3A_345 = arith.cmpf ogt, %get3A_342, %gt3A_344 : vector<16xf32>
        %convert_element_type3A_346 = arith.extui %gt3A_345 : vector<16xi1> to vector<16xi32>
        %reduce_sum3A_347 = arith.constant true
        %reduce_sum3A_348 = vector.broadcast %reduce_sum3A_347 : i1 to vector<16xi1>
        %reduce_sum3A_349 = tpu.scan <sum>, %convert_element_type3A_346 masked %reduce_sum3A_348 : vector<16xi32>, vector<16xi1> -> vector<16xi32>
        %reduce_sum3A_350 = vector.extract %reduce_sum3A_349[15] : i32 from vector<16xi32>
        %mul3A_351 = arith.constant 16 : i32
        %mul3A_352 = arith.muli %scan3A_115, %mul3A_351 : i32
        %add3A_353 = arith.constant 14 : i32
        %add3A_354 = arith.addi %mul3A_352, %add3A_353 : i32
        %mul3A_355 = arith.constant 16 : i32
        %mul3A_356 = arith.muli %add3A_354, %mul3A_355 : i32
        %get3A_357 = arith.index_cast %scan3A_101 : i32 to index
        %get3A_358 = arith.index_cast %mul3A_356 : i32 to index
        %get3A_359 = tpu.vector_load %arg7[%get3A_357, %get3A_358] {strides = array<i32>} : memref<16x2048xf32, #tpu.memory_space<vmem>>, vector<16xf32>,
        %gt3A_360 = arith.constant 5.000000e-01 : f32
        %gt3A_361 = vector.broadcast %gt3A_360 : f32 to vector<16xf32>
        %gt3A_362 = arith.cmpf ogt, %get3A_359, %gt3A_361 : vector<16xf32>
        %convert_element_type3A_363 = arith.extui %gt3A_362 : vector<16xi1> to vector<16xi32>
        %reduce_sum3A_364 = arith.constant true
        %reduce_sum3A_365 = vector.broadcast %reduce_sum3A_364 : i1 to vector<16xi1>
        %reduce_sum3A_366 = tpu.scan <sum>, %convert_element_type3A_363 masked %reduce_sum3A_365 : vector<16xi32>, vector<16xi1> -> vector<16xi32>
        %reduce_sum3A_367 = vector.extract %reduce_sum3A_366[15] : i32 from vector<16xi32>
        %mul3A_368 = arith.constant 16 : i32
        %mul3A_369 = arith.muli %scan3A_115, %mul3A_368 : i32
        %add3A_370 = arith.constant 15 : i32
        %add3A_371 = arith.addi %mul3A_369, %add3A_370 : i32
        %mul3A_372 = arith.constant 16 : i32
        %mul3A_373 = arith.muli %add3A_371, %mul3A_372 : i32
        %get3A_374 = arith.index_cast %scan3A_101 : i32 to index
        %get3A_375 = arith.index_cast %mul3A_373 : i32 to index
        %get3A_376 = tpu.vector_load %arg7[%get3A_374, %get3A_375] {strides = array<i32>} : memref<16x2048xf32, #tpu.memory_space<vmem>>, vector<16xf32>,
        %gt3A_377 = arith.constant 5.000000e-01 : f32
        %gt3A_378 = vector.broadcast %gt3A_377 : f32 to vector<16xf32>
        %gt3A_379 = arith.cmpf ogt, %get3A_376, %gt3A_378 : vector<16xf32>
        %convert_element_type3A_380 = arith.extui %gt3A_379 : vector<16xi1> to vector<16xi32>
        %reduce_sum3A_381 = arith.constant true
        %reduce_sum3A_382 = vector.broadcast %reduce_sum3A_381 : i1 to vector<16xi1>
        %reduce_sum3A_383 = tpu.scan <sum>, %convert_element_type3A_380 masked %reduce_sum3A_382 : vector<16xi32>, vector<16xi1> -> vector<16xi32>
        %reduce_sum3A_384 = vector.extract %reduce_sum3A_383[15] : i32 from vector<16xi32>
        %mul3A_385 = arith.constant 16 : i32
        %mul3A_386 = arith.muli %scan3A_115, %mul3A_385 : i32
        %add3A_387 = arith.constant 0 : i32
        %add3A_388 = arith.addi %mul3A_386, %add3A_387 : i32
        %mul3A_389 = arith.constant 16 : i32
        %mul3A_390 = arith.muli %add3A_388, %mul3A_389 : i32
        %add3A_391 = arith.addi %add3A_107, %mul3A_390 : i32
        %add3A_392 = vector.broadcast %add3A_391 : i32 to vector<16xi32>
        %add3A_393 = arith.addi %add3A_392, %iota3A : vector<16xi32>
        %swap3A = arith.index_cast %scan3A_116 : i32 to index
        %swap3A_394 = tpu.vector_load %arg8[%swap3A] masked %gt3A_126 {strides = array<i32>} : memref<14352xf32, #tpu.memory_space<vmem>>, vector<16xf32>, vector<16xi1>
        tpu.vector_store %arg8[%swap3A], %get3A_124 masked %gt3A_126 {strides = array<i32>} : memref<14352xf32, #tpu.memory_space<vmem>>, vector<16xf32>, vector<16xi1>
        %swap3A_395 = arith.index_cast %scan3A_116 : i32 to index
        %swap3A_396 = tpu.vector_load %arg9[%swap3A_395] masked %gt3A_126 {strides = array<i32>} : memref<14352xi32, #tpu.memory_space<vmem>>, vector<16xi32>, vector<16xi1>
        tpu.vector_store %arg9[%swap3A_395], %add3A_393 masked %gt3A_126 {strides = array<i32>} : memref<14352xi32, #tpu.memory_space<vmem>>, vector<16xi32>, vector<16xi1>
        %add3A_397 = arith.addi %scan3A_116, %reduce_sum3A_129 : i32
        %mul3A_398 = arith.constant 16 : i32
        %mul3A_399 = arith.muli %scan3A_115, %mul3A_398 : i32
        %add3A_400 = arith.constant 1 : i32
        %add3A_401 = arith.addi %mul3A_399, %add3A_400 : i32
        %mul3A_402 = arith.constant 16 : i32
        %mul3A_403 = arith.muli %add3A_401, %mul3A_402 : i32
        %add3A_404 = arith.addi %add3A_107, %mul3A_403 : i32
        %add3A_405 = vector.broadcast %add3A_404 : i32 to vector<16xi32>
        %add3A_406 = arith.addi %add3A_405, %iota3A : vector<16xi32>
        %swap3A_407 = arith.index_cast %add3A_397 : i32 to index
        %swap3A_408 = tpu.vector_load %arg8[%swap3A_407] masked %gt3A_141 {strides = array<i32>} : memref<14352xf32, #tpu.memory_space<vmem>>, vector<16xf32>, vector<16xi1>
        tpu.vector_store %arg8[%swap3A_407], %get3A_138 masked %gt3A_141 {strides = array<i32>} : memref<14352xf32, #tpu.memory_space<vmem>>, vector<16xf32>, vector<16xi1>
        %swap3A_409 = arith.index_cast %add3A_397 : i32 to index
        %swap3A_410 = tpu.vector_load %arg9[%swap3A_409] masked %gt3A_141 {strides = array<i32>} : memref<14352xi32, #tpu.memory_space<vmem>>, vector<16xi32>, vector<16xi1>
        tpu.vector_store %arg9[%swap3A_409], %add3A_406 masked %gt3A_141 {strides = array<i32>} : memref<14352xi32, #tpu.memory_space<vmem>>, vector<16xi32>, vector<16xi1>
        %add3A_411 = arith.addi %add3A_397, %reduce_sum3A_146 : i32
        %mul3A_412 = arith.constant 16 : i32
        %mul3A_413 = arith.muli %scan3A_115, %mul3A_412 : i32
        %add3A_414 = arith.constant 2 : i32
        %add3A_415 = arith.addi %mul3A_413, %add3A_414 : i32
        %mul3A_416 = arith.constant 16 : i32
        %mul3A_417 = arith.muli %add3A_415, %mul3A_416 : i32
        %add3A_418 = arith.addi %add3A_107, %mul3A_417 : i32
        %add3A_419 = vector.broadcast %add3A_418 : i32 to vector<16xi32>
        %add3A_420 = arith.addi %add3A_419, %iota3A : vector<16xi32>
        %swap3A_421 = arith.index_cast %add3A_411 : i32 to index
        %swap3A_422 = tpu.vector_load %arg8[%swap3A_421] masked %gt3A_158 {strides = array<i32>} : memref<14352xf32, #tpu.memory_space<vmem>>, vector<16xf32>, vector<16xi1>
        tpu.vector_store %arg8[%swap3A_421], %get3A_155 masked %gt3A_158 {strides = array<i32>} : memref<14352xf32, #tpu.memory_space<vmem>>, vector<16xf32>, vector<16xi1>
        %swap3A_423 = arith.index_cast %add3A_411 : i32 to index
        %swap3A_424 = tpu.vector_load %arg9[%swap3A_423] masked %gt3A_158 {strides = array<i32>} : memref<14352xi32, #tpu.memory_space<vmem>>, vector<16xi32>, vector<16xi1>
        tpu.vector_store %arg9[%swap3A_423], %add3A_420 masked %gt3A_158 {strides = array<i32>} : memref<14352xi32, #tpu.memory_space<vmem>>, vector<16xi32>, vector<16xi1>
        %add3A_425 = arith.addi %add3A_411, %reduce_sum3A_163 : i32
        %mul3A_426 = arith.constant 16 : i32
        %mul3A_427 = arith.muli %scan3A_115, %mul3A_426 : i32
        %add3A_428 = arith.constant 3 : i32
        %add3A_429 = arith.addi %mul3A_427, %add3A_428 : i32
        %mul3A_430 = arith.constant 16 : i32
        %mul3A_431 = arith.muli %add3A_429, %mul3A_430 : i32
        %add3A_432 = arith.addi %add3A_107, %mul3A_431 : i32
        %add3A_433 = vector.broadcast %add3A_432 : i32 to vector<16xi32>
        %add3A_434 = arith.addi %add3A_433, %iota3A : vector<16xi32>
        %swap3A_435 = arith.index_cast %add3A_425 : i32 to index
        %swap3A_436 = tpu.vector_load %arg8[%swap3A_435] masked %gt3A_175 {strides = array<i32>} : memref<14352xf32, #tpu.memory_space<vmem>>, vector<16xf32>, vector<16xi1>
        tpu.vector_store %arg8[%swap3A_435], %get3A_172 masked %gt3A_175 {strides = array<i32>} : memref<14352xf32, #tpu.memory_space<vmem>>, vector<16xf32>, vector<16xi1>
        %swap3A_437 = arith.index_cast %add3A_425 : i32 to index
        %swap3A_438 = tpu.vector_load %arg9[%swap3A_437] masked %gt3A_175 {strides = array<i32>} : memref<14352xi32, #tpu.memory_space<vmem>>, vector<16xi32>, vector<16xi1>
        tpu.vector_store %arg9[%swap3A_437], %add3A_434 masked %gt3A_175 {strides = array<i32>} : memref<14352xi32, #tpu.memory_space<vmem>>, vector<16xi32>, vector<16xi1>
        %add3A_439 = arith.addi %add3A_425, %reduce_sum3A_180 : i32
        %mul3A_440 = arith.constant 16 : i32
        %mul3A_441 = arith.muli %scan3A_115, %mul3A_440 : i32
        %add3A_442 = arith.constant 4 : i32
        %add3A_443 = arith.addi %mul3A_441, %add3A_442 : i32
        %mul3A_444 = arith.constant 16 : i32
        %mul3A_445 = arith.muli %add3A_443, %mul3A_444 : i32
        %add3A_446 = arith.addi %add3A_107, %mul3A_445 : i32
        %add3A_447 = vector.broadcast %add3A_446 : i32 to vector<16xi32>
        %add3A_448 = arith.addi %add3A_447, %iota3A : vector<16xi32>
        %swap3A_449 = arith.index_cast %add3A_439 : i32 to index
        %swap3A_450 = tpu.vector_load %arg8[%swap3A_449] masked %gt3A_192 {strides = array<i32>} : memref<14352xf32, #tpu.memory_space<vmem>>, vector<16xf32>, vector<16xi1>
        tpu.vector_store %arg8[%swap3A_449], %get3A_189 masked %gt3A_192 {strides = array<i32>} : memref<14352xf32, #tpu.memory_space<vmem>>, vector<16xf32>, vector<16xi1>
        %swap3A_451 = arith.index_cast %add3A_439 : i32 to index
        %swap3A_452 = tpu.vector_load %arg9[%swap3A_451] masked %gt3A_192 {strides = array<i32>} : memref<14352xi32, #tpu.memory_space<vmem>>, vector<16xi32>, vector<16xi1>
        tpu.vector_store %arg9[%swap3A_451], %add3A_448 masked %gt3A_192 {strides = array<i32>} : memref<14352xi32, #tpu.memory_space<vmem>>, vector<16xi32>, vector<16xi1>
        %add3A_453 = arith.addi %add3A_439, %reduce_sum3A_197 : i32
        %mul3A_454 = arith.constant 16 : i32
        %mul3A_455 = arith.muli %scan3A_115, %mul3A_454 : i32
        %add3A_456 = arith.constant 5 : i32
        %add3A_457 = arith.addi %mul3A_455, %add3A_456 : i32
        %mul3A_458 = arith.constant 16 : i32
        %mul3A_459 = arith.muli %add3A_457, %mul3A_458 : i32
        %add3A_460 = arith.addi %add3A_107, %mul3A_459 : i32
        %add3A_461 = vector.broadcast %add3A_460 : i32 to vector<16xi32>
        %add3A_462 = arith.addi %add3A_461, %iota3A : vector<16xi32>
        %swap3A_463 = arith.index_cast %add3A_453 : i32 to index
        %swap3A_464 = tpu.vector_load %arg8[%swap3A_463] masked %gt3A_209 {strides = array<i32>} : memref<14352xf32, #tpu.memory_space<vmem>>, vector<16xf32>, vector<16xi1>
        tpu.vector_store %arg8[%swap3A_463], %get3A_206 masked %gt3A_209 {strides = array<i32>} : memref<14352xf32, #tpu.memory_space<vmem>>, vector<16xf32>, vector<16xi1>
        %swap3A_465 = arith.index_cast %add3A_453 : i32 to index
        %swap3A_466 = tpu.vector_load %arg9[%swap3A_465] masked %gt3A_209 {strides = array<i32>} : memref<14352xi32, #tpu.memory_space<vmem>>, vector<16xi32>, vector<16xi1>
        tpu.vector_store %arg9[%swap3A_465], %add3A_462 masked %gt3A_209 {strides = array<i32>} : memref<14352xi32, #tpu.memory_space<vmem>>, vector<16xi32>, vector<16xi1>
        %add3A_467 = arith.addi %add3A_453, %reduce_sum3A_214 : i32
        %mul3A_468 = arith.constant 16 : i32
        %mul3A_469 = arith.muli %scan3A_115, %mul3A_468 : i32
        %add3A_470 = arith.constant 6 : i32
        %add3A_471 = arith.addi %mul3A_469, %add3A_470 : i32
        %mul3A_472 = arith.constant 16 : i32
        %mul3A_473 = arith.muli %add3A_471, %mul3A_472 : i32
        %add3A_474 = arith.addi %add3A_107, %mul3A_473 : i32
        %add3A_475 = vector.broadcast %add3A_474 : i32 to vector<16xi32>
        %add3A_476 = arith.addi %add3A_475, %iota3A : vector<16xi32>
        %swap3A_477 = arith.index_cast %add3A_467 : i32 to index
        %swap3A_478 = tpu.vector_load %arg8[%swap3A_477] masked %gt3A_226 {strides = array<i32>} : memref<14352xf32, #tpu.memory_space<vmem>>, vector<16xf32>, vector<16xi1>
        tpu.vector_store %arg8[%swap3A_477], %get3A_223 masked %gt3A_226 {strides = array<i32>} : memref<14352xf32, #tpu.memory_space<vmem>>, vector<16xf32>, vector<16xi1>
        %swap3A_479 = arith.index_cast %add3A_467 : i32 to index
        %swap3A_480 = tpu.vector_load %arg9[%swap3A_479] masked %gt3A_226 {strides = array<i32>} : memref<14352xi32, #tpu.memory_space<vmem>>, vector<16xi32>, vector<16xi1>
        tpu.vector_store %arg9[%swap3A_479], %add3A_476 masked %gt3A_226 {strides = array<i32>} : memref<14352xi32, #tpu.memory_space<vmem>>, vector<16xi32>, vector<16xi1>
        %add3A_481 = arith.addi %add3A_467, %reduce_sum3A_231 : i32
        %mul3A_482 = arith.constant 16 : i32
        %mul3A_483 = arith.muli %scan3A_115, %mul3A_482 : i32
        %add3A_484 = arith.constant 7 : i32
        %add3A_485 = arith.addi %mul3A_483, %add3A_484 : i32
        %mul3A_486 = arith.constant 16 : i32
        %mul3A_487 = arith.muli %add3A_485, %mul3A_486 : i32
        %add3A_488 = arith.addi %add3A_107, %mul3A_487 : i32
        %add3A_489 = vector.broadcast %add3A_488 : i32 to vector<16xi32>
        %add3A_490 = arith.addi %add3A_489, %iota3A : vector<16xi32>
        %swap3A_491 = arith.index_cast %add3A_481 : i32 to index
        %swap3A_492 = tpu.vector_load %arg8[%swap3A_491] masked %gt3A_243 {strides = array<i32>} : memref<14352xf32, #tpu.memory_space<vmem>>, vector<16xf32>, vector<16xi1>
        tpu.vector_store %arg8[%swap3A_491], %get3A_240 masked %gt3A_243 {strides = array<i32>} : memref<14352xf32, #tpu.memory_space<vmem>>, vector<16xf32>, vector<16xi1>
        %swap3A_493 = arith.index_cast %add3A_481 : i32 to index
        %swap3A_494 = tpu.vector_load %arg9[%swap3A_493] masked %gt3A_243 {strides = array<i32>} : memref<14352xi32, #tpu.memory_space<vmem>>, vector<16xi32>, vector<16xi1>
        tpu.vector_store %arg9[%swap3A_493], %add3A_490 masked %gt3A_243 {strides = array<i32>} : memref<14352xi32, #tpu.memory_space<vmem>>, vector<16xi32>, vector<16xi1>
        %add3A_495 = arith.addi %add3A_481, %reduce_sum3A_248 : i32
        %mul3A_496 = arith.constant 16 : i32
        %mul3A_497 = arith.muli %scan3A_115, %mul3A_496 : i32
        %add3A_498 = arith.constant 8 : i32
        %add3A_499 = arith.addi %mul3A_497, %add3A_498 : i32
        %mul3A_500 = arith.constant 16 : i32
        %mul3A_501 = arith.muli %add3A_499, %mul3A_500 : i32
        %add3A_502 = arith.addi %add3A_107, %mul3A_501 : i32
        %add3A_503 = vector.broadcast %add3A_502 : i32 to vector<16xi32>
        %add3A_504 = arith.addi %add3A_503, %iota3A : vector<16xi32>
        %swap3A_505 = arith.index_cast %add3A_495 : i32 to index
        %swap3A_506 = tpu.vector_load %arg8[%swap3A_505] masked %gt3A_260 {strides = array<i32>} : memref<14352xf32, #tpu.memory_space<vmem>>, vector<16xf32>, vector<16xi1>
        tpu.vector_store %arg8[%swap3A_505], %get3A_257 masked %gt3A_260 {strides = array<i32>} : memref<14352xf32, #tpu.memory_space<vmem>>, vector<16xf32>, vector<16xi1>
        %swap3A_507 = arith.index_cast %add3A_495 : i32 to index
        %swap3A_508 = tpu.vector_load %arg9[%swap3A_507] masked %gt3A_260 {strides = array<i32>} : memref<14352xi32, #tpu.memory_space<vmem>>, vector<16xi32>, vector<16xi1>
        tpu.vector_store %arg9[%swap3A_507], %add3A_504 masked %gt3A_260 {strides = array<i32>} : memref<14352xi32, #tpu.memory_space<vmem>>, vector<16xi32>, vector<16xi1>
        %add3A_509 = arith.addi %add3A_495, %reduce_sum3A_265 : i32
        %mul3A_510 = arith.constant 16 : i32
        %mul3A_511 = arith.muli %scan3A_115, %mul3A_510 : i32
        %add3A_512 = arith.constant 9 : i32
        %add3A_513 = arith.addi %mul3A_511, %add3A_512 : i32
        %mul3A_514 = arith.constant 16 : i32
        %mul3A_515 = arith.muli %add3A_513, %mul3A_514 : i32
        %add3A_516 = arith.addi %add3A_107, %mul3A_515 : i32
        %add3A_517 = vector.broadcast %add3A_516 : i32 to vector<16xi32>
        %add3A_518 = arith.addi %add3A_517, %iota3A : vector<16xi32>
        %swap3A_519 = arith.index_cast %add3A_509 : i32 to index
        %swap3A_520 = tpu.vector_load %arg8[%swap3A_519] masked %gt3A_277 {strides = array<i32>} : memref<14352xf32, #tpu.memory_space<vmem>>, vector<16xf32>, vector<16xi1>
        tpu.vector_store %arg8[%swap3A_519], %get3A_274 masked %gt3A_277 {strides = array<i32>} : memref<14352xf32, #tpu.memory_space<vmem>>, vector<16xf32>, vector<16xi1>
        %swap3A_521 = arith.index_cast %add3A_509 : i32 to index
        %swap3A_522 = tpu.vector_load %arg9[%swap3A_521] masked %gt3A_277 {strides = array<i32>} : memref<14352xi32, #tpu.memory_space<vmem>>, vector<16xi32>, vector<16xi1>
        tpu.vector_store %arg9[%swap3A_521], %add3A_518 masked %gt3A_277 {strides = array<i32>} : memref<14352xi32, #tpu.memory_space<vmem>>, vector<16xi32>, vector<16xi1>
        %add3A_523 = arith.addi %add3A_509, %reduce_sum3A_282 : i32
        %mul3A_524 = arith.constant 16 : i32
        %mul3A_525 = arith.muli %scan3A_115, %mul3A_524 : i32
        %add3A_526 = arith.constant 10 : i32
        %add3A_527 = arith.addi %mul3A_525, %add3A_526 : i32
        %mul3A_528 = arith.constant 16 : i32
        %mul3A_529 = arith.muli %add3A_527, %mul3A_528 : i32
        %add3A_530 = arith.addi %add3A_107, %mul3A_529 : i32
        %add3A_531 = vector.broadcast %add3A_530 : i32 to vector<16xi32>
        %add3A_532 = arith.addi %add3A_531, %iota3A : vector<16xi32>
        %swap3A_533 = arith.index_cast %add3A_523 : i32 to index
        %swap3A_534 = tpu.vector_load %arg8[%swap3A_533] masked %gt3A_294 {strides = array<i32>} : memref<14352xf32, #tpu.memory_space<vmem>>, vector<16xf32>, vector<16xi1>
        tpu.vector_store %arg8[%swap3A_533], %get3A_291 masked %gt3A_294 {strides = array<i32>} : memref<14352xf32, #tpu.memory_space<vmem>>, vector<16xf32>, vector<16xi1>
        %swap3A_535 = arith.index_cast %add3A_523 : i32 to index
        %swap3A_536 = tpu.vector_load %arg9[%swap3A_535] masked %gt3A_294 {strides = array<i32>} : memref<14352xi32, #tpu.memory_space<vmem>>, vector<16xi32>, vector<16xi1>
        tpu.vector_store %arg9[%swap3A_535], %add3A_532 masked %gt3A_294 {strides = array<i32>} : memref<14352xi32, #tpu.memory_space<vmem>>, vector<16xi32>, vector<16xi1>
        %add3A_537 = arith.addi %add3A_523, %reduce_sum3A_299 : i32
        %mul3A_538 = arith.constant 16 : i32
        %mul3A_539 = arith.muli %scan3A_115, %mul3A_538 : i32
        %add3A_540 = arith.constant 11 : i32
        %add3A_541 = arith.addi %mul3A_539, %add3A_540 : i32
        %mul3A_542 = arith.constant 16 : i32
        %mul3A_543 = arith.muli %add3A_541, %mul3A_542 : i32
        %add3A_544 = arith.addi %add3A_107, %mul3A_543 : i32
        %add3A_545 = vector.broadcast %add3A_544 : i32 to vector<16xi32>
        %add3A_546 = arith.addi %add3A_545, %iota3A : vector<16xi32>
        %swap3A_547 = arith.index_cast %add3A_537 : i32 to index
        %swap3A_548 = tpu.vector_load %arg8[%swap3A_547] masked %gt3A_311 {strides = array<i32>} : memref<14352xf32, #tpu.memory_space<vmem>>, vector<16xf32>, vector<16xi1>
        tpu.vector_store %arg8[%swap3A_547], %get3A_308 masked %gt3A_311 {strides = array<i32>} : memref<14352xf32, #tpu.memory_space<vmem>>, vector<16xf32>, vector<16xi1>
        %swap3A_549 = arith.index_cast %add3A_537 : i32 to index
        %swap3A_550 = tpu.vector_load %arg9[%swap3A_549] masked %gt3A_311 {strides = array<i32>} : memref<14352xi32, #tpu.memory_space<vmem>>, vector<16xi32>, vector<16xi1>
        tpu.vector_store %arg9[%swap3A_549], %add3A_546 masked %gt3A_311 {strides = array<i32>} : memref<14352xi32, #tpu.memory_space<vmem>>, vector<16xi32>, vector<16xi1>
        %add3A_551 = arith.addi %add3A_537, %reduce_sum3A_316 : i32
        %mul3A_552 = arith.constant 16 : i32
        %mul3A_553 = arith.muli %scan3A_115, %mul3A_552 : i32
        %add3A_554 = arith.constant 12 : i32
        %add3A_555 = arith.addi %mul3A_553, %add3A_554 : i32
        %mul3A_556 = arith.constant 16 : i32
        %mul3A_557 = arith.muli %add3A_555, %mul3A_556 : i32
        %add3A_558 = arith.addi %add3A_107, %mul3A_557 : i32
        %add3A_559 = vector.broadcast %add3A_558 : i32 to vector<16xi32>
        %add3A_560 = arith.addi %add3A_559, %iota3A : vector<16xi32>
        %swap3A_561 = arith.index_cast %add3A_551 : i32 to index
        %swap3A_562 = tpu.vector_load %arg8[%swap3A_561] masked %gt3A_328 {strides = array<i32>} : memref<14352xf32, #tpu.memory_space<vmem>>, vector<16xf32>, vector<16xi1>
        tpu.vector_store %arg8[%swap3A_561], %get3A_325 masked %gt3A_328 {strides = array<i32>} : memref<14352xf32, #tpu.memory_space<vmem>>, vector<16xf32>, vector<16xi1>
        %swap3A_563 = arith.index_cast %add3A_551 : i32 to index
        %swap3A_564 = tpu.vector_load %arg9[%swap3A_563] masked %gt3A_328 {strides = array<i32>} : memref<14352xi32, #tpu.memory_space<vmem>>, vector<16xi32>, vector<16xi1>
        tpu.vector_store %arg9[%swap3A_563], %add3A_560 masked %gt3A_328 {strides = array<i32>} : memref<14352xi32, #tpu.memory_space<vmem>>, vector<16xi32>, vector<16xi1>
        %add3A_565 = arith.addi %add3A_551, %reduce_sum3A_333 : i32
        %mul3A_566 = arith.constant 16 : i32
        %mul3A_567 = arith.muli %scan3A_115, %mul3A_566 : i32
        %add3A_568 = arith.constant 13 : i32
        %add3A_569 = arith.addi %mul3A_567, %add3A_568 : i32
        %mul3A_570 = arith.constant 16 : i32
        %mul3A_571 = arith.muli %add3A_569, %mul3A_570 : i32
        %add3A_572 = arith.addi %add3A_107, %mul3A_571 : i32
        %add3A_573 = vector.broadcast %add3A_572 : i32 to vector<16xi32>
        %add3A_574 = arith.addi %add3A_573, %iota3A : vector<16xi32>
        %swap3A_575 = arith.index_cast %add3A_565 : i32 to index
        %swap3A_576 = tpu.vector_load %arg8[%swap3A_575] masked %gt3A_345 {strides = array<i32>} : memref<14352xf32, #tpu.memory_space<vmem>>, vector<16xf32>, vector<16xi1>
        tpu.vector_store %arg8[%swap3A_575], %get3A_342 masked %gt3A_345 {strides = array<i32>} : memref<14352xf32, #tpu.memory_space<vmem>>, vector<16xf32>, vector<16xi1>
        %swap3A_577 = arith.index_cast %add3A_565 : i32 to index
        %swap3A_578 = tpu.vector_load %arg9[%swap3A_577] masked %gt3A_345 {strides = array<i32>} : memref<14352xi32, #tpu.memory_space<vmem>>, vector<16xi32>, vector<16xi1>
        tpu.vector_store %arg9[%swap3A_577], %add3A_574 masked %gt3A_345 {strides = array<i32>} : memref<14352xi32, #tpu.memory_space<vmem>>, vector<16xi32>, vector<16xi1>
        %add3A_579 = arith.addi %add3A_565, %reduce_sum3A_350 : i32
        %mul3A_580 = arith.constant 16 : i32
        %mul3A_581 = arith.muli %scan3A_115, %mul3A_580 : i32
        %add3A_582 = arith.constant 14 : i32
        %add3A_583 = arith.addi %mul3A_581, %add3A_582 : i32
        %mul3A_584 = arith.constant 16 : i32
        %mul3A_585 = arith.muli %add3A_583, %mul3A_584 : i32
        %add3A_586 = arith.addi %add3A_107, %mul3A_585 : i32
        %add3A_587 = vector.broadcast %add3A_586 : i32 to vector<16xi32>
        %add3A_588 = arith.addi %add3A_587, %iota3A : vector<16xi32>
        %swap3A_589 = arith.index_cast %add3A_579 : i32 to index
        %swap3A_590 = tpu.vector_load %arg8[%swap3A_589] masked %gt3A_362 {strides = array<i32>} : memref<14352xf32, #tpu.memory_space<vmem>>, vector<16xf32>, vector<16xi1>
        tpu.vector_store %arg8[%swap3A_589], %get3A_359 masked %gt3A_362 {strides = array<i32>} : memref<14352xf32, #tpu.memory_space<vmem>>, vector<16xf32>, vector<16xi1>
        %swap3A_591 = arith.index_cast %add3A_579 : i32 to index
        %swap3A_592 = tpu.vector_load %arg9[%swap3A_591] masked %gt3A_362 {strides = array<i32>} : memref<14352xi32, #tpu.memory_space<vmem>>, vector<16xi32>, vector<16xi1>
        tpu.vector_store %arg9[%swap3A_591], %add3A_588 masked %gt3A_362 {strides = array<i32>} : memref<14352xi32, #tpu.memory_space<vmem>>, vector<16xi32>, vector<16xi1>
        %add3A_593 = arith.addi %add3A_579, %reduce_sum3A_367 : i32
        %mul3A_594 = arith.constant 16 : i32
        %mul3A_595 = arith.muli %scan3A_115, %mul3A_594 : i32
        %add3A_596 = arith.constant 15 : i32
        %add3A_597 = arith.addi %mul3A_595, %add3A_596 : i32
        %mul3A_598 = arith.constant 16 : i32
        %mul3A_599 = arith.muli %add3A_597, %mul3A_598 : i32
        %add3A_600 = arith.addi %add3A_107, %mul3A_599 : i32
        %add3A_601 = vector.broadcast %add3A_600 : i32 to vector<16xi32>
        %add3A_602 = arith.addi %add3A_601, %iota3A : vector<16xi32>
        %swap3A_603 = arith.index_cast %add3A_593 : i32 to index
        %swap3A_604 = tpu.vector_load %arg8[%swap3A_603] masked %gt3A_379 {strides = array<i32>} : memref<14352xf32, #tpu.memory_space<vmem>>, vector<16xf32>, vector<16xi1>
        tpu.vector_store %arg8[%swap3A_603], %get3A_376 masked %gt3A_379 {strides = array<i32>} : memref<14352xf32, #tpu.memory_space<vmem>>, vector<16xf32>, vector<16xi1>
        %swap3A_605 = arith.index_cast %add3A_593 : i32 to index
        %swap3A_606 = tpu.vector_load %arg9[%swap3A_605] masked %gt3A_379 {strides = array<i32>} : memref<14352xi32, #tpu.memory_space<vmem>>, vector<16xi32>, vector<16xi1>
        tpu.vector_store %arg9[%swap3A_605], %add3A_602 masked %gt3A_379 {strides = array<i32>} : memref<14352xi32, #tpu.memory_space<vmem>>, vector<16xi32>, vector<16xi1>
        %add3A_607 = arith.addi %add3A_593, %reduce_sum3A_384 : i32
        scf.yield %add3A_607 : i32
      }
      %scan3A_113 = arith.constant 8 : i32
      %min3A = arith.constant 12288 : i32
      %min3A_114 = arith.minsi %scan3A_112, %min3A : i32
      scf.yield %min3A_114 : i32
    }
    %scan3A_59 = arith.constant 16 : i32
    %dma_wait3A_60 = arith.constant 0 : i32
    %dma_wait3A_61 = tpu.memref_slice %arg2[%add3A_45, %dma_wait3A_60] : memref<1536x2048xf32, #tpu.memory_space<hbm>> -> memref<16x2048xf32, #tpu.memory_space<hbm>>
    %dma_wait3A_62 = arith.constant 0 : i32
    %dma_wait3A_63 = tpu.memref_slice %arg2[%add3A_45, %dma_wait3A_62] : memref<1536x2048xf32, #tpu.memory_space<hbm>> -> memref<16x2048xf32, #tpu.memory_space<hbm>>
    tpu.wait_dma2 semaphore(%arg11 : memref<!tpu.dma_semaphore, #tpu.memory_space<semaphore_mem>>) src(%dma_wait3A_63 : memref<16x2048xf32, #tpu.memory_space<hbm>>) dst(%arg6 : memref<16x2048xf32, #tpu.memory_space<vmem>>)
    %scan3A_64 = arith.constant 0 : i32
    %scan3A_65 = arith.constant 16 : i32
    %scan3A_66 = arith.addi %scan3A_64, %scan3A_65 : i32
    %scan3A_67 = arith.constant 1 : i32
    %scan3A_68 = scf.for %scan3A_101 = %scan3A_64 to %scan3A_66 step %scan3A_67 iter_args(%scan3A_102 = %scan3A_58) -> (i32)  : i32 {
      %add3A_103 = arith.constant 65536 : i32
      %add3A_104 = arith.addi %mul3A_2, %add3A_103 : i32
      %mul3A_105 = arith.constant 2048 : i32
      %mul3A_106 = arith.muli %scan3A_101, %mul3A_105 : i32
      %add3A_107 = arith.addi %add3A_104, %mul3A_106 : i32
      %scan3A_108 = arith.constant 0 : i32
      %scan3A_109 = arith.constant 8 : i32
      %scan3A_110 = arith.addi %scan3A_108, %scan3A_109 : i32
      %scan3A_111 = arith.constant 1 : i32
      %scan3A_112 = scf.for %scan3A_115 = %scan3A_108 to %scan3A_110 step %scan3A_111 iter_args(%scan3A_116 = %scan3A_102) -> (i32)  : i32 {
        %mul3A_117 = arith.constant 16 : i32
        %mul3A_118 = arith.muli %scan3A_115, %mul3A_117 : i32
        %add3A_119 = arith.constant 0 : i32
        %add3A_120 = arith.addi %mul3A_118, %add3A_119 : i32
        %mul3A_121 = arith.constant 16 : i32
        %mul3A_122 = arith.muli %add3A_120, %mul3A_121 : i32
        %get3A = arith.index_cast %scan3A_101 : i32 to index
        %get3A_123 = arith.index_cast %mul3A_122 : i32 to index
        %get3A_124 = tpu.vector_load %arg6[%get3A, %get3A_123] {strides = array<i32>} : memref<16x2048xf32, #tpu.memory_space<vmem>>, vector<16xf32>,
        %gt3A = arith.constant 5.000000e-01 : f32
        %gt3A_125 = vector.broadcast %gt3A : f32 to vector<16xf32>
        %gt3A_126 = arith.cmpf ogt, %get3A_124, %gt3A_125 : vector<16xf32>
        %convert_element_type3A = arith.extui %gt3A_126 : vector<16xi1> to vector<16xi32>
        %reduce_sum3A = arith.constant true
        %reduce_sum3A_127 = vector.broadcast %reduce_sum3A : i1 to vector<16xi1>
        %reduce_sum3A_128 = tpu.scan <sum>, %convert_element_type3A masked %reduce_sum3A_127 : vector<16xi32>, vector<16xi1> -> vector<16xi32>
        %reduce_sum3A_129 = vector.extract %reduce_sum3A_128[15] : i32 from vector<16xi32>
        %mul3A_130 = arith.constant 16 : i32
        %mul3A_131 = arith.muli %scan3A_115, %mul3A_130 : i32
        %add3A_132 = arith.constant 1 : i32
        %add3A_133 = arith.addi %mul3A_131, %add3A_132 : i32
        %mul3A_134 = arith.constant 16 : i32
        %mul3A_135 = arith.muli %add3A_133, %mul3A_134 : i32
        %get3A_136 = arith.index_cast %scan3A_101 : i32 to index
        %get3A_137 = arith.index_cast %mul3A_135 : i32 to index
        %get3A_138 = tpu.vector_load %arg6[%get3A_136, %get3A_137] {strides = array<i32>} : memref<16x2048xf32, #tpu.memory_space<vmem>>, vector<16xf32>,
        %gt3A_139 = arith.constant 5.000000e-01 : f32
        %gt3A_140 = vector.broadcast %gt3A_139 : f32 to vector<16xf32>
        %gt3A_141 = arith.cmpf ogt, %get3A_138, %gt3A_140 : vector<16xf32>
        %convert_element_type3A_142 = arith.extui %gt3A_141 : vector<16xi1> to vector<16xi32>
        %reduce_sum3A_143 = arith.constant true
        %reduce_sum3A_144 = vector.broadcast %reduce_sum3A_143 : i1 to vector<16xi1>
        %reduce_sum3A_145 = tpu.scan <sum>, %convert_element_type3A_142 masked %reduce_sum3A_144 : vector<16xi32>, vector<16xi1> -> vector<16xi32>
        %reduce_sum3A_146 = vector.extract %reduce_sum3A_145[15] : i32 from vector<16xi32>
        %mul3A_147 = arith.constant 16 : i32
        %mul3A_148 = arith.muli %scan3A_115, %mul3A_147 : i32
        %add3A_149 = arith.constant 2 : i32
        %add3A_150 = arith.addi %mul3A_148, %add3A_149 : i32
        %mul3A_151 = arith.constant 16 : i32
        %mul3A_152 = arith.muli %add3A_150, %mul3A_151 : i32
        %get3A_153 = arith.index_cast %scan3A_101 : i32 to index
        %get3A_154 = arith.index_cast %mul3A_152 : i32 to index
        %get3A_155 = tpu.vector_load %arg6[%get3A_153, %get3A_154] {strides = array<i32>} : memref<16x2048xf32, #tpu.memory_space<vmem>>, vector<16xf32>,
        %gt3A_156 = arith.constant 5.000000e-01 : f32
        %gt3A_157 = vector.broadcast %gt3A_156 : f32 to vector<16xf32>
        %gt3A_158 = arith.cmpf ogt, %get3A_155, %gt3A_157 : vector<16xf32>
        %convert_element_type3A_159 = arith.extui %gt3A_158 : vector<16xi1> to vector<16xi32>
        %reduce_sum3A_160 = arith.constant true
        %reduce_sum3A_161 = vector.broadcast %reduce_sum3A_160 : i1 to vector<16xi1>
        %reduce_sum3A_162 = tpu.scan <sum>, %convert_element_type3A_159 masked %reduce_sum3A_161 : vector<16xi32>, vector<16xi1> -> vector<16xi32>
        %reduce_sum3A_163 = vector.extract %reduce_sum3A_162[15] : i32 from vector<16xi32>
        %mul3A_164 = arith.constant 16 : i32
        %mul3A_165 = arith.muli %scan3A_115, %mul3A_164 : i32
        %add3A_166 = arith.constant 3 : i32
        %add3A_167 = arith.addi %mul3A_165, %add3A_166 : i32
        %mul3A_168 = arith.constant 16 : i32
        %mul3A_169 = arith.muli %add3A_167, %mul3A_168 : i32
        %get3A_170 = arith.index_cast %scan3A_101 : i32 to index
        %get3A_171 = arith.index_cast %mul3A_169 : i32 to index
        %get3A_172 = tpu.vector_load %arg6[%get3A_170, %get3A_171] {strides = array<i32>} : memref<16x2048xf32, #tpu.memory_space<vmem>>, vector<16xf32>,
        %gt3A_173 = arith.constant 5.000000e-01 : f32
        %gt3A_174 = vector.broadcast %gt3A_173 : f32 to vector<16xf32>
        %gt3A_175 = arith.cmpf ogt, %get3A_172, %gt3A_174 : vector<16xf32>
        %convert_element_type3A_176 = arith.extui %gt3A_175 : vector<16xi1> to vector<16xi32>
        %reduce_sum3A_177 = arith.constant true
        %reduce_sum3A_178 = vector.broadcast %reduce_sum3A_177 : i1 to vector<16xi1>
        %reduce_sum3A_179 = tpu.scan <sum>, %convert_element_type3A_176 masked %reduce_sum3A_178 : vector<16xi32>, vector<16xi1> -> vector<16xi32>
        %reduce_sum3A_180 = vector.extract %reduce_sum3A_179[15] : i32 from vector<16xi32>
        %mul3A_181 = arith.constant 16 : i32
        %mul3A_182 = arith.muli %scan3A_115, %mul3A_181 : i32
        %add3A_183 = arith.constant 4 : i32
        %add3A_184 = arith.addi %mul3A_182, %add3A_183 : i32
        %mul3A_185 = arith.constant 16 : i32
        %mul3A_186 = arith.muli %add3A_184, %mul3A_185 : i32
        %get3A_187 = arith.index_cast %scan3A_101 : i32 to index
        %get3A_188 = arith.index_cast %mul3A_186 : i32 to index
        %get3A_189 = tpu.vector_load %arg6[%get3A_187, %get3A_188] {strides = array<i32>} : memref<16x2048xf32, #tpu.memory_space<vmem>>, vector<16xf32>,
        %gt3A_190 = arith.constant 5.000000e-01 : f32
        %gt3A_191 = vector.broadcast %gt3A_190 : f32 to vector<16xf32>
        %gt3A_192 = arith.cmpf ogt, %get3A_189, %gt3A_191 : vector<16xf32>
        %convert_element_type3A_193 = arith.extui %gt3A_192 : vector<16xi1> to vector<16xi32>
        %reduce_sum3A_194 = arith.constant true
        %reduce_sum3A_195 = vector.broadcast %reduce_sum3A_194 : i1 to vector<16xi1>
        %reduce_sum3A_196 = tpu.scan <sum>, %convert_element_type3A_193 masked %reduce_sum3A_195 : vector<16xi32>, vector<16xi1> -> vector<16xi32>
        %reduce_sum3A_197 = vector.extract %reduce_sum3A_196[15] : i32 from vector<16xi32>
        %mul3A_198 = arith.constant 16 : i32
        %mul3A_199 = arith.muli %scan3A_115, %mul3A_198 : i32
        %add3A_200 = arith.constant 5 : i32
        %add3A_201 = arith.addi %mul3A_199, %add3A_200 : i32
        %mul3A_202 = arith.constant 16 : i32
        %mul3A_203 = arith.muli %add3A_201, %mul3A_202 : i32
        %get3A_204 = arith.index_cast %scan3A_101 : i32 to index
        %get3A_205 = arith.index_cast %mul3A_203 : i32 to index
        %get3A_206 = tpu.vector_load %arg6[%get3A_204, %get3A_205] {strides = array<i32>} : memref<16x2048xf32, #tpu.memory_space<vmem>>, vector<16xf32>,
        %gt3A_207 = arith.constant 5.000000e-01 : f32
        %gt3A_208 = vector.broadcast %gt3A_207 : f32 to vector<16xf32>
        %gt3A_209 = arith.cmpf ogt, %get3A_206, %gt3A_208 : vector<16xf32>
        %convert_element_type3A_210 = arith.extui %gt3A_209 : vector<16xi1> to vector<16xi32>
        %reduce_sum3A_211 = arith.constant true
        %reduce_sum3A_212 = vector.broadcast %reduce_sum3A_211 : i1 to vector<16xi1>
        %reduce_sum3A_213 = tpu.scan <sum>, %convert_element_type3A_210 masked %reduce_sum3A_212 : vector<16xi32>, vector<16xi1> -> vector<16xi32>
        %reduce_sum3A_214 = vector.extract %reduce_sum3A_213[15] : i32 from vector<16xi32>
        %mul3A_215 = arith.constant 16 : i32
        %mul3A_216 = arith.muli %scan3A_115, %mul3A_215 : i32
        %add3A_217 = arith.constant 6 : i32
        %add3A_218 = arith.addi %mul3A_216, %add3A_217 : i32
        %mul3A_219 = arith.constant 16 : i32
        %mul3A_220 = arith.muli %add3A_218, %mul3A_219 : i32
        %get3A_221 = arith.index_cast %scan3A_101 : i32 to index
        %get3A_222 = arith.index_cast %mul3A_220 : i32 to index
        %get3A_223 = tpu.vector_load %arg6[%get3A_221, %get3A_222] {strides = array<i32>} : memref<16x2048xf32, #tpu.memory_space<vmem>>, vector<16xf32>,
        %gt3A_224 = arith.constant 5.000000e-01 : f32
        %gt3A_225 = vector.broadcast %gt3A_224 : f32 to vector<16xf32>
        %gt3A_226 = arith.cmpf ogt, %get3A_223, %gt3A_225 : vector<16xf32>
        %convert_element_type3A_227 = arith.extui %gt3A_226 : vector<16xi1> to vector<16xi32>
        %reduce_sum3A_228 = arith.constant true
        %reduce_sum3A_229 = vector.broadcast %reduce_sum3A_228 : i1 to vector<16xi1>
        %reduce_sum3A_230 = tpu.scan <sum>, %convert_element_type3A_227 masked %reduce_sum3A_229 : vector<16xi32>, vector<16xi1> -> vector<16xi32>
        %reduce_sum3A_231 = vector.extract %reduce_sum3A_230[15] : i32 from vector<16xi32>
        %mul3A_232 = arith.constant 16 : i32
        %mul3A_233 = arith.muli %scan3A_115, %mul3A_232 : i32
        %add3A_234 = arith.constant 7 : i32
        %add3A_235 = arith.addi %mul3A_233, %add3A_234 : i32
        %mul3A_236 = arith.constant 16 : i32
        %mul3A_237 = arith.muli %add3A_235, %mul3A_236 : i32
        %get3A_238 = arith.index_cast %scan3A_101 : i32 to index
        %get3A_239 = arith.index_cast %mul3A_237 : i32 to index
        %get3A_240 = tpu.vector_load %arg6[%get3A_238, %get3A_239] {strides = array<i32>} : memref<16x2048xf32, #tpu.memory_space<vmem>>, vector<16xf32>,
        %gt3A_241 = arith.constant 5.000000e-01 : f32
        %gt3A_242 = vector.broadcast %gt3A_241 : f32 to vector<16xf32>
        %gt3A_243 = arith.cmpf ogt, %get3A_240, %gt3A_242 : vector<16xf32>
        %convert_element_type3A_244 = arith.extui %gt3A_243 : vector<16xi1> to vector<16xi32>
        %reduce_sum3A_245 = arith.constant true
        %reduce_sum3A_246 = vector.broadcast %reduce_sum3A_245 : i1 to vector<16xi1>
        %reduce_sum3A_247 = tpu.scan <sum>, %convert_element_type3A_244 masked %reduce_sum3A_246 : vector<16xi32>, vector<16xi1> -> vector<16xi32>
        %reduce_sum3A_248 = vector.extract %reduce_sum3A_247[15] : i32 from vector<16xi32>
        %mul3A_249 = arith.constant 16 : i32
        %mul3A_250 = arith.muli %scan3A_115, %mul3A_249 : i32
        %add3A_251 = arith.constant 8 : i32
        %add3A_252 = arith.addi %mul3A_250, %add3A_251 : i32
        %mul3A_253 = arith.constant 16 : i32
        %mul3A_254 = arith.muli %add3A_252, %mul3A_253 : i32
        %get3A_255 = arith.index_cast %scan3A_101 : i32 to index
        %get3A_256 = arith.index_cast %mul3A_254 : i32 to index
        %get3A_257 = tpu.vector_load %arg6[%get3A_255, %get3A_256] {strides = array<i32>} : memref<16x2048xf32, #tpu.memory_space<vmem>>, vector<16xf32>,
        %gt3A_258 = arith.constant 5.000000e-01 : f32
        %gt3A_259 = vector.broadcast %gt3A_258 : f32 to vector<16xf32>
        %gt3A_260 = arith.cmpf ogt, %get3A_257, %gt3A_259 : vector<16xf32>
        %convert_element_type3A_261 = arith.extui %gt3A_260 : vector<16xi1> to vector<16xi32>
        %reduce_sum3A_262 = arith.constant true
        %reduce_sum3A_263 = vector.broadcast %reduce_sum3A_262 : i1 to vector<16xi1>
        %reduce_sum3A_264 = tpu.scan <sum>, %convert_element_type3A_261 masked %reduce_sum3A_263 : vector<16xi32>, vector<16xi1> -> vector<16xi32>
        %reduce_sum3A_265 = vector.extract %reduce_sum3A_264[15] : i32 from vector<16xi32>
        %mul3A_266 = arith.constant 16 : i32
        %mul3A_267 = arith.muli %scan3A_115, %mul3A_266 : i32
        %add3A_268 = arith.constant 9 : i32
        %add3A_269 = arith.addi %mul3A_267, %add3A_268 : i32
        %mul3A_270 = arith.constant 16 : i32
        %mul3A_271 = arith.muli %add3A_269, %mul3A_270 : i32
        %get3A_272 = arith.index_cast %scan3A_101 : i32 to index
        %get3A_273 = arith.index_cast %mul3A_271 : i32 to index
        %get3A_274 = tpu.vector_load %arg6[%get3A_272, %get3A_273] {strides = array<i32>} : memref<16x2048xf32, #tpu.memory_space<vmem>>, vector<16xf32>,
        %gt3A_275 = arith.constant 5.000000e-01 : f32
        %gt3A_276 = vector.broadcast %gt3A_275 : f32 to vector<16xf32>
        %gt3A_277 = arith.cmpf ogt, %get3A_274, %gt3A_276 : vector<16xf32>
        %convert_element_type3A_278 = arith.extui %gt3A_277 : vector<16xi1> to vector<16xi32>
        %reduce_sum3A_279 = arith.constant true
        %reduce_sum3A_280 = vector.broadcast %reduce_sum3A_279 : i1 to vector<16xi1>
        %reduce_sum3A_281 = tpu.scan <sum>, %convert_element_type3A_278 masked %reduce_sum3A_280 : vector<16xi32>, vector<16xi1> -> vector<16xi32>
        %reduce_sum3A_282 = vector.extract %reduce_sum3A_281[15] : i32 from vector<16xi32>
        %mul3A_283 = arith.constant 16 : i32
        %mul3A_284 = arith.muli %scan3A_115, %mul3A_283 : i32
        %add3A_285 = arith.constant 10 : i32
        %add3A_286 = arith.addi %mul3A_284, %add3A_285 : i32
        %mul3A_287 = arith.constant 16 : i32
        %mul3A_288 = arith.muli %add3A_286, %mul3A_287 : i32
        %get3A_289 = arith.index_cast %scan3A_101 : i32 to index
        %get3A_290 = arith.index_cast %mul3A_288 : i32 to index
        %get3A_291 = tpu.vector_load %arg6[%get3A_289, %get3A_290] {strides = array<i32>} : memref<16x2048xf32, #tpu.memory_space<vmem>>, vector<16xf32>,
        %gt3A_292 = arith.constant 5.000000e-01 : f32
        %gt3A_293 = vector.broadcast %gt3A_292 : f32 to vector<16xf32>
        %gt3A_294 = arith.cmpf ogt, %get3A_291, %gt3A_293 : vector<16xf32>
        %convert_element_type3A_295 = arith.extui %gt3A_294 : vector<16xi1> to vector<16xi32>
        %reduce_sum3A_296 = arith.constant true
        %reduce_sum3A_297 = vector.broadcast %reduce_sum3A_296 : i1 to vector<16xi1>
        %reduce_sum3A_298 = tpu.scan <sum>, %convert_element_type3A_295 masked %reduce_sum3A_297 : vector<16xi32>, vector<16xi1> -> vector<16xi32>
        %reduce_sum3A_299 = vector.extract %reduce_sum3A_298[15] : i32 from vector<16xi32>
        %mul3A_300 = arith.constant 16 : i32
        %mul3A_301 = arith.muli %scan3A_115, %mul3A_300 : i32
        %add3A_302 = arith.constant 11 : i32
        %add3A_303 = arith.addi %mul3A_301, %add3A_302 : i32
        %mul3A_304 = arith.constant 16 : i32
        %mul3A_305 = arith.muli %add3A_303, %mul3A_304 : i32
        %get3A_306 = arith.index_cast %scan3A_101 : i32 to index
        %get3A_307 = arith.index_cast %mul3A_305 : i32 to index
        %get3A_308 = tpu.vector_load %arg6[%get3A_306, %get3A_307] {strides = array<i32>} : memref<16x2048xf32, #tpu.memory_space<vmem>>, vector<16xf32>,
        %gt3A_309 = arith.constant 5.000000e-01 : f32
        %gt3A_310 = vector.broadcast %gt3A_309 : f32 to vector<16xf32>
        %gt3A_311 = arith.cmpf ogt, %get3A_308, %gt3A_310 : vector<16xf32>
        %convert_element_type3A_312 = arith.extui %gt3A_311 : vector<16xi1> to vector<16xi32>
        %reduce_sum3A_313 = arith.constant true
        %reduce_sum3A_314 = vector.broadcast %reduce_sum3A_313 : i1 to vector<16xi1>
        %reduce_sum3A_315 = tpu.scan <sum>, %convert_element_type3A_312 masked %reduce_sum3A_314 : vector<16xi32>, vector<16xi1> -> vector<16xi32>
        %reduce_sum3A_316 = vector.extract %reduce_sum3A_315[15] : i32 from vector<16xi32>
        %mul3A_317 = arith.constant 16 : i32
        %mul3A_318 = arith.muli %scan3A_115, %mul3A_317 : i32
        %add3A_319 = arith.constant 12 : i32
        %add3A_320 = arith.addi %mul3A_318, %add3A_319 : i32
        %mul3A_321 = arith.constant 16 : i32
        %mul3A_322 = arith.muli %add3A_320, %mul3A_321 : i32
        %get3A_323 = arith.index_cast %scan3A_101 : i32 to index
        %get3A_324 = arith.index_cast %mul3A_322 : i32 to index
        %get3A_325 = tpu.vector_load %arg6[%get3A_323, %get3A_324] {strides = array<i32>} : memref<16x2048xf32, #tpu.memory_space<vmem>>, vector<16xf32>,
        %gt3A_326 = arith.constant 5.000000e-01 : f32
        %gt3A_327 = vector.broadcast %gt3A_326 : f32 to vector<16xf32>
        %gt3A_328 = arith.cmpf ogt, %get3A_325, %gt3A_327 : vector<16xf32>
        %convert_element_type3A_329 = arith.extui %gt3A_328 : vector<16xi1> to vector<16xi32>
        %reduce_sum3A_330 = arith.constant true
        %reduce_sum3A_331 = vector.broadcast %reduce_sum3A_330 : i1 to vector<16xi1>
        %reduce_sum3A_332 = tpu.scan <sum>, %convert_element_type3A_329 masked %reduce_sum3A_331 : vector<16xi32>, vector<16xi1> -> vector<16xi32>
        %reduce_sum3A_333 = vector.extract %reduce_sum3A_332[15] : i32 from vector<16xi32>
        %mul3A_334 = arith.constant 16 : i32
        %mul3A_335 = arith.muli %scan3A_115, %mul3A_334 : i32
        %add3A_336 = arith.constant 13 : i32
        %add3A_337 = arith.addi %mul3A_335, %add3A_336 : i32
        %mul3A_338 = arith.constant 16 : i32
        %mul3A_339 = arith.muli %add3A_337, %mul3A_338 : i32
        %get3A_340 = arith.index_cast %scan3A_101 : i32 to index
        %get3A_341 = arith.index_cast %mul3A_339 : i32 to index
        %get3A_342 = tpu.vector_load %arg6[%get3A_340, %get3A_341] {strides = array<i32>} : memref<16x2048xf32, #tpu.memory_space<vmem>>, vector<16xf32>,
        %gt3A_343 = arith.constant 5.000000e-01 : f32
        %gt3A_344 = vector.broadcast %gt3A_343 : f32 to vector<16xf32>
        %gt3A_345 = arith.cmpf ogt, %get3A_342, %gt3A_344 : vector<16xf32>
        %convert_element_type3A_346 = arith.extui %gt3A_345 : vector<16xi1> to vector<16xi32>
        %reduce_sum3A_347 = arith.constant true
        %reduce_sum3A_348 = vector.broadcast %reduce_sum3A_347 : i1 to vector<16xi1>
        %reduce_sum3A_349 = tpu.scan <sum>, %convert_element_type3A_346 masked %reduce_sum3A_348 : vector<16xi32>, vector<16xi1> -> vector<16xi32>
        %reduce_sum3A_350 = vector.extract %reduce_sum3A_349[15] : i32 from vector<16xi32>
        %mul3A_351 = arith.constant 16 : i32
        %mul3A_352 = arith.muli %scan3A_115, %mul3A_351 : i32
        %add3A_353 = arith.constant 14 : i32
        %add3A_354 = arith.addi %mul3A_352, %add3A_353 : i32
        %mul3A_355 = arith.constant 16 : i32
        %mul3A_356 = arith.muli %add3A_354, %mul3A_355 : i32
        %get3A_357 = arith.index_cast %scan3A_101 : i32 to index
        %get3A_358 = arith.index_cast %mul3A_356 : i32 to index
        %get3A_359 = tpu.vector_load %arg6[%get3A_357, %get3A_358] {strides = array<i32>} : memref<16x2048xf32, #tpu.memory_space<vmem>>, vector<16xf32>,
        %gt3A_360 = arith.constant 5.000000e-01 : f32
        %gt3A_361 = vector.broadcast %gt3A_360 : f32 to vector<16xf32>
        %gt3A_362 = arith.cmpf ogt, %get3A_359, %gt3A_361 : vector<16xf32>
        %convert_element_type3A_363 = arith.extui %gt3A_362 : vector<16xi1> to vector<16xi32>
        %reduce_sum3A_364 = arith.constant true
        %reduce_sum3A_365 = vector.broadcast %reduce_sum3A_364 : i1 to vector<16xi1>
        %reduce_sum3A_366 = tpu.scan <sum>, %convert_element_type3A_363 masked %reduce_sum3A_365 : vector<16xi32>, vector<16xi1> -> vector<16xi32>
        %reduce_sum3A_367 = vector.extract %reduce_sum3A_366[15] : i32 from vector<16xi32>
        %mul3A_368 = arith.constant 16 : i32
        %mul3A_369 = arith.muli %scan3A_115, %mul3A_368 : i32
        %add3A_370 = arith.constant 15 : i32
        %add3A_371 = arith.addi %mul3A_369, %add3A_370 : i32
        %mul3A_372 = arith.constant 16 : i32
        %mul3A_373 = arith.muli %add3A_371, %mul3A_372 : i32
        %get3A_374 = arith.index_cast %scan3A_101 : i32 to index
        %get3A_375 = arith.index_cast %mul3A_373 : i32 to index
        %get3A_376 = tpu.vector_load %arg6[%get3A_374, %get3A_375] {strides = array<i32>} : memref<16x2048xf32, #tpu.memory_space<vmem>>, vector<16xf32>,
        %gt3A_377 = arith.constant 5.000000e-01 : f32
        %gt3A_378 = vector.broadcast %gt3A_377 : f32 to vector<16xf32>
        %gt3A_379 = arith.cmpf ogt, %get3A_376, %gt3A_378 : vector<16xf32>
        %convert_element_type3A_380 = arith.extui %gt3A_379 : vector<16xi1> to vector<16xi32>
        %reduce_sum3A_381 = arith.constant true
        %reduce_sum3A_382 = vector.broadcast %reduce_sum3A_381 : i1 to vector<16xi1>
        %reduce_sum3A_383 = tpu.scan <sum>, %convert_element_type3A_380 masked %reduce_sum3A_382 : vector<16xi32>, vector<16xi1> -> vector<16xi32>
        %reduce_sum3A_384 = vector.extract %reduce_sum3A_383[15] : i32 from vector<16xi32>
        %mul3A_385 = arith.constant 16 : i32
        %mul3A_386 = arith.muli %scan3A_115, %mul3A_385 : i32
        %add3A_387 = arith.constant 0 : i32
        %add3A_388 = arith.addi %mul3A_386, %add3A_387 : i32
        %mul3A_389 = arith.constant 16 : i32
        %mul3A_390 = arith.muli %add3A_388, %mul3A_389 : i32
        %add3A_391 = arith.addi %add3A_107, %mul3A_390 : i32
        %add3A_392 = vector.broadcast %add3A_391 : i32 to vector<16xi32>
        %add3A_393 = arith.addi %add3A_392, %iota3A : vector<16xi32>
        %swap3A = arith.index_cast %scan3A_116 : i32 to index
        %swap3A_394 = tpu.vector_load %arg8[%swap3A] masked %gt3A_126 {strides = array<i32>} : memref<14352xf32, #tpu.memory_space<vmem>>, vector<16xf32>, vector<16xi1>
        tpu.vector_store %arg8[%swap3A], %get3A_124 masked %gt3A_126 {strides = array<i32>} : memref<14352xf32, #tpu.memory_space<vmem>>, vector<16xf32>, vector<16xi1>
        %swap3A_395 = arith.index_cast %scan3A_116 : i32 to index
        %swap3A_396 = tpu.vector_load %arg9[%swap3A_395] masked %gt3A_126 {strides = array<i32>} : memref<14352xi32, #tpu.memory_space<vmem>>, vector<16xi32>, vector<16xi1>
        tpu.vector_store %arg9[%swap3A_395], %add3A_393 masked %gt3A_126 {strides = array<i32>} : memref<14352xi32, #tpu.memory_space<vmem>>, vector<16xi32>, vector<16xi1>
        %add3A_397 = arith.addi %scan3A_116, %reduce_sum3A_129 : i32
        %mul3A_398 = arith.constant 16 : i32
        %mul3A_399 = arith.muli %scan3A_115, %mul3A_398 : i32
        %add3A_400 = arith.constant 1 : i32
        %add3A_401 = arith.addi %mul3A_399, %add3A_400 : i32
        %mul3A_402 = arith.constant 16 : i32
        %mul3A_403 = arith.muli %add3A_401, %mul3A_402 : i32
        %add3A_404 = arith.addi %add3A_107, %mul3A_403 : i32
        %add3A_405 = vector.broadcast %add3A_404 : i32 to vector<16xi32>
        %add3A_406 = arith.addi %add3A_405, %iota3A : vector<16xi32>
        %swap3A_407 = arith.index_cast %add3A_397 : i32 to index
        %swap3A_408 = tpu.vector_load %arg8[%swap3A_407] masked %gt3A_141 {strides = array<i32>} : memref<14352xf32, #tpu.memory_space<vmem>>, vector<16xf32>, vector<16xi1>
        tpu.vector_store %arg8[%swap3A_407], %get3A_138 masked %gt3A_141 {strides = array<i32>} : memref<14352xf32, #tpu.memory_space<vmem>>, vector<16xf32>, vector<16xi1>
        %swap3A_409 = arith.index_cast %add3A_397 : i32 to index
        %swap3A_410 = tpu.vector_load %arg9[%swap3A_409] masked %gt3A_141 {strides = array<i32>} : memref<14352xi32, #tpu.memory_space<vmem>>, vector<16xi32>, vector<16xi1>
        tpu.vector_store %arg9[%swap3A_409], %add3A_406 masked %gt3A_141 {strides = array<i32>} : memref<14352xi32, #tpu.memory_space<vmem>>, vector<16xi32>, vector<16xi1>
        %add3A_411 = arith.addi %add3A_397, %reduce_sum3A_146 : i32
        %mul3A_412 = arith.constant 16 : i32
        %mul3A_413 = arith.muli %scan3A_115, %mul3A_412 : i32
        %add3A_414 = arith.constant 2 : i32
        %add3A_415 = arith.addi %mul3A_413, %add3A_414 : i32
        %mul3A_416 = arith.constant 16 : i32
        %mul3A_417 = arith.muli %add3A_415, %mul3A_416 : i32
        %add3A_418 = arith.addi %add3A_107, %mul3A_417 : i32
        %add3A_419 = vector.broadcast %add3A_418 : i32 to vector<16xi32>
        %add3A_420 = arith.addi %add3A_419, %iota3A : vector<16xi32>
        %swap3A_421 = arith.index_cast %add3A_411 : i32 to index
        %swap3A_422 = tpu.vector_load %arg8[%swap3A_421] masked %gt3A_158 {strides = array<i32>} : memref<14352xf32, #tpu.memory_space<vmem>>, vector<16xf32>, vector<16xi1>
        tpu.vector_store %arg8[%swap3A_421], %get3A_155 masked %gt3A_158 {strides = array<i32>} : memref<14352xf32, #tpu.memory_space<vmem>>, vector<16xf32>, vector<16xi1>
        %swap3A_423 = arith.index_cast %add3A_411 : i32 to index
        %swap3A_424 = tpu.vector_load %arg9[%swap3A_423] masked %gt3A_158 {strides = array<i32>} : memref<14352xi32, #tpu.memory_space<vmem>>, vector<16xi32>, vector<16xi1>
        tpu.vector_store %arg9[%swap3A_423], %add3A_420 masked %gt3A_158 {strides = array<i32>} : memref<14352xi32, #tpu.memory_space<vmem>>, vector<16xi32>, vector<16xi1>
        %add3A_425 = arith.addi %add3A_411, %reduce_sum3A_163 : i32
        %mul3A_426 = arith.constant 16 : i32
        %mul3A_427 = arith.muli %scan3A_115, %mul3A_426 : i32
        %add3A_428 = arith.constant 3 : i32
        %add3A_429 = arith.addi %mul3A_427, %add3A_428 : i32
        %mul3A_430 = arith.constant 16 : i32
        %mul3A_431 = arith.muli %add3A_429, %mul3A_430 : i32
        %add3A_432 = arith.addi %add3A_107, %mul3A_431 : i32
        %add3A_433 = vector.broadcast %add3A_432 : i32 to vector<16xi32>
        %add3A_434 = arith.addi %add3A_433, %iota3A : vector<16xi32>
        %swap3A_435 = arith.index_cast %add3A_425 : i32 to index
        %swap3A_436 = tpu.vector_load %arg8[%swap3A_435] masked %gt3A_175 {strides = array<i32>} : memref<14352xf32, #tpu.memory_space<vmem>>, vector<16xf32>, vector<16xi1>
        tpu.vector_store %arg8[%swap3A_435], %get3A_172 masked %gt3A_175 {strides = array<i32>} : memref<14352xf32, #tpu.memory_space<vmem>>, vector<16xf32>, vector<16xi1>
        %swap3A_437 = arith.index_cast %add3A_425 : i32 to index
        %swap3A_438 = tpu.vector_load %arg9[%swap3A_437] masked %gt3A_175 {strides = array<i32>} : memref<14352xi32, #tpu.memory_space<vmem>>, vector<16xi32>, vector<16xi1>
        tpu.vector_store %arg9[%swap3A_437], %add3A_434 masked %gt3A_175 {strides = array<i32>} : memref<14352xi32, #tpu.memory_space<vmem>>, vector<16xi32>, vector<16xi1>
        %add3A_439 = arith.addi %add3A_425, %reduce_sum3A_180 : i32
        %mul3A_440 = arith.constant 16 : i32
        %mul3A_441 = arith.muli %scan3A_115, %mul3A_440 : i32
        %add3A_442 = arith.constant 4 : i32
        %add3A_443 = arith.addi %mul3A_441, %add3A_442 : i32
        %mul3A_444 = arith.constant 16 : i32
        %mul3A_445 = arith.muli %add3A_443, %mul3A_444 : i32
        %add3A_446 = arith.addi %add3A_107, %mul3A_445 : i32
        %add3A_447 = vector.broadcast %add3A_446 : i32 to vector<16xi32>
        %add3A_448 = arith.addi %add3A_447, %iota3A : vector<16xi32>
        %swap3A_449 = arith.index_cast %add3A_439 : i32 to index
        %swap3A_450 = tpu.vector_load %arg8[%swap3A_449] masked %gt3A_192 {strides = array<i32>} : memref<14352xf32, #tpu.memory_space<vmem>>, vector<16xf32>, vector<16xi1>
        tpu.vector_store %arg8[%swap3A_449], %get3A_189 masked %gt3A_192 {strides = array<i32>} : memref<14352xf32, #tpu.memory_space<vmem>>, vector<16xf32>, vector<16xi1>
        %swap3A_451 = arith.index_cast %add3A_439 : i32 to index
        %swap3A_452 = tpu.vector_load %arg9[%swap3A_451] masked %gt3A_192 {strides = array<i32>} : memref<14352xi32, #tpu.memory_space<vmem>>, vector<16xi32>, vector<16xi1>
        tpu.vector_store %arg9[%swap3A_451], %add3A_448 masked %gt3A_192 {strides = array<i32>} : memref<14352xi32, #tpu.memory_space<vmem>>, vector<16xi32>, vector<16xi1>
        %add3A_453 = arith.addi %add3A_439, %reduce_sum3A_197 : i32
        %mul3A_454 = arith.constant 16 : i32
        %mul3A_455 = arith.muli %scan3A_115, %mul3A_454 : i32
        %add3A_456 = arith.constant 5 : i32
        %add3A_457 = arith.addi %mul3A_455, %add3A_456 : i32
        %mul3A_458 = arith.constant 16 : i32
        %mul3A_459 = arith.muli %add3A_457, %mul3A_458 : i32
        %add3A_460 = arith.addi %add3A_107, %mul3A_459 : i32
        %add3A_461 = vector.broadcast %add3A_460 : i32 to vector<16xi32>
        %add3A_462 = arith.addi %add3A_461, %iota3A : vector<16xi32>
        %swap3A_463 = arith.index_cast %add3A_453 : i32 to index
        %swap3A_464 = tpu.vector_load %arg8[%swap3A_463] masked %gt3A_209 {strides = array<i32>} : memref<14352xf32, #tpu.memory_space<vmem>>, vector<16xf32>, vector<16xi1>
        tpu.vector_store %arg8[%swap3A_463], %get3A_206 masked %gt3A_209 {strides = array<i32>} : memref<14352xf32, #tpu.memory_space<vmem>>, vector<16xf32>, vector<16xi1>
        %swap3A_465 = arith.index_cast %add3A_453 : i32 to index
        %swap3A_466 = tpu.vector_load %arg9[%swap3A_465] masked %gt3A_209 {strides = array<i32>} : memref<14352xi32, #tpu.memory_space<vmem>>, vector<16xi32>, vector<16xi1>
        tpu.vector_store %arg9[%swap3A_465], %add3A_462 masked %gt3A_209 {strides = array<i32>} : memref<14352xi32, #tpu.memory_space<vmem>>, vector<16xi32>, vector<16xi1>
        %add3A_467 = arith.addi %add3A_453, %reduce_sum3A_214 : i32
        %mul3A_468 = arith.constant 16 : i32
        %mul3A_469 = arith.muli %scan3A_115, %mul3A_468 : i32
        %add3A_470 = arith.constant 6 : i32
        %add3A_471 = arith.addi %mul3A_469, %add3A_470 : i32
        %mul3A_472 = arith.constant 16 : i32
        %mul3A_473 = arith.muli %add3A_471, %mul3A_472 : i32
        %add3A_474 = arith.addi %add3A_107, %mul3A_473 : i32
        %add3A_475 = vector.broadcast %add3A_474 : i32 to vector<16xi32>
        %add3A_476 = arith.addi %add3A_475, %iota3A : vector<16xi32>
        %swap3A_477 = arith.index_cast %add3A_467 : i32 to index
        %swap3A_478 = tpu.vector_load %arg8[%swap3A_477] masked %gt3A_226 {strides = array<i32>} : memref<14352xf32, #tpu.memory_space<vmem>>, vector<16xf32>, vector<16xi1>
        tpu.vector_store %arg8[%swap3A_477], %get3A_223 masked %gt3A_226 {strides = array<i32>} : memref<14352xf32, #tpu.memory_space<vmem>>, vector<16xf32>, vector<16xi1>
        %swap3A_479 = arith.index_cast %add3A_467 : i32 to index
        %swap3A_480 = tpu.vector_load %arg9[%swap3A_479] masked %gt3A_226 {strides = array<i32>} : memref<14352xi32, #tpu.memory_space<vmem>>, vector<16xi32>, vector<16xi1>
        tpu.vector_store %arg9[%swap3A_479], %add3A_476 masked %gt3A_226 {strides = array<i32>} : memref<14352xi32, #tpu.memory_space<vmem>>, vector<16xi32>, vector<16xi1>
        %add3A_481 = arith.addi %add3A_467, %reduce_sum3A_231 : i32
        %mul3A_482 = arith.constant 16 : i32
        %mul3A_483 = arith.muli %scan3A_115, %mul3A_482 : i32
        %add3A_484 = arith.constant 7 : i32
        %add3A_485 = arith.addi %mul3A_483, %add3A_484 : i32
        %mul3A_486 = arith.constant 16 : i32
        %mul3A_487 = arith.muli %add3A_485, %mul3A_486 : i32
        %add3A_488 = arith.addi %add3A_107, %mul3A_487 : i32
        %add3A_489 = vector.broadcast %add3A_488 : i32 to vector<16xi32>
        %add3A_490 = arith.addi %add3A_489, %iota3A : vector<16xi32>
        %swap3A_491 = arith.index_cast %add3A_481 : i32 to index
        %swap3A_492 = tpu.vector_load %arg8[%swap3A_491] masked %gt3A_243 {strides = array<i32>} : memref<14352xf32, #tpu.memory_space<vmem>>, vector<16xf32>, vector<16xi1>
        tpu.vector_store %arg8[%swap3A_491], %get3A_240 masked %gt3A_243 {strides = array<i32>} : memref<14352xf32, #tpu.memory_space<vmem>>, vector<16xf32>, vector<16xi1>
        %swap3A_493 = arith.index_cast %add3A_481 : i32 to index
        %swap3A_494 = tpu.vector_load %arg9[%swap3A_493] masked %gt3A_243 {strides = array<i32>} : memref<14352xi32, #tpu.memory_space<vmem>>, vector<16xi32>, vector<16xi1>
        tpu.vector_store %arg9[%swap3A_493], %add3A_490 masked %gt3A_243 {strides = array<i32>} : memref<14352xi32, #tpu.memory_space<vmem>>, vector<16xi32>, vector<16xi1>
        %add3A_495 = arith.addi %add3A_481, %reduce_sum3A_248 : i32
        %mul3A_496 = arith.constant 16 : i32
        %mul3A_497 = arith.muli %scan3A_115, %mul3A_496 : i32
        %add3A_498 = arith.constant 8 : i32
        %add3A_499 = arith.addi %mul3A_497, %add3A_498 : i32
        %mul3A_500 = arith.constant 16 : i32
        %mul3A_501 = arith.muli %add3A_499, %mul3A_500 : i32
        %add3A_502 = arith.addi %add3A_107, %mul3A_501 : i32
        %add3A_503 = vector.broadcast %add3A_502 : i32 to vector<16xi32>
        %add3A_504 = arith.addi %add3A_503, %iota3A : vector<16xi32>
        %swap3A_505 = arith.index_cast %add3A_495 : i32 to index
        %swap3A_506 = tpu.vector_load %arg8[%swap3A_505] masked %gt3A_260 {strides = array<i32>} : memref<14352xf32, #tpu.memory_space<vmem>>, vector<16xf32>, vector<16xi1>
        tpu.vector_store %arg8[%swap3A_505], %get3A_257 masked %gt3A_260 {strides = array<i32>} : memref<14352xf32, #tpu.memory_space<vmem>>, vector<16xf32>, vector<16xi1>
        %swap3A_507 = arith.index_cast %add3A_495 : i32 to index
        %swap3A_508 = tpu.vector_load %arg9[%swap3A_507] masked %gt3A_260 {strides = array<i32>} : memref<14352xi32, #tpu.memory_space<vmem>>, vector<16xi32>, vector<16xi1>
        tpu.vector_store %arg9[%swap3A_507], %add3A_504 masked %gt3A_260 {strides = array<i32>} : memref<14352xi32, #tpu.memory_space<vmem>>, vector<16xi32>, vector<16xi1>
        %add3A_509 = arith.addi %add3A_495, %reduce_sum3A_265 : i32
        %mul3A_510 = arith.constant 16 : i32
        %mul3A_511 = arith.muli %scan3A_115, %mul3A_510 : i32
        %add3A_512 = arith.constant 9 : i32
        %add3A_513 = arith.addi %mul3A_511, %add3A_512 : i32
        %mul3A_514 = arith.constant 16 : i32
        %mul3A_515 = arith.muli %add3A_513, %mul3A_514 : i32
        %add3A_516 = arith.addi %add3A_107, %mul3A_515 : i32
        %add3A_517 = vector.broadcast %add3A_516 : i32 to vector<16xi32>
        %add3A_518 = arith.addi %add3A_517, %iota3A : vector<16xi32>
        %swap3A_519 = arith.index_cast %add3A_509 : i32 to index
        %swap3A_520 = tpu.vector_load %arg8[%swap3A_519] masked %gt3A_277 {strides = array<i32>} : memref<14352xf32, #tpu.memory_space<vmem>>, vector<16xf32>, vector<16xi1>
        tpu.vector_store %arg8[%swap3A_519], %get3A_274 masked %gt3A_277 {strides = array<i32>} : memref<14352xf32, #tpu.memory_space<vmem>>, vector<16xf32>, vector<16xi1>
        %swap3A_521 = arith.index_cast %add3A_509 : i32 to index
        %swap3A_522 = tpu.vector_load %arg9[%swap3A_521] masked %gt3A_277 {strides = array<i32>} : memref<14352xi32, #tpu.memory_space<vmem>>, vector<16xi32>, vector<16xi1>
        tpu.vector_store %arg9[%swap3A_521], %add3A_518 masked %gt3A_277 {strides = array<i32>} : memref<14352xi32, #tpu.memory_space<vmem>>, vector<16xi32>, vector<16xi1>
        %add3A_523 = arith.addi %add3A_509, %reduce_sum3A_282 : i32
        %mul3A_524 = arith.constant 16 : i32
        %mul3A_525 = arith.muli %scan3A_115, %mul3A_524 : i32
        %add3A_526 = arith.constant 10 : i32
        %add3A_527 = arith.addi %mul3A_525, %add3A_526 : i32
        %mul3A_528 = arith.constant 16 : i32
        %mul3A_529 = arith.muli %add3A_527, %mul3A_528 : i32
        %add3A_530 = arith.addi %add3A_107, %mul3A_529 : i32
        %add3A_531 = vector.broadcast %add3A_530 : i32 to vector<16xi32>
        %add3A_532 = arith.addi %add3A_531, %iota3A : vector<16xi32>
        %swap3A_533 = arith.index_cast %add3A_523 : i32 to index
        %swap3A_534 = tpu.vector_load %arg8[%swap3A_533] masked %gt3A_294 {strides = array<i32>} : memref<14352xf32, #tpu.memory_space<vmem>>, vector<16xf32>, vector<16xi1>
        tpu.vector_store %arg8[%swap3A_533], %get3A_291 masked %gt3A_294 {strides = array<i32>} : memref<14352xf32, #tpu.memory_space<vmem>>, vector<16xf32>, vector<16xi1>
        %swap3A_535 = arith.index_cast %add3A_523 : i32 to index
        %swap3A_536 = tpu.vector_load %arg9[%swap3A_535] masked %gt3A_294 {strides = array<i32>} : memref<14352xi32, #tpu.memory_space<vmem>>, vector<16xi32>, vector<16xi1>
        tpu.vector_store %arg9[%swap3A_535], %add3A_532 masked %gt3A_294 {strides = array<i32>} : memref<14352xi32, #tpu.memory_space<vmem>>, vector<16xi32>, vector<16xi1>
        %add3A_537 = arith.addi %add3A_523, %reduce_sum3A_299 : i32
        %mul3A_538 = arith.constant 16 : i32
        %mul3A_539 = arith.muli %scan3A_115, %mul3A_538 : i32
        %add3A_540 = arith.constant 11 : i32
        %add3A_541 = arith.addi %mul3A_539, %add3A_540 : i32
        %mul3A_542 = arith.constant 16 : i32
        %mul3A_543 = arith.muli %add3A_541, %mul3A_542 : i32
        %add3A_544 = arith.addi %add3A_107, %mul3A_543 : i32
        %add3A_545 = vector.broadcast %add3A_544 : i32 to vector<16xi32>
        %add3A_546 = arith.addi %add3A_545, %iota3A : vector<16xi32>
        %swap3A_547 = arith.index_cast %add3A_537 : i32 to index
        %swap3A_548 = tpu.vector_load %arg8[%swap3A_547] masked %gt3A_311 {strides = array<i32>} : memref<14352xf32, #tpu.memory_space<vmem>>, vector<16xf32>, vector<16xi1>
        tpu.vector_store %arg8[%swap3A_547], %get3A_308 masked %gt3A_311 {strides = array<i32>} : memref<14352xf32, #tpu.memory_space<vmem>>, vector<16xf32>, vector<16xi1>
        %swap3A_549 = arith.index_cast %add3A_537 : i32 to index
        %swap3A_550 = tpu.vector_load %arg9[%swap3A_549] masked %gt3A_311 {strides = array<i32>} : memref<14352xi32, #tpu.memory_space<vmem>>, vector<16xi32>, vector<16xi1>
        tpu.vector_store %arg9[%swap3A_549], %add3A_546 masked %gt3A_311 {strides = array<i32>} : memref<14352xi32, #tpu.memory_space<vmem>>, vector<16xi32>, vector<16xi1>
        %add3A_551 = arith.addi %add3A_537, %reduce_sum3A_316 : i32
        %mul3A_552 = arith.constant 16 : i32
        %mul3A_553 = arith.muli %scan3A_115, %mul3A_552 : i32
        %add3A_554 = arith.constant 12 : i32
        %add3A_555 = arith.addi %mul3A_553, %add3A_554 : i32
        %mul3A_556 = arith.constant 16 : i32
        %mul3A_557 = arith.muli %add3A_555, %mul3A_556 : i32
        %add3A_558 = arith.addi %add3A_107, %mul3A_557 : i32
        %add3A_559 = vector.broadcast %add3A_558 : i32 to vector<16xi32>
        %add3A_560 = arith.addi %add3A_559, %iota3A : vector<16xi32>
        %swap3A_561 = arith.index_cast %add3A_551 : i32 to index
        %swap3A_562 = tpu.vector_load %arg8[%swap3A_561] masked %gt3A_328 {strides = array<i32>} : memref<14352xf32, #tpu.memory_space<vmem>>, vector<16xf32>, vector<16xi1>
        tpu.vector_store %arg8[%swap3A_561], %get3A_325 masked %gt3A_328 {strides = array<i32>} : memref<14352xf32, #tpu.memory_space<vmem>>, vector<16xf32>, vector<16xi1>
        %swap3A_563 = arith.index_cast %add3A_551 : i32 to index
        %swap3A_564 = tpu.vector_load %arg9[%swap3A_563] masked %gt3A_328 {strides = array<i32>} : memref<14352xi32, #tpu.memory_space<vmem>>, vector<16xi32>, vector<16xi1>
        tpu.vector_store %arg9[%swap3A_563], %add3A_560 masked %gt3A_328 {strides = array<i32>} : memref<14352xi32, #tpu.memory_space<vmem>>, vector<16xi32>, vector<16xi1>
        %add3A_565 = arith.addi %add3A_551, %reduce_sum3A_333 : i32
        %mul3A_566 = arith.constant 16 : i32
        %mul3A_567 = arith.muli %scan3A_115, %mul3A_566 : i32
        %add3A_568 = arith.constant 13 : i32
        %add3A_569 = arith.addi %mul3A_567, %add3A_568 : i32
        %mul3A_570 = arith.constant 16 : i32
        %mul3A_571 = arith.muli %add3A_569, %mul3A_570 : i32
        %add3A_572 = arith.addi %add3A_107, %mul3A_571 : i32
        %add3A_573 = vector.broadcast %add3A_572 : i32 to vector<16xi32>
        %add3A_574 = arith.addi %add3A_573, %iota3A : vector<16xi32>
        %swap3A_575 = arith.index_cast %add3A_565 : i32 to index
        %swap3A_576 = tpu.vector_load %arg8[%swap3A_575] masked %gt3A_345 {strides = array<i32>} : memref<14352xf32, #tpu.memory_space<vmem>>, vector<16xf32>, vector<16xi1>
        tpu.vector_store %arg8[%swap3A_575], %get3A_342 masked %gt3A_345 {strides = array<i32>} : memref<14352xf32, #tpu.memory_space<vmem>>, vector<16xf32>, vector<16xi1>
        %swap3A_577 = arith.index_cast %add3A_565 : i32 to index
        %swap3A_578 = tpu.vector_load %arg9[%swap3A_577] masked %gt3A_345 {strides = array<i32>} : memref<14352xi32, #tpu.memory_space<vmem>>, vector<16xi32>, vector<16xi1>
        tpu.vector_store %arg9[%swap3A_577], %add3A_574 masked %gt3A_345 {strides = array<i32>} : memref<14352xi32, #tpu.memory_space<vmem>>, vector<16xi32>, vector<16xi1>
        %add3A_579 = arith.addi %add3A_565, %reduce_sum3A_350 : i32
        %mul3A_580 = arith.constant 16 : i32
        %mul3A_581 = arith.muli %scan3A_115, %mul3A_580 : i32
        %add3A_582 = arith.constant 14 : i32
        %add3A_583 = arith.addi %mul3A_581, %add3A_582 : i32
        %mul3A_584 = arith.constant 16 : i32
        %mul3A_585 = arith.muli %add3A_583, %mul3A_584 : i32
        %add3A_586 = arith.addi %add3A_107, %mul3A_585 : i32
        %add3A_587 = vector.broadcast %add3A_586 : i32 to vector<16xi32>
        %add3A_588 = arith.addi %add3A_587, %iota3A : vector<16xi32>
        %swap3A_589 = arith.index_cast %add3A_579 : i32 to index
        %swap3A_590 = tpu.vector_load %arg8[%swap3A_589] masked %gt3A_362 {strides = array<i32>} : memref<14352xf32, #tpu.memory_space<vmem>>, vector<16xf32>, vector<16xi1>
        tpu.vector_store %arg8[%swap3A_589], %get3A_359 masked %gt3A_362 {strides = array<i32>} : memref<14352xf32, #tpu.memory_space<vmem>>, vector<16xf32>, vector<16xi1>
        %swap3A_591 = arith.index_cast %add3A_579 : i32 to index
        %swap3A_592 = tpu.vector_load %arg9[%swap3A_591] masked %gt3A_362 {strides = array<i32>} : memref<14352xi32, #tpu.memory_space<vmem>>, vector<16xi32>, vector<16xi1>
        tpu.vector_store %arg9[%swap3A_591], %add3A_588 masked %gt3A_362 {strides = array<i32>} : memref<14352xi32, #tpu.memory_space<vmem>>, vector<16xi32>, vector<16xi1>
        %add3A_593 = arith.addi %add3A_579, %reduce_sum3A_367 : i32
        %mul3A_594 = arith.constant 16 : i32
        %mul3A_595 = arith.muli %scan3A_115, %mul3A_594 : i32
        %add3A_596 = arith.constant 15 : i32
        %add3A_597 = arith.addi %mul3A_595, %add3A_596 : i32
        %mul3A_598 = arith.constant 16 : i32
        %mul3A_599 = arith.muli %add3A_597, %mul3A_598 : i32
        %add3A_600 = arith.addi %add3A_107, %mul3A_599 : i32
        %add3A_601 = vector.broadcast %add3A_600 : i32 to vector<16xi32>
        %add3A_602 = arith.addi %add3A_601, %iota3A : vector<16xi32>
        %swap3A_603 = arith.index_cast %add3A_593 : i32 to index
        %swap3A_604 = tpu.vector_load %arg8[%swap3A_603] masked %gt3A_379 {strides = array<i32>} : memref<14352xf32, #tpu.memory_space<vmem>>, vector<16xf32>, vector<16xi1>
        tpu.vector_store %arg8[%swap3A_603], %get3A_376 masked %gt3A_379 {strides = array<i32>} : memref<14352xf32, #tpu.memory_space<vmem>>, vector<16xf32>, vector<16xi1>
        %swap3A_605 = arith.index_cast %add3A_593 : i32 to index
        %swap3A_606 = tpu.vector_load %arg9[%swap3A_605] masked %gt3A_379 {strides = array<i32>} : memref<14352xi32, #tpu.memory_space<vmem>>, vector<16xi32>, vector<16xi1>
        tpu.vector_store %arg9[%swap3A_605], %add3A_602 masked %gt3A_379 {strides = array<i32>} : memref<14352xi32, #tpu.memory_space<vmem>>, vector<16xi32>, vector<16xi1>
        %add3A_607 = arith.addi %add3A_593, %reduce_sum3A_384 : i32
        scf.yield %add3A_607 : i32
      }
      %scan3A_113 = arith.constant 8 : i32
      %min3A = arith.constant 12288 : i32
      %min3A_114 = arith.minsi %scan3A_112, %min3A : i32
      scf.yield %min3A_114 : i32
    }
    %scan3A_69 = arith.constant 16 : i32
    %broadcast_in_dim3A_70 = arith.constant 1 : i32
    %broadcast_in_dim3A_71 = vector.broadcast %broadcast_in_dim3A_70 : i32 to vector<16xi32>
    %add3A_72 = arith.constant 15 : i32
    %add3A_73 = arith.addi %scan3A_68, %add3A_72 : i32
    %jit3A = arith.constant 16 : i32
    %div3A = arith.divsi %add3A_73, %jit3A : i32
    %sign3A = arith.constant 0 : i32
    %sign3A_74 = arith.cmpi sgt, %add3A_73, %sign3A : i32
    %sign3A_75 = arith.extui %sign3A_74 : i1 to i32
    %sign3A_76 = arith.constant 0 : i32
    %sign3A_77 = arith.cmpi slt, %add3A_73, %sign3A_76 : i32
    %sign3A_78 = arith.extui %sign3A_77 : i1 to i32
    %sign3A_79 = arith.subi %sign3A_75, %sign3A_78 : i32
    %sign3A_80 = arith.constant 0 : i32
    %sign3A_81 = arith.cmpi sgt, %jit3A, %sign3A_80 : i32
    %sign3A_82 = arith.extui %sign3A_81 : i1 to i32
    %sign3A_83 = arith.constant 0 : i32
    %sign3A_84 = arith.cmpi slt, %jit3A, %sign3A_83 : i32
    %sign3A_85 = arith.extui %sign3A_84 : i1 to i32
    %sign3A_86 = arith.subi %sign3A_82, %sign3A_85 : i32
    %ne3A = arith.cmpi ne, %sign3A_79, %sign3A_86 : i32
    %rem3A = arith.remsi %add3A_73, %jit3A : i32
    %ne3A_87 = arith.constant 0 : i32
    %ne3A_88 = arith.cmpi ne, %rem3A, %ne3A_87 : i32
    %and3A = arith.andi %ne3A, %ne3A_88 : i1
    %sub3A = arith.constant 1 : i32
    %sub3A_89 = arith.subi %div3A, %sub3A : i32
    %select_n3A = arith.select %and3A, %sub3A_89, %div3A : i32
    %while3A = arith.constant 0 : i32
    %while3A_90 = arith.constant 0 : i32
    %while3A_91 = arith.subi %select_n3A, %while3A : i32
    %while3A_92 = arith.addi %while3A, %while3A_91 : i32
    %while3A_93 = arith.constant 1 : i32
    %while3A_94 = arith.divsi %while3A_91, %while3A_93 : i32
    %while3A_95 = arith.muli %while3A_94, %while3A_93 : i32
    %while3A_96 = arith.addi %while3A, %while3A_95 : i32
    %while3A_97 = arith.constant 1 : i32
    %while3A_98 = scf.for %while3A_101 = %while3A to %while3A_96 step %while3A_97 iter_args(%while3A_102 = %while3A_90) -> (i32)  : i32 {
      %mul3A_103 = arith.constant 16 : i32
      %mul3A_104 = arith.muli %while3A_101, %mul3A_103 : i32
      %get3A = arith.index_cast %mul3A_104 : i32 to index
      %get3A_105 = tpu.vector_load %arg8[%get3A] {strides = array<i32>} : memref<14352xf32, #tpu.memory_space<vmem>>, vector<16xf32>,
      %gt3A = arith.constant 5.000000e-01 : f32
      %gt3A_106 = vector.broadcast %gt3A : f32 to vector<16xf32>
      %gt3A_107 = arith.cmpf ogt, %get3A_105, %gt3A_106 : vector<16xf32>
      %sub3A_108 = arith.constant 5.000000e-01 : f32
      %sub3A_109 = vector.broadcast %sub3A_108 : f32 to vector<16xf32>
      %sub3A_110 = arith.subf %get3A_105, %sub3A_109 : vector<16xf32>
      %mul3A_111 = arith.constant 8.192000e+03 : f32
      %mul3A_112 = vector.broadcast %mul3A_111 : f32 to vector<16xf32>
      %mul3A_113 = arith.mulf %sub3A_110, %mul3A_112 : vector<16xf32>
      %convert_element_type3A = arith.fptosi %mul3A_113 : vector<16xf32> to vector<16xi32>
      tpu.vector_store_idx %arg10[%convert_element_type3A], %broadcast_in_dim3A_71 masked %gt3A_107 {add = true} : memref<4096xi32, #tpu.memory_space<vmem>>[vector<16xi32>], vector<16xi32>, vector<16xi1>
      %while3A_114 = arith.constant 0 : i32
      scf.yield %while3A_114 : i32
    }
    %while3A_99 = arith.constant 1 : i32
    %while3A_100 = scf.for %while3A_101 = %while3A_96 to %while3A_92 step %while3A_99 iter_args(%while3A_102 = %while3A_98) -> (i32)  : i32 {
      %mul3A_103 = arith.constant 16 : i32
      %mul3A_104 = arith.muli %while3A_101, %mul3A_103 : i32
      %get3A = arith.index_cast %mul3A_104 : i32 to index
      %get3A_105 = tpu.vector_load %arg8[%get3A] {strides = array<i32>} : memref<14352xf32, #tpu.memory_space<vmem>>, vector<16xf32>,
      %gt3A = arith.constant 5.000000e-01 : f32
      %gt3A_106 = vector.broadcast %gt3A : f32 to vector<16xf32>
      %gt3A_107 = arith.cmpf ogt, %get3A_105, %gt3A_106 : vector<16xf32>
      %sub3A_108 = arith.constant 5.000000e-01 : f32
      %sub3A_109 = vector.broadcast %sub3A_108 : f32 to vector<16xf32>
      %sub3A_110 = arith.subf %get3A_105, %sub3A_109 : vector<16xf32>
      %mul3A_111 = arith.constant 8.192000e+03 : f32
      %mul3A_112 = vector.broadcast %mul3A_111 : f32 to vector<16xf32>
      %mul3A_113 = arith.mulf %sub3A_110, %mul3A_112 : vector<16xf32>
      %convert_element_type3A = arith.fptosi %mul3A_113 : vector<16xf32> to vector<16xi32>
      tpu.vector_store_idx %arg10[%convert_element_type3A], %broadcast_in_dim3A_71 masked %gt3A_107 {add = true} : memref<4096xi32, #tpu.memory_space<vmem>>[vector<16xi32>], vector<16xi32>, vector<16xi1>
      %while3A_114 = arith.constant 0 : i32
      scf.yield %while3A_114 : i32
    }
    "tpu.region"() ({
      %run_scoped3A = tpu.sem_alloc : memref<!tpu.dma_semaphore, #tpu.memory_space<semaphore_mem>>
      %dma_start3A_101 = arith.constant 0 : i32
      %dma_start3A_102 = tpu.memref_slice %arg3[%add3A, %dma_start3A_101] : memref<32x4096xi32, #tpu.memory_space<hbm>> -> memref<1x4096xi32, #tpu.memory_space<hbm>>
      %dma_start3A_103 = tpu.memref_squeeze %dma_start3A_102 : memref<1x4096xi32, #tpu.memory_space<hbm>> -> memref<4096xi32, #tpu.memory_space<hbm>>
      %dma_start3A_104 = arith.constant 0 : i32
      %dma_start3A_105 = tpu.memref_slice %arg3[%add3A, %dma_start3A_104] : memref<32x4096xi32, #tpu.memory_space<hbm>> -> memref<1x4096xi32, #tpu.memory_space<hbm>>
      %dma_start3A_106 = tpu.memref_squeeze %dma_start3A_105 : memref<1x4096xi32, #tpu.memory_space<hbm>> -> memref<4096xi32, #tpu.memory_space<hbm>>
      tpu.enqueue_dma source(%arg10 : memref<4096xi32, #tpu.memory_space<vmem>>) target(%dma_start3A_106 : memref<4096xi32, #tpu.memory_space<hbm>>) target_semaphore(%run_scoped3A : memref<!tpu.dma_semaphore, #tpu.memory_space<semaphore_mem>>)
      %dma_wait3A_107 = arith.constant 0 : i32
      %dma_wait3A_108 = tpu.memref_slice %arg3[%add3A, %dma_wait3A_107] : memref<32x4096xi32, #tpu.memory_space<hbm>> -> memref<1x4096xi32, #tpu.memory_space<hbm>>
      %dma_wait3A_109 = tpu.memref_squeeze %dma_wait3A_108 : memref<1x4096xi32, #tpu.memory_space<hbm>> -> memref<4096xi32, #tpu.memory_space<hbm>>
      %dma_wait3A_110 = arith.constant 0 : i32
      %dma_wait3A_111 = tpu.memref_slice %arg3[%add3A, %dma_wait3A_110] : memref<32x4096xi32, #tpu.memory_space<hbm>> -> memref<1x4096xi32, #tpu.memory_space<hbm>>
      %dma_wait3A_112 = tpu.memref_squeeze %dma_wait3A_111 : memref<1x4096xi32, #tpu.memory_space<hbm>> -> memref<4096xi32, #tpu.memory_space<hbm>>
      tpu.wait_dma2 semaphore(%run_scoped3A : memref<!tpu.dma_semaphore, #tpu.memory_space<semaphore_mem>>) src(%arg10 : memref<4096xi32, #tpu.memory_space<vmem>>) dst(%dma_wait3A_112 : memref<4096xi32, #tpu.memory_space<hbm>>)
      tpu.yield
    }) : () -> ()
    "tpu.region"() ({
      %run_scoped3A = tpu.sem_alloc : memref<!tpu.dma_semaphore, #tpu.memory_space<semaphore_mem>>
      %dma_start3A_101 = arith.constant 0 : i32
      %dma_start3A_102 = tpu.memref_slice %arg8[%dma_start3A_101] : memref<14352xf32, #tpu.memory_space<vmem>> -> memref<12288xf32, #tpu.memory_space<vmem>>
      %dma_start3A_103 = arith.constant 0 : i32
      %dma_start3A_104 = tpu.memref_slice %arg4[%add3A, %dma_start3A_103] : memref<32x12288xf32, #tpu.memory_space<hbm>> -> memref<1x12288xf32, #tpu.memory_space<hbm>>
      %dma_start3A_105 = tpu.memref_squeeze %dma_start3A_104 : memref<1x12288xf32, #tpu.memory_space<hbm>> -> memref<12288xf32, #tpu.memory_space<hbm>>
      %dma_start3A_106 = arith.constant 0 : i32
      %dma_start3A_107 = tpu.memref_slice %arg4[%add3A, %dma_start3A_106] : memref<32x12288xf32, #tpu.memory_space<hbm>> -> memref<1x12288xf32, #tpu.memory_space<hbm>>
      %dma_start3A_108 = tpu.memref_squeeze %dma_start3A_107 : memref<1x12288xf32, #tpu.memory_space<hbm>> -> memref<12288xf32, #tpu.memory_space<hbm>>
      %dma_start3A_109 = arith.constant 0 : i32
      %dma_start3A_110 = tpu.memref_slice %arg8[%dma_start3A_109] : memref<14352xf32, #tpu.memory_space<vmem>> -> memref<12288xf32, #tpu.memory_space<vmem>>
      tpu.enqueue_dma source(%dma_start3A_110 : memref<12288xf32, #tpu.memory_space<vmem>>) target(%dma_start3A_108 : memref<12288xf32, #tpu.memory_space<hbm>>) target_semaphore(%run_scoped3A : memref<!tpu.dma_semaphore, #tpu.memory_space<semaphore_mem>>)
      %dma_wait3A_111 = arith.constant 0 : i32
      %dma_wait3A_112 = tpu.memref_slice %arg8[%dma_wait3A_111] : memref<14352xf32, #tpu.memory_space<vmem>> -> memref<12288xf32, #tpu.memory_space<vmem>>
      %dma_wait3A_113 = arith.constant 0 : i32
      %dma_wait3A_114 = tpu.memref_slice %arg4[%add3A, %dma_wait3A_113] : memref<32x12288xf32, #tpu.memory_space<hbm>> -> memref<1x12288xf32, #tpu.memory_space<hbm>>
      %dma_wait3A_115 = tpu.memref_squeeze %dma_wait3A_114 : memref<1x12288xf32, #tpu.memory_space<hbm>> -> memref<12288xf32, #tpu.memory_space<hbm>>
      %dma_wait3A_116 = arith.constant 0 : i32
      %dma_wait3A_117 = tpu.memref_slice %arg4[%add3A, %dma_wait3A_116] : memref<32x12288xf32, #tpu.memory_space<hbm>> -> memref<1x12288xf32, #tpu.memory_space<hbm>>
      %dma_wait3A_118 = tpu.memref_squeeze %dma_wait3A_117 : memref<1x12288xf32, #tpu.memory_space<hbm>> -> memref<12288xf32, #tpu.memory_space<hbm>>
      %dma_wait3A_119 = arith.constant 0 : i32
      %dma_wait3A_120 = tpu.memref_slice %arg8[%dma_wait3A_119] : memref<14352xf32, #tpu.memory_space<vmem>> -> memref<12288xf32, #tpu.memory_space<vmem>>
      tpu.wait_dma2 semaphore(%run_scoped3A : memref<!tpu.dma_semaphore, #tpu.memory_space<semaphore_mem>>) src(%dma_wait3A_120 : memref<12288xf32, #tpu.memory_space<vmem>>) dst(%dma_wait3A_118 : memref<12288xf32, #tpu.memory_space<hbm>>)
      tpu.yield
    }) : () -> ()
    "tpu.region"() ({
      %run_scoped3A = tpu.sem_alloc : memref<!tpu.dma_semaphore, #tpu.memory_space<semaphore_mem>>
      %dma_start3A_101 = arith.constant 0 : i32
      %dma_start3A_102 = tpu.memref_slice %arg9[%dma_start3A_101] : memref<14352xi32, #tpu.memory_space<vmem>> -> memref<12288xi32, #tpu.memory_space<vmem>>
      %dma_start3A_103 = arith.constant 0 : i32
      %dma_start3A_104 = tpu.memref_slice %arg5[%add3A, %dma_start3A_103] : memref<32x12288xi32, #tpu.memory_space<hbm>> -> memref<1x12288xi32, #tpu.memory_space<hbm>>
      %dma_start3A_105 = tpu.memref_squeeze %dma_start3A_104 : memref<1x12288xi32, #tpu.memory_space<hbm>> -> memref<12288xi32, #tpu.memory_space<hbm>>
      %dma_start3A_106 = arith.constant 0 : i32
      %dma_start3A_107 = tpu.memref_slice %arg5[%add3A, %dma_start3A_106] : memref<32x12288xi32, #tpu.memory_space<hbm>> -> memref<1x12288xi32, #tpu.memory_space<hbm>>
      %dma_start3A_108 = tpu.memref_squeeze %dma_start3A_107 : memref<1x12288xi32, #tpu.memory_space<hbm>> -> memref<12288xi32, #tpu.memory_space<hbm>>
      %dma_start3A_109 = arith.constant 0 : i32
      %dma_start3A_110 = tpu.memref_slice %arg9[%dma_start3A_109] : memref<14352xi32, #tpu.memory_space<vmem>> -> memref<12288xi32, #tpu.memory_space<vmem>>
      tpu.enqueue_dma source(%dma_start3A_110 : memref<12288xi32, #tpu.memory_space<vmem>>) target(%dma_start3A_108 : memref<12288xi32, #tpu.memory_space<hbm>>) target_semaphore(%run_scoped3A : memref<!tpu.dma_semaphore, #tpu.memory_space<semaphore_mem>>)
      %dma_wait3A_111 = arith.constant 0 : i32
      %dma_wait3A_112 = tpu.memref_slice %arg9[%dma_wait3A_111] : memref<14352xi32, #tpu.memory_space<vmem>> -> memref<12288xi32, #tpu.memory_space<vmem>>
      %dma_wait3A_113 = arith.constant 0 : i32
      %dma_wait3A_114 = tpu.memref_slice %arg5[%add3A, %dma_wait3A_113] : memref<32x12288xi32, #tpu.memory_space<hbm>> -> memref<1x12288xi32, #tpu.memory_space<hbm>>
      %dma_wait3A_115 = tpu.memref_squeeze %dma_wait3A_114 : memref<1x12288xi32, #tpu.memory_space<hbm>> -> memref<12288xi32, #tpu.memory_space<hbm>>
      %dma_wait3A_116 = arith.constant 0 : i32
      %dma_wait3A_117 = tpu.memref_slice %arg5[%add3A, %dma_wait3A_116] : memref<32x12288xi32, #tpu.memory_space<hbm>> -> memref<1x12288xi32, #tpu.memory_space<hbm>>
      %dma_wait3A_118 = tpu.memref_squeeze %dma_wait3A_117 : memref<1x12288xi32, #tpu.memory_space<hbm>> -> memref<12288xi32, #tpu.memory_space<hbm>>
      %dma_wait3A_119 = arith.constant 0 : i32
      %dma_wait3A_120 = tpu.memref_slice %arg9[%dma_wait3A_119] : memref<14352xi32, #tpu.memory_space<vmem>> -> memref<12288xi32, #tpu.memory_space<vmem>>
      tpu.wait_dma2 semaphore(%run_scoped3A : memref<!tpu.dma_semaphore, #tpu.memory_space<semaphore_mem>>) src(%dma_wait3A_120 : memref<12288xi32, #tpu.memory_space<vmem>>) dst(%dma_wait3A_118 : memref<12288xi32, #tpu.memory_space<hbm>>)
      tpu.yield
    }) : () -> ()
    return
  }
}

module attributes {stable_mosaic.version = 14 : i64} {
  func.func @_stencil_body(%arg0: i32, %arg1: memref<8x2048xf32, #tpu.memory_space<vmem>>, %arg2: memref<128x2048xf32, #tpu.memory_space<vmem>>, %arg3: memref<8x2048xf32, #tpu.memory_space<vmem>>, %arg4: memref<128x2048xf32, #tpu.memory_space<vmem>>) attributes {dimension_semantics = [#tpu.dimension_semantics<arbitrary>], iteration_bounds = array<i64: 12>, scalar_prefetch = 0 : i64, scratch_operands = 0 : i64, tpu.core_type = #tpu.core_type<tc>, window_params = [{transform_indices = @transform_0, window_bounds = array<i64: 8, 2048>}, {transform_indices = @transform_1, window_bounds = array<i64: 128, 2048>}, {transform_indices = @transform_2, window_bounds = array<i64: 8, 2048>}, {transform_indices = @transform_3, window_bounds = array<i64: 128, 2048>}]} {
    %get3A = arith.constant 0 : index
    %get3A_0 = arith.constant 0 : index
    %get3A_1 = vector.load %arg1[%get3A, %get3A_0] : memref<8x2048xf32, #tpu.memory_space<vmem>>, vector<8x2048xf32>
    %get3A_2 = arith.constant 0 : index
    %get3A_3 = arith.constant 0 : index
    %get3A_4 = vector.load %arg2[%get3A_2, %get3A_3] : memref<128x2048xf32, #tpu.memory_space<vmem>>, vector<128x2048xf32>
    %get3A_5 = arith.constant 0 : index
    %get3A_6 = arith.constant 0 : index
    %get3A_7 = vector.load %arg3[%get3A_5, %get3A_6] : memref<8x2048xf32, #tpu.memory_space<vmem>>, vector<8x2048xf32>
    %concatenate3A = tpu.concatenate %get3A_1, %get3A_4, %get3A_7 in 0 : vector<8x2048xf32>, vector<128x2048xf32>, vector<8x2048xf32> -> vector<144x2048xf32>
    %slice3A = vector.extract_strided_slice %concatenate3A {offsets = [8, 0], sizes = [128, 2048], strides = [1, 1]} : vector<144x2048xf32> to vector<128x2048xf32>
    %slice3A_8 = vector.extract_strided_slice %concatenate3A {offsets = [0, 2047], sizes = [144, 1], strides = [1, 1]} : vector<144x2048xf32> to vector<144x1xf32>
    %slice3A_9 = vector.extract_strided_slice %concatenate3A {offsets = [0, 0], sizes = [144, 2047], strides = [1, 1]} : vector<144x2048xf32> to vector<144x2047xf32>
    %concatenate3A_10 = tpu.concatenate %slice3A_8, %slice3A_9 in 1 : vector<144x1xf32>, vector<144x2047xf32> -> vector<144x2048xf32>
    %slice3A_11 = vector.extract_strided_slice %concatenate3A {offsets = [0, 1], sizes = [144, 2047], strides = [1, 1]} : vector<144x2048xf32> to vector<144x2047xf32>
    %slice3A_12 = vector.extract_strided_slice %concatenate3A {offsets = [0, 0], sizes = [144, 1], strides = [1, 1]} : vector<144x2048xf32> to vector<144x1xf32>
    %concatenate3A_13 = tpu.concatenate %slice3A_11, %slice3A_12 in 1 : vector<144x2047xf32>, vector<144x1xf32> -> vector<144x2048xf32>
    %max3A = arith.maximumf %concatenate3A_10, %concatenate3A : vector<144x2048xf32>
    %max3A_14 = arith.maximumf %max3A, %concatenate3A_13 : vector<144x2048xf32>
    %slice3A_15 = vector.extract_strided_slice %max3A_14 {offsets = [7, 0], sizes = [128, 2048], strides = [1, 1]} : vector<144x2048xf32> to vector<128x2048xf32>
    %slice3A_16 = vector.extract_strided_slice %max3A_14 {offsets = [8, 0], sizes = [128, 2048], strides = [1, 1]} : vector<144x2048xf32> to vector<128x2048xf32>
    %max3A_17 = arith.maximumf %slice3A_15, %slice3A_16 : vector<128x2048xf32>
    %slice3A_18 = vector.extract_strided_slice %max3A_14 {offsets = [9, 0], sizes = [128, 2048], strides = [1, 1]} : vector<144x2048xf32> to vector<128x2048xf32>
    %max3A_19 = arith.maximumf %max3A_17, %slice3A_18 : vector<128x2048xf32>
    %gt3A = arith.constant 5.000000e-01 : f32
    %gt3A_20 = vector.broadcast %gt3A : f32 to vector<128x2048xf32>
    %gt3A_21 = arith.cmpf ogt, %slice3A, %gt3A_20 : vector<128x2048xf32>
    %eq3A = arith.cmpf oeq, %slice3A, %max3A_19 : vector<128x2048xf32>
    %and3A = arith.andi %gt3A_21, %eq3A : vector<128x2048xi1>
    %convert_element_type3A = arith.truncf %concatenate3A : vector<144x2048xf32> to vector<144x2048xbf16>
    %convert_element_type3A_22 = arith.extf %convert_element_type3A : vector<144x2048xbf16> to vector<144x2048xf32>
    %slice3A_23 = vector.extract_strided_slice %convert_element_type3A_22 {offsets = [8, 0], sizes = [128, 2048], strides = [1, 1]} : vector<144x2048xf32> to vector<128x2048xf32>
    %slice3A_24 = vector.extract_strided_slice %convert_element_type3A_22 {offsets = [0, 2045], sizes = [144, 3], strides = [1, 1]} : vector<144x2048xf32> to vector<144x3xf32>
    %slice3A_25 = vector.extract_strided_slice %convert_element_type3A_22 {offsets = [0, 0], sizes = [144, 2045], strides = [1, 1]} : vector<144x2048xf32> to vector<144x2045xf32>
    %concatenate3A_26 = tpu.concatenate %slice3A_24, %slice3A_25 in 1 : vector<144x3xf32>, vector<144x2045xf32> -> vector<144x2048xf32>
    %slice3A_27 = vector.extract_strided_slice %convert_element_type3A_22 {offsets = [0, 3], sizes = [144, 2045], strides = [1, 1]} : vector<144x2048xf32> to vector<144x2045xf32>
    %slice3A_28 = vector.extract_strided_slice %convert_element_type3A_22 {offsets = [0, 0], sizes = [144, 3], strides = [1, 1]} : vector<144x2048xf32> to vector<144x3xf32>
    %concatenate3A_29 = tpu.concatenate %slice3A_27, %slice3A_28 in 1 : vector<144x2045xf32>, vector<144x3xf32> -> vector<144x2048xf32>
    %slice3A_30 = vector.extract_strided_slice %convert_element_type3A_22 {offsets = [5, 0], sizes = [128, 2048], strides = [1, 1]} : vector<144x2048xf32> to vector<128x2048xf32>
    %mul3A = arith.constant 2.000000e+00 : f32
    %mul3A_31 = vector.broadcast %mul3A : f32 to vector<128x2048xf32>
    %mul3A_32 = arith.mulf %mul3A_31, %slice3A_23 : vector<128x2048xf32>
    %sub3A = arith.subf %slice3A_30, %mul3A_32 : vector<128x2048xf32>
    %slice3A_33 = vector.extract_strided_slice %convert_element_type3A_22 {offsets = [11, 0], sizes = [128, 2048], strides = [1, 1]} : vector<144x2048xf32> to vector<128x2048xf32>
    %add3A = arith.addf %sub3A, %slice3A_33 : vector<128x2048xf32>
    %slice3A_34 = vector.extract_strided_slice %concatenate3A_26 {offsets = [8, 0], sizes = [128, 2048], strides = [1, 1]} : vector<144x2048xf32> to vector<128x2048xf32>
    %mul3A_35 = arith.constant 2.000000e+00 : f32
    %mul3A_36 = vector.broadcast %mul3A_35 : f32 to vector<128x2048xf32>
    %mul3A_37 = arith.mulf %mul3A_36, %slice3A_23 : vector<128x2048xf32>
    %sub3A_38 = arith.subf %slice3A_34, %mul3A_37 : vector<128x2048xf32>
    %slice3A_39 = vector.extract_strided_slice %concatenate3A_29 {offsets = [8, 0], sizes = [128, 2048], strides = [1, 1]} : vector<144x2048xf32> to vector<128x2048xf32>
    %add3A_40 = arith.addf %sub3A_38, %slice3A_39 : vector<128x2048xf32>
    %slice3A_41 = vector.extract_strided_slice %concatenate3A_26 {offsets = [5, 0], sizes = [128, 2048], strides = [1, 1]} : vector<144x2048xf32> to vector<128x2048xf32>
    %slice3A_42 = vector.extract_strided_slice %concatenate3A_29 {offsets = [5, 0], sizes = [128, 2048], strides = [1, 1]} : vector<144x2048xf32> to vector<128x2048xf32>
    %sub3A_43 = arith.subf %slice3A_41, %slice3A_42 : vector<128x2048xf32>
    %slice3A_44 = vector.extract_strided_slice %concatenate3A_26 {offsets = [11, 0], sizes = [128, 2048], strides = [1, 1]} : vector<144x2048xf32> to vector<128x2048xf32>
    %sub3A_45 = arith.subf %sub3A_43, %slice3A_44 : vector<128x2048xf32>
    %slice3A_46 = vector.extract_strided_slice %concatenate3A_29 {offsets = [11, 0], sizes = [128, 2048], strides = [1, 1]} : vector<144x2048xf32> to vector<128x2048xf32>
    %add3A_47 = arith.addf %sub3A_45, %slice3A_46 : vector<128x2048xf32>
    %mul3A_48 = arith.constant 2.500000e-01 : f32
    %mul3A_49 = vector.broadcast %mul3A_48 : f32 to vector<128x2048xf32>
    %mul3A_50 = arith.mulf %mul3A_49, %add3A_47 : vector<128x2048xf32>
    %mul3A_51 = arith.mulf %add3A, %add3A_40 : vector<128x2048xf32>
    %mul3A_52 = arith.mulf %mul3A_50, %mul3A_50 : vector<128x2048xf32>
    %sub3A_53 = arith.subf %mul3A_51, %mul3A_52 : vector<128x2048xf32>
    %add3A_54 = arith.addf %add3A, %add3A_40 : vector<128x2048xf32>
    %mul3A_55 = arith.mulf %add3A_54, %add3A_54 : vector<128x2048xf32>
    %div3A = arith.divf %mul3A_55, %sub3A_53 : vector<128x2048xf32>
    %le3A = arith.constant 1.210000e+01 : f32
    %le3A_56 = vector.broadcast %le3A : f32 to vector<128x2048xf32>
    %le3A_57 = arith.cmpf ole, %div3A, %le3A_56 : vector<128x2048xf32>
    %gt3A_58 = arith.constant 0.000000e+00 : f32
    %gt3A_59 = vector.broadcast %gt3A_58 : f32 to vector<128x2048xf32>
    %gt3A_60 = arith.cmpf ogt, %sub3A_53, %gt3A_59 : vector<128x2048xf32>
    %and3A_61 = arith.andi %le3A_57, %gt3A_60 : vector<128x2048xi1>
    %iota3A = tpu.iota {dimensions = array<i32: 0>} : vector<128x2048xi32>
    %mul3A_62 = arith.constant 128 : i32
    %mul3A_63 = arith.muli %arg0, %mul3A_62 : i32
    %add3A_64 = vector.broadcast %mul3A_63 : i32 to vector<128x2048xi32>
    %add3A_65 = arith.addi %iota3A, %add3A_64 : vector<128x2048xi32>
    %iota3A_66 = tpu.iota {dimensions = array<i32: 1>} : vector<128x2048xi32>
    %ge3A = arith.constant 5 : i32
    %ge3A_67 = vector.broadcast %ge3A : i32 to vector<128x2048xi32>
    %ge3A_68 = arith.cmpi sge, %add3A_65, %ge3A_67 : vector<128x2048xi32>
    %lt3A = arith.constant 1531 : i32
    %lt3A_69 = vector.broadcast %lt3A : i32 to vector<128x2048xi32>
    %lt3A_70 = arith.cmpi slt, %add3A_65, %lt3A_69 : vector<128x2048xi32>
    %and3A_71 = arith.andi %ge3A_68, %lt3A_70 : vector<128x2048xi1>
    %ge3A_72 = arith.constant 5 : i32
    %ge3A_73 = vector.broadcast %ge3A_72 : i32 to vector<128x2048xi32>
    %ge3A_74 = arith.cmpi sge, %iota3A_66, %ge3A_73 : vector<128x2048xi32>
    %and3A_75 = arith.andi %and3A_71, %ge3A_74 : vector<128x2048xi1>
    %lt3A_76 = arith.constant 2043 : i32
    %lt3A_77 = vector.broadcast %lt3A_76 : i32 to vector<128x2048xi32>
    %lt3A_78 = arith.cmpi slt, %iota3A_66, %lt3A_77 : vector<128x2048xi32>
    %and3A_79 = arith.andi %and3A_75, %lt3A_78 : vector<128x2048xi1>
    %and3A_80 = arith.andi %and3A, %and3A_79 : vector<128x2048xi1>
    %and3A_81 = arith.andi %and3A_80, %and3A_61 : vector<128x2048xi1>
    %jit3A = arith.constant 0.000000e+00 : f32
    %broadcast_in_dim3A = vector.broadcast %jit3A : f32 to vector<128x2048xf32>
    %select_n3A = arith.select %and3A_81, %slice3A, %broadcast_in_dim3A : vector<128x2048xi1>, vector<128x2048xf32>
    %swap3A = arith.constant 0 : index
    %swap3A_82 = arith.constant 0 : index
    %swap3A_83 = vector.load %arg4[%swap3A, %swap3A_82] : memref<128x2048xf32, #tpu.memory_space<vmem>>, vector<128x2048xf32>
    tpu.vector_store %arg4[%swap3A, %swap3A_82], %select_n3A {strides = array<i32>} : memref<128x2048xf32, #tpu.memory_space<vmem>>, vector<128x2048xf32>,
    return
  }
  func.func @transform_0(%arg0: i32) -> (i32, i32) {
    %mul3A = arith.constant 16 : i32
    %mul3A_0 = arith.muli %mul3A, %arg0 : i32
    %sub3A = arith.constant 1 : i32
    %sub3A_1 = arith.subi %mul3A_0, %sub3A : i32
    %max3A = arith.constant 0 : i32
    %max3A_2 = arith.maxsi %sub3A_1, %max3A : i32
    %c0_i32 = arith.constant 0 : i32
    %c0_i32_3 = arith.constant 0 : i32
    return %max3A_2, %c0_i32 : i32, i32
  }
  func.func @transform_1(%arg0: i32) -> (i32, i32) {
    %c0_i32 = arith.constant 0 : i32
    %c0_i32_0 = arith.constant 0 : i32
    return %arg0, %c0_i32 : i32, i32
  }
  func.func @transform_2(%arg0: i32) -> (i32, i32) {
    %mul3A = arith.constant 16 : i32
    %mul3A_0 = arith.muli %mul3A, %arg0 : i32
    %add3A = arith.constant 16 : i32
    %add3A_1 = arith.addi %mul3A_0, %add3A : i32
    %min3A = arith.constant 191 : i32
    %min3A_2 = arith.minsi %add3A_1, %min3A : i32
    %c0_i32 = arith.constant 0 : i32
    %c0_i32_3 = arith.constant 0 : i32
    return %min3A_2, %c0_i32 : i32, i32
  }
  func.func @transform_3(%arg0: i32) -> (i32, i32) {
    %c0_i32 = arith.constant 0 : i32
    %c0_i32_0 = arith.constant 0 : i32
    return %arg0, %c0_i32 : i32, i32
  }
}

</mosaic_0001>

<sc_bundles>
// kernel: kernel.5.cloned.1.call-start
scs
__scs_entry_jumppad:
0x0: {  	(pc) =	sbr.rel $0x88, $3  }
0x1: {  	(tag) =	ssettag $0x0;
	lr =	simm.s32 $0x1  }
0x2: {  	[smem:$0x3F9F] =	sst lr;
	_ =	strace $0xD0000000  }
0x3: {  	_ = 	snop  }
0x4: {  	_ = 	snop  }
0x5: {  	_ = 	snop  }
0x6: {  	_ = 	snop  }
0x7: {  	_ = 	snop  }
__scs_overlays_trampoline_lowered:
0x8: {  	[smem:$0x3FAE] =	sst s0  }
0x9: {  	[smem:$0x3FAF] =	sst s1  }
0xa: {  	[smem:$0x3FB0] =	sst s2  }
0xb: {  	[smem:$0x3FB1] =	sst s3  }
0xc: {  	[smem:$0x3FB2] =	sst s4  }
0xd: {  	[smem:$0x3FB3] =	sst s5  }
0xe: {  	[smem:$0x3FB4] =	sst s6  }
0xf: {  	[smem:$0x3FB5] =	sst s7  }
0x10: {  	[smem:$0x3FB6] =	sst s8  }
0x11: {  	[smem:$0x3FB7] =	sst s9;
	s0 =	simm.s32 @!p0 $0x0  }
0x12: {  	s1 =	sld [smem:$0x3F9D];
	s0 =	simm.s32 @p0 $0x1  }
0x13: {  	[smem:$0x3FB8] =	sst s0;
	s0 =	simm.s32 @!p1 $0x0  }
0x14: {  	s2 =	sld [smem:$0x3F9C];
	s0 =	simm.s32 @p1 $0x1  }
0x15: {  	[smem:$0x3FB9] =	sst s0;
	s0 =	simm.s32 @!p2 $0x0  }
0x16: {  	s3 =	sld [smem:$0x3FDB];
	s0 =	simm.s32 @p2 $0x1  }
0x17: {  	s4 =	simm.s32 $0x1BF5;
	[smem:$0x3FBB] =	sst s0  }
0x18: {  	s0 =	sld [smem:$0x3F9E];
	_ =	swait.ge [sflag:s4], $0x0  }
0x19: {  	s7 =	sld [smem:$0x3F9F]  }
0x1a: {  	s8 =	sadd.s32 $0xFFFFE003, lr  }
0x1b: {  	s9 =	sadd.s32 $0xFFFFFEF7, lr;
	s5 =	simm.s32 $0xFFFFFFFF;
	p2 =	slt.u32 s8, $0xFFFFF086  }
0x1c: {  	p1 =	slt.u32 s9, $0xF7A;
	s5 =	simm.s32 @!p2 $0x0  }
0x1d: {  	s5 =	simm.s32 @p1 $0x1;
	p0 =	seq.s32 s7, s2  }
0x1e: {  	s7 =	smul.u32 @!p0 $0xF7A, s2;
	p2 =	seq.s32 @!p0 s5, $0x0  }
0x1f: {  	s9 =	smul.u32 $0xF7A, s1;
	s8 =	simm.s32 @!p0 $0x1BF5;
	p2 =	por !p2, p0  }
0x20: {  	[sflag:s8] =	ssyncset.s32 @!p0 $0xFFFFF086;
	s6 =	sadd.s32 @!p0 s3, s7;
	s7 =	simm.s32 @!p0 $0x108  }
0x21: {  	s3 =	sadd.s32 s3, s9;
	s6 =	sadd.s32 @!p0 $0x88, s6;
	s7 =	simm.s32 @p2 $0x1082  }
0x22: {  	[simem:s7], [sflag:s8] =	dma.local @!p0 [hbm:s6], $0xF7A  }
0x23: {  	s9 =	sor.u32 $0xD0000000, s2;
	s6 =	simm.s32 $0x108;
	_ =	swait.ge @!p0 [sflag:s8], $0x0  }
0x24: {  	s3 =	sadd.s32 $0x88, s3;
	s6 =	simm.s32 @!p1 $0x1082;
	[sflag:s4] =	ssyncset.s32 $0xFFFFF086  }
0x25: {  	[simem:s6], [sflag:s4] =	dma.local [hbm:s3], $0xF7A  }
0x26: {  	[smem:$0x3F9F] =	sst s1;
	(tag) =	ssettag s2;
	_ =	strace s9  }
0x27: {  	s1 =	sld [smem:$0x3FAF]  }
0x28: {  	s2 =	sld [smem:$0x3FB0]  }
0x29: {  	s4 =	sld [smem:$0x3FB2]  }
0x2a: {  	p0 =	seq.s32 s5, $0x0;
	s5 =	sld [smem:$0x3FB3]  }
0x2b: {  	s6 =	sld [smem:$0x3FB4]  }
0x2c: {  	s7 =	sld [smem:$0x3FB5]  }
0x2d: {  	s3 =	simm.s32 $0x108;
	s8 =	sld [smem:$0x3FB6]  }
0x2e: {  	s3 =	simm.s32 @!p0 $0x1082;
	s9 =	sld [smem:$0x3FB7]  }
0x2f: {  	lr =	sadd.s32 s0, s3;
	s0 =	sld [smem:$0x3FAE]  }
0x30: {  	s3 =	sld [smem:$0x3FB1]  }
0x31: {  	[smem:$0x3FBA] =	sst s10  }
0x32: {  	s10 =	sld [smem:$0x3FB8];
	_ =	sdelay $0x3  }
0x33: {  	p0 =	seq.s32 s10, $0x1;
	s10 =	sld [smem:$0x3FBA];
	_ =	sdelay $0x3  }
0x34: {  	[smem:$0x3FBA] =	sst s10  }
0x35: {  	s10 =	sld [smem:$0x3FB9];
	_ =	sdelay $0x3  }
0x36: {  	p1 =	seq.s32 s10, $0x1;
	s10 =	sld [smem:$0x3FBA];
	_ =	sdelay $0x3  }
0x37: {  	[smem:$0x3FBA] =	sst s10  }
0x38: {  	s10 =	sld [smem:$0x3FBB]  }
0x39: {  	_ = 	snop;
	(pc) =	sbr.ind lr, $3  }
0x3a: {  	_ = 	snop  }
0x3b: {  	_ = 	snop  }
0x3c: {  	p2 =	seq.s32 s10, $0x1;
	s10 =	sld [smem:$0x3FBA]  }
0x3d: {  	_ =	shalt  }
0x3e: {  	_ =	shalt  }
0x3f: {  	_ =	shalt  }
0x40: {  	_ =	shalt  }
0x41: {  	_ =	shalt  }
0x42: {  	_ =	shalt  }
0x43: {  	_ =	shalt  }
0x44: {  	_ =	shalt  }
0x45: {  	_ =	shalt  }
0x46: {  	_ =	shalt  }
0x47: {  	_ =	shalt  }
0x48: {  	_ =	shalt  }
0x49: {  	_ =	shalt  }
0x4a: {  	_ =	shalt  }
0x4b: {  	_ =	shalt  }
0x4c: {  	_ =	shalt  }
0x4d: {  	_ =	shalt  }
0x4e: {  	_ =	shalt  }
0x4f: {  	_ =	shalt  }
0x50: {  	_ =	shalt  }
0x51: {  	_ =	shalt  }
0x52: {  	_ =	shalt  }
0x53: {  	_ =	shalt  }
0x54: {  	_ =	shalt  }
0x55: {  	_ =	shalt  }
0x56: {  	_ =	shalt  }
0x57: {  	_ =	shalt  }
0x58: {  	_ =	shalt  }
0x59: {  	_ =	shalt  }
0x5a: {  	_ =	shalt  }
0x5b: {  	_ =	shalt  }
0x5c: {  	_ =	shalt  }
0x5d: {  	_ =	shalt  }
0x5e: {  	_ =	shalt  }
0x5f: {  	_ =	shalt  }
0x60: {  	_ =	shalt  }
0x61: {  	_ =	shalt  }
0x62: {  	_ =	shalt  }
0x63: {  	_ =	shalt  }
0x64: {  	_ =	shalt  }
0x65: {  	_ =	shalt  }
0x66: {  	_ =	shalt  }
0x67: {  	_ =	shalt  }
0x68: {  	_ =	shalt  }
0x69: {  	_ =	shalt  }
0x6a: {  	_ =	shalt  }
0x6b: {  	_ =	shalt  }
0x6c: {  	_ =	shalt  }
0x6d: {  	_ =	shalt  }
0x6e: {  	_ =	shalt  }
0x6f: {  	_ =	shalt  }
0x70: {  	_ =	shalt  }
0x71: {  	_ =	shalt  }
0x72: {  	_ =	shalt  }
0x73: {  	_ =	shalt  }
0x74: {  	_ =	shalt  }
0x75: {  	_ =	shalt  }
0x76: {  	_ =	shalt  }
0x77: {  	_ =	shalt  }
0x78: {  	_ =	shalt  }
0x79: {  	_ =	shalt  }
0x7a: {  	_ =	shalt  }
0x7b: {  	_ =	shalt  }
0x7c: {  	_ =	shalt  }
0x7d: {  	_ =	shalt  }
0x7e: {  	_ =	shalt  }
0x7f: {  	_ =	shalt  }
0x80: {  	_ =	shalt  }
0x81: {  	_ =	shalt  }
0x82: {  	_ =	shalt  }
0x83: {  	_ =	shalt  }
0x84: {  	_ =	shalt  }
0x85: {  	_ =	shalt  }
0x86: {  	_ =	shalt  }
0x87: {  	_ =	shalt  }
.Lfunc_end0:
.L_simem_size_0:
called_computation_lowered:
.L_overlay_start_0:
0x88: {  	s2 =	sld [smem:$0x3FD9]  }
0x89: {  	s3 =	sld [smem:$0x3FFE];
	_ =	sdelay $0x1  }
0x8a: {  	s1 =	srdreg.scid  }
0x8b: {  	s0 =	sand.u32 $0x1, s1  }
0x8c: {  	s16 =	sshll.u32 s0, $0xA;
	s2 =	sadd.s32 s3, s2  }
0x8d: {  	s2 =	sadd.s32 s2, s16  }
0x8e: {  	[smem:$0x3FC6] =	sst s2  }
0x8f: {  	_ = 	snop  }
0x90: {  	(tm) =	ssettm $0x1  }
0x91: {  	s17 =	sld [smem:$0x3FFB];
	_ =	sdelay $0x3  }
0x92: {  	_ =	strace s17  }
0x93: {  	s2 =	sld [smem:$0x3FFC];
	_ =	sdelay $0x3  }
0x94: {  	_ =	strace s2  }
0x95: {  	s2 =	sld [smem:$0x3FFD];
	_ =	sdelay $0x3  }
0x96: {  	_ =	strace s2  }
0x97: {  	_ =	strace $0x8FFFFFFF  }
0x98: {  	s18 =	sld [smem:$0x3FDB];
	_ =	sdelay $0x1  }
0x99: {  	s19 =	simm.s32 $_scs_section_size  }
0x9a: {  	s4 =	simm.s32 $_size__tile_overlayer_lowered;
	s5 =	simm.s32 $_tile_overlayer_lowered  }
0x9b: {  	s22 =	simm.s32 $0x1BFF;
	s21 =	sshll.u32 s5, $0x1;
	s2 =	sadd.s32 s19, s18  }
0x9c: {  	s6 =	simm.s32 $0x0;
	s20 =	sshll.u32 s4, $0x1;
	s4 =	sadd.s32 s21, s2  }
0x9d: {  	[timem:s6], [sflag:s22] =	dma.local [hbm:s4], s20  }
0x9e: {  	_ =	swait.ge [sflag:s22], s20  }
0x9f: {  	s3 =	ssub.s32 $0x0, s20;
	[sflag:s22] =	ssyncset.done $0x0  }
0xa0: {  	[sflag:s22] =	ssyncadd.s32 s3;
	_ =	sdelay $0x1  }
0xa1: {  	s23 =	simm.s32 $0x1B8B  }
0xa2: {  	_ =	swait.ge [sflag:s23], $0x1  }
0xa3: {  	[sflag:s23] =	ssyncset.done $0x0  }
0xa4: {  	s25 =	simm.s32 $0x1B8E;
	s24 =	sld [smem:$0x3FFE];
	[sflag:s23] =	ssyncadd.s32 $0xFFFFFFFF  }
0xa5: {  	s26 =	simm.s32 $execute0_lowered;
	[smem:$0x3FD2] =	sst s25  }
0xa6: {  	s4 =	sshll.u32 s26, $0x1;
	_ =	strace $0x80000046;
	[dreg:$0x1] =	wrdreg $0xFFFFFFFF  }
0xa7: {  	s28 =	simm.s32 $_size_execute0_lowered;
	s2 =	sadd.s32 s2, s4;
	[dreg:$0x0] =	wrdreg $0x0  }
0xa8: {  	s4 =	sshll.u32 s28, $0x1;
	[dreg:$0x2] =	wrdreg s2  }
0xa9: {  	[dreg:$0x3] =	wrdreg s4  }
0xaa: {  	[dreg:$0x4] =	wrdreg $0xC0  }
0xab: {  	_ =	task [dreg:s6], $0x5FFFF  }
0xac: {  	[dreg:$0x1] =	wrdreg $0xFFFFFFFF  }
0xad: {  	[dreg:$0x0] =	wrdreg $0x60  }
0xae: {  	[dreg:$0x2] =	wrdreg s24  }
0xaf: {  	[dreg:$0x3] =	wrdreg $0x9  }
0xb0: {  	_ =	task.clear_ibuf [dreg:s6], $0x4FFFF;
	_ =	strace $0x90000046  }
0xb1: {  	s29 =	simm.s32 $0x9;
	_ =	strace $0x80000048  }
0xb2: {  	_ =	swait.ge [sflag:s29], $0x1  }
0xb3: {  	[sflag:s29] =	ssyncadd.s32 $0xFFFFFFFF  }
0xb4: {  	_ =	strace $0x90000048  }
0xb5: {  	_ =	sfence  }
0xb6: {  	s30 =	sld [smem:$0x0];
	_ =	sdelay $0x2  }
0xb7: {  	s31 =	sshll.u32 s1, $0xD;
	s1 =	sshrl.u32 s1, $0x2  }
0xb8: {  	s3 =	sand.u32 $0x4000, s31;
	s1 =	sadd.s32 s1, s30  }
0xb9: {  	s0 =	sor.u32 s3, s0;
	s1 =	sshll.u32 s1, $0x11  }
0xba: {  	s0 =	sor.u32 s1, s0  }
0xbb: {  	s0 =	sadd.s32 $0x8F2B, s0  }
0xbc: {  	[sflag:s0] =	ssyncadd.remote.s32 $0x1  }
0xbd: {  	_ =	sfence.sel $0xFFFF  }
0xbe: {  	[dreg:$0x0] =	wrdreg $0xFFFFFFFF;
	(pc) =	sbr.abs _section_cstart, $3  }
0xbf: {  	[dreg:$0x1] =	wrdreg $0xFFFFFFFF  }
0xc0: {  	_ =	task.clear_ibuf [dreg:s6], $0x2FFFF;
	_ =	strace $0x9FFFFFFF  }
0xc1: {  	(tm) =	ssettm $0x7FFFFFFF  }
tec
execute0_lowered:
.L_overlay_start_1:
0x0: {  	(tag) =	ssettag $0x1  }
0x1: {  	s0 =	srdreg.scid  }
0x2: {  	s10 =	stileid.u32;
	s3 =	rddreg [dreg:$0x0]  }
0x3: {  	s2 =	simm.s32 $0x0;
	s12 =	simm.s32 $0x1;
	s13 =	simm.s32 $0x2  }
0x4: {  	s14 =	simm.s32 $0x17100;
	s15 =	simm.s32 $0x80;
	s16 =	simm.s32 $0x400  }
0x5: {  	s17 =	simm.s32 $0x3;
	s0 =	sand.u32 $0x1, s0;
	s5 =	sshll.u32 s10, $0x7  }
0x6: {  	[smem:$0x7FF] =	sst s2;
	s29 =	smul.u32 $0x18000, s10;
	s1 =	sshll.u32 s0, $0x4  }
0x7: {  	s24 =	ssub.s32 $0x2, s0;
	s0 =	smul.u32 $0x180000, s0;
	s1 =	sor.u32 s10, s1  }
0x8: {  	s5 =	sand.u32 $0x380, s5;
	_ =	strace $0x80000047;
	s23 =	smul.u32 $0x18000, s1  }
0x9: {  	s25 =	sshrl.u32 s24, $0x1;
	s4 =	sshrl.u32 s1, $0x3;
	s1 =	smul.u32 $0x3000, s1  }
0xa: {  	s9 =	ssub.s32 s24, s25;
	s6 =	smul.u32 $0x18000, s4;
	s4 =	sshll.u32 s4, $0xF  }
0xb: {  	s10 =	sadd.s32 s29, s0;
	s9 =	smax.u32 s9, $0x1;
	s4 =	sor.u32 s5, s4  }
0xc: {  	s1 =	sadd.s32 s3, s1;
	s5 =	sor.u32 s5, s6;
	s6 =	sshrl.u32 s23, $0x3  }
.Ltmp0:
0xd: {  	s4 =	sshrl.u32 s4, $0x3;
	s26 =	sadd.s32 s3, s6;
	(pc) =	sbr.rel .LBB2_1-.Ltmp0, $4  }
0xe: {  	[dreg:$0x2] =	wrdreg s1;
	s5 =	sshrl.u32 s5, $0x3;
	s28 =	sadd.s32 $0x1000, s26  }
0xf: {  	s7 =	sadd.s32 s4, s3;
	s30 =	sadd.s32 $0x2000, s26;
	[dreg:$0x3] =	wrdreg s28  }
0x10: {  	v0 =	vimm.s32 $0x0;
	s8 =	sadd.s32 s5, s3;
	s31 =	sadd.s32 $0x60000, s7;
	[dreg:$0x4] =	wrdreg s30  }
0x11: {  	v1 =	vimm.f32 $0.0e+00;
	v2 =	vlaneseq.u32;
	v3 =	vimm.s32 $0x1;
	[dreg:$0x5] =	wrdreg s31;
	s7 =	sadd.s32 $0x64000, s8;
	s8 =	sadd.s32 $0x70000, s8  }
.LBB2_20:
0x12: {  	v5 =	vadd.f32 $-5.000000000e-01, v4;
	_ =	sdelay $0x1  }
0x13: {  	v5 =	vmul.f32 $8.192000000e+03, v5;
	_ =	sdelay $0x1  }
0x14: {  	v5 =	vtrunc.f32 v5  }
0x15: {  	vm0 =	vgt.f32 v4, $5.000000000e-01;
	v4 =	vcvt.f32.s32 v5;
	_ =	sdelay $0x5  }
0x16: {  	[tilespmem:v4+s14+$0x0] =	vst.idx.add.s32.msk vm0, v3  }
.LBB2_21:
0x17: {  	s0 =	rddreg [dreg:$0x5]  }
0x18: {  	[hbm4b:s0+s15] =	stream.strided.scatter [tilespmem:s14], [sflag:$0x3], $0x1000, s16, s15, $0x38;
	[tilespmem:$0x18100] =	vst v63  }
0x19: {  	_ =	swait.ge [sflag:s17], $0x1000  }
0x1a: {  	[sflag:s17] =	ssyncset.done $0x0  }
0x1b: {  	s30 =	simm.s32 $0x10000;
	[sflag:s17] =	ssyncadd.s32 $0xFFFFF000  }
0x1c: {  	[hbm4b:s7+s15] =	stream.strided.scatter [tilespmem:s30], [sflag:$0x3], $0x3000, s16, s15, $0x38;
	[tilespmem:$0x18100] =	vst v63  }
0x1d: {  	s2 =	sadd.s32 $0x1, s2;
	_ =	swait.ge [sflag:s17], $0x3000  }
0x1e: {  	p0 =	sne.s32 s2, s9;
	[sflag:s17] =	ssyncset.done $0x0  }
.Ltmp1:
0x1f: {  	s31 =	simm.s32 $0x13880;
	[sflag:s17] =	ssyncadd.s32 $0xFFFFD000;
	(pc) =	sbr.rel @!p0 .LBB2_22-.Ltmp1, $4  }
0x20: {  	[hbm4b:s8+s15] =	stream.strided.scatter [tilespmem:s31], [sflag:$0x3], $0x3000, s16, s15, $0x38;
	[tilespmem:$0x18100] =	vst v63  }
0x21: {  	_ =	swait.ge [sflag:s17], $0x3000  }
0x22: {  	[sflag:s17] =	ssyncset.done $0x0  }
0x23: {  	[sflag:s17] =	ssyncadd.s32 $0xFFFFD000  }
.LBB2_1:
0x24: {  	s0 =	simm.s32 $0x0  }
.LBB2_2:
0x25: {  	p0 =	sne.s32 s0, $0x3FC0  }
.Ltmp2:
0x26: {  	_ = 	snop;
	(pc) =	sbr.rel @p0 .LBB2_2-.Ltmp2, $3  }
0x27: {  	_ =	sdelay $0x1  }
0x28: {  	s1 =	sshra.s32 s0, $0x2  }
0x29: {  	s0 =	sadd.s32 $0x40, s0;
	[tilespmem:s1+$0x17100] =	vst v0  }
0x2a: {  	s0 =	simm.s32 $0x40;
	s1 =	simm.s32 $0x0  }
.LBB2_4:
0x2b: {  	p0 =	sne.s32 s0, $0xE000;
	[tilespmem:s1+$0x10000] =	vst v1;
	s11 =	smov.u32 s0;
	s0 =	sadd.s32 $0x40, s0  }
.Ltmp3:
0x2c: {  	[tilespmem:s1+$0x13880] =	vst v0;
	(pc) =	sbr.rel @p0 .LBB2_4-.Ltmp3, $2  }
0x2d: {  	_ =	sdelay $0x2  }
0x2e: {  	s1 =	sshra.s32 s11, $0x2  }
0x2f: {  	[tilespmem:s1+$0x10000] =	vst v1  }
0x30: {  	[tilespmem:s1+$0x13880] =	vst v0;
	s20 =	simm.s32 $0x0;
	s0 =	rddreg [dreg:$0x2]  }
0x31: {  	[tilespmem:s20], [sflag:$0x1] =	stream.linear.gather [hbm4b:s0+s20], $0x8000, $0x38;
	[tilespmem:$0x18100] =	vst v63  }
0x32: {  	s30 =	rddreg [dreg:$0x3];
	s31 =	simm.s32 $0x8000  }
0x33: {  	[tilespmem:s31], [sflag:$0x2] =	stream.linear.gather [hbm4b:s30+s20], $0x8000, $0x38;
	[tilespmem:$0x18100] =	vst v63  }
0x34: {  	_ =	swait.ge [sflag:s12], $0x8000  }
0x35: {  	s21 =	simm.s32 $0x0;
	s22 =	simm.s32 $0x0;
	[sflag:s12] =	ssyncset.done $0x0  }
0x36: {  	s23 =	smov.u32 s10;
	s24 =	simm.s32 $0x0;
	[sflag:s12] =	ssyncadd.s32 $0xFFFF8000  }
.LBB2_6:
0x37: {  	s0 =	sshll.u32 s22, $0x2;
	s1 =	sand.u32 $0x7, s21  }
0x38: {  	s0 =	sand.u32 $0xFFFF0000, s0;
	s1 =	sshll.u32 s1, $0x9  }
0x39: {  	s0 =	sor.u32 s1, s0  }
0x3a: {  	s0 =	sshrl.u32 s0, $0x2  }
0x3b: {  	s25 =	sor.u32 $0x400, s0  }
0x3c: {  	v5 =	vld [tilespmem:s25+$0xFFFFFC00];
	_ =	sdelay $0x1  }
0x3d: {  	v6 =	vld [tilespmem:s25+$0xFFFFFC10];
	_ =	sdelay $0x1  }
0x3e: {  	v7 =	vld [tilespmem:s25+$0xFFFFFC20]  }
0x3f: {  	vm0 =	vgt.f32 v5, $5.000000000e-01  }
0x40: {  	v8 =	vld [tilespmem:s25+$0xFFFFFC30];
	v4 =	vsel vm0, $0x1, v0  }
0x41: {  	vm12 =	vgt.f32 v6, $5.000000000e-01;
	(xrf0) =	vadd.scan.msk.s32 $0xffff, v4  }
0x42: {  	v4 =	vsel vm12, $0x1, v0  }
0x43: {  	v9 =	vld [tilespmem:s25+$0xFFFFFC40];
	vm13 =	vgt.f32 v7, $5.000000000e-01;
	(xrf0) =	vadd.scan.msk.s32 $0xffff, v4  }
0x44: {  	v4 =	vsel vm13, $0x1, v0  }
0x45: {  	v10 =	vld [tilespmem:s25+$0xFFFFFC50];
	vm11 =	vgt.f32 v8, $5.000000000e-01;
	(xrf0) =	vadd.scan.msk.s32 $0xffff, v4  }
0x46: {  	v4 =	vsel vm11, $0x1, v0  }
0x47: {  	v11 =	vld [tilespmem:s25+$0xFFFFFC60];
	v12, _, _ =	vpop (xrf0);
	(xrf0) =	vadd.scan.msk.s32 $0xffff, v4  }
0x48: {  	vm9 =	vgt.f32 v9, $5.000000000e-01;
	(v2sf) =	vpush v12, $0xF  }
0x49: {  	v13 =	vld [tilespmem:s25+$0xFFFFFC70];
	v4 =	vsel vm9, $0x1, v0;
	v52, _, _ =	vpop (xrf0)  }
0x4a: {  	vm8 =	vgt.f32 v10, $5.000000000e-01;
	(xrf0) =	vadd.scan.msk.s32 $0xffff, v4;
	(v2sf) =	vpush v52, $0xF  }
0x4b: {  	v14 =	vld [tilespmem:s25+$0x0];
	v4 =	vsel vm8, $0x1, v0;
	v53, _, _ =	vpop (xrf0)  }
0x4c: {  	vm6 =	vgt.f32 v11, $5.000000000e-01;
	(xrf0) =	vadd.scan.msk.s32 $0xffff, v4;
	(v2sf) =	vpush v53, $0xF  }
0x4d: {  	v15 =	vld [tilespmem:s25+$0x10];
	v4 =	vsel vm6, $0x1, v0;
	v54, _, _ =	vpop (xrf0)  }
0x4e: {  	vm1 =	vgt.f32 v13, $5.000000000e-01;
	(xrf0) =	vadd.scan.msk.s32 $0xffff, v4;
	(v2sf) =	vpush v54, $0xF  }
0x4f: {  	v16 =	vld [tilespmem:s25+$0x20];
	v4 =	vsel vm1, $0x1, v0  }
0x50: {  	vm2 =	vgt.f32 v14, $5.000000000e-01;
	v55, _, _ =	vpop (xrf0);
	(xrf0) =	vadd.scan.msk.s32 $0xffff, v4  }
0x51: {  	v17 =	vld [tilespmem:s25+$0x30];
	v4 =	vsel vm2, $0x1, v0;
	(v2sf) =	vpush v55, $0xF  }
0x52: {  	v18 =	vld [tilespmem:s25+$0x40];
	vm3 =	vgt.f32 v15, $5.000000000e-01;
	v56, _, _ =	vpop (xrf0);
	(xrf0) =	vadd.scan.msk.s32 $0xffff, v4  }
0x53: {  	v20 =	vld [tilespmem:s25+$0x50];
	v4 =	vsel vm3, $0x1, v0;
	(v2sf) =	vpush v56, $0xF  }
0x54: {  	vm4 =	vgt.f32 v16, $5.000000000e-01;
	v57, _, _ =	vpop (xrf0);
	(xrf0) =	vadd.scan.msk.s32 $0xffff, v4  }
0x55: {  	v21 =	vld [tilespmem:s25+$0x60];
	v19 =	vsel vm4, $0x1, v0;
	(v2sf) =	vpush v57, $0xF  }
0x56: {  	s26 =	sadd.s32 $0x0, s23;
	vm5 =	vgt.f32 v17, $5.000000000e-01;
	v4 =	vld [tilespmem:s25+$0x70];
	v58, _, _ =	vpop (xrf0);
	(xrf0) =	vadd.scan.msk.s32 $0xffff, v19  }
0x57: {  	v60 =	vor.u32 s26, v2;
	v59 =	vsel vm5, $0x1, v0;
	[tilespmem:s20+$0x10000] =	vst.msk vm0, v5;
	(v2sf) =	vpush v58, $0xF;
	s19 =	spop (v2sf)  }
0x58: {  	s11 =	sadd.s32 $0x10, s26;
	vm7 =	vgt.f32 v18, $5.000000000e-01;
	vm10 =	vgt.f32 v20, $5.000000000e-01;
	[tilespmem:s20+$0x13880] =	vst.msk vm0, v60;
	v5, _, _ =	vpop (xrf0);
	(xrf0) =	vadd.scan.msk.s32 $0xffff, v59;
	s1 =	sadd.s32 s20, s19  }
0x59: {  	s18 =	sadd.s32 $0x20, s26;
	v61 =	vsel vm7, $0x1, v0;
	(v2sf) =	vpush v5, $0xF;
	v5 =	vor.u32 s11, v2;
	s20 =	spop (v2sf);
	[tilespmem:s1+$0x10000] =	vst.msk vm12, v6  }
0x5a: {  	v62 =	vor.u32 s18, v2;
	v63 =	vsel vm10, $0x1, v0;
	v6, _, _ =	vpop (xrf0);
	(xrf0) =	vadd.scan.msk.s32 $0xffff, v61;
	s0 =	sadd.s32 s20, s1;
	[tilespmem:s1+$0x13880] =	vst.msk vm12, v5  }
0x5b: {  	vm0 =	vgt.f32 v4, $5.000000000e-01;
	s28 =	spop (v2sf);
	(v2sf) =	vpush v6, $0xF;
	vm12 =	vgt.f32 v21, $5.000000000e-01;
	[tilespmem:s0+$0x10000] =	vst.msk vm13, v7  }
0x5c: {  	s29 =	sadd.s32 $0x30, s26;
	v5 =	vsel vm0, $0x1, v0;
	v6, _, _ =	vpop (xrf0);
	(xrf0) =	vadd.scan.msk.s32 $0xffff, v63;
	v7 =	vsel vm12, $0x1, v0;
	[tilespmem:s0+$0x13880] =	vst.msk vm13, v62;
	s0 =	sadd.s32 s28, s0  }
0x5d: {  	(v2sf) =	vpush v6, $0xF;
	(xrf0) =	vadd.scan.msk.s32 $0xffff, v5;
	v5 =	vor.u32 s29, v2;
	[tilespmem:s0+$0x10000] =	vst.msk vm11, v8;
	s30 =	spop (v2sf)  }
0x5e: {  	s31 =	sadd.s32 $0x40, s26;
	v6, _, _ =	vpop (xrf0);
	(xrf0) =	vadd.scan.msk.s32 $0xffff, v7;
	[tilespmem:s0+$0x13880] =	vst.msk vm11, v5;
	s0 =	sadd.s32 s30, s0  }
0x5f: {  	s4 =	sadd.s32 $0x50, s26;
	(v2sf) =	vpush v6, $0xF;
	v5 =	vor.u32 s31, v2;
	[tilespmem:s0+$0x10000] =	vst.msk vm9, v9  }
0x60: {  	s3 =	spop (v2sf);
	v6, _, _ =	vpop (xrf0);
	[tilespmem:s0+$0x13880] =	vst.msk vm9, v5;
	v5 =	vor.u32 s4, v2  }
0x61: {  	s0 =	sadd.s32 s3, s0;
	(v2sf) =	vpush v6, $0xF  }
0x62: {  	s5 =	spop (v2sf);
	v6, _, _ =	vpop (xrf0);
	[tilespmem:s0+$0x10000] =	vst.msk vm8, v10  }
0x63: {  	s6 =	sadd.s32 $0x60, s26;
	(v2sf) =	vpush v6, $0xF;
	[tilespmem:s0+$0x13880] =	vst.msk vm8, v5;
	s0 =	sadd.s32 s5, s0;
	v5, _, _ =	vpop (xrf0)  }
0x64: {  	v6 =	vor.u32 s6, v2;
	[tilespmem:s0+$0x10000] =	vst.msk vm6, v11;
	s11 =	spop (v2sf);
	v7, _, _ =	vpop (xrf0)  }
0x65: {  	s18 =	sadd.s32 $0x70, s26;
	[tilespmem:s0+$0x13880] =	vst.msk vm6, v6;
	s0 =	sadd.s32 s11, s0;
	(v2sf) =	vpush v7, $0xF  }
0x66: {  	v6 =	vor.u32 s18, v2;
	s19 =	spop (v2sf);
	[tilespmem:s0+$0x10000] =	vst.msk vm1, v13;
	(v2sf) =	vpush v5, $0xF  }
0x67: {  	s20 =	sadd.s32 $0x80, s26;
	[tilespmem:s0+$0x13880] =	vst.msk vm1, v6;
	s0 =	sadd.s32 s19, s0  }
0x68: {  	v5 =	vor.u32 s20, v2;
	s28 =	spop (v2sf);
	[tilespmem:s0+$0x10000] =	vst.msk vm2, v14  }
0x69: {  	s29 =	sadd.s32 $0x90, s26;
	[tilespmem:s0+$0x13880] =	vst.msk vm2, v5;
	s0 =	sadd.s32 s28, s0  }
0x6a: {  	v5 =	vor.u32 s29, v2;
	[tilespmem:s0+$0x10000] =	vst.msk vm3, v15;
	s30 =	spop (v2sf)  }
0x6b: {  	s31 =	sadd.s32 $0xA0, s26;
	[tilespmem:s0+$0x13880] =	vst.msk vm3, v5;
	s0 =	sadd.s32 s30, s0  }
0x6c: {  	v5 =	vor.u32 s31, v2;
	s3 =	spop (v2sf);
	[tilespmem:s0+$0x10000] =	vst.msk vm4, v16  }
0x6d: {  	s4 =	sadd.s32 $0xB0, s26;
	[tilespmem:s0+$0x13880] =	vst.msk vm4, v5;
	s0 =	sadd.s32 s3, s0  }
0x6e: {  	v5 =	vor.u32 s4, v2;
	s5 =	spop (v2sf);
	[tilespmem:s0+$0x10000] =	vst.msk vm5, v17  }
0x6f: {  	s6 =	sadd.s32 $0xC0, s26;
	[tilespmem:s0+$0x13880] =	vst.msk vm5, v5;
	s0 =	sadd.s32 s5, s0  }
0x70: {  	v5 =	vor.u32 s6, v2;
	[tilespmem:s0+$0x10000] =	vst.msk vm7, v18;
	s18 =	spop (v2sf)  }
0x71: {  	s19 =	sadd.s32 $0xD0, s26;
	[tilespmem:s0+$0x13880] =	vst.msk vm7, v5;
	s0 =	sadd.s32 s18, s0  }
0x72: {  	v5 =	vor.u32 s19, v2;
	s20 =	spop (v2sf);
	[tilespmem:s0+$0x10000] =	vst.msk vm10, v20  }
0x73: {  	s28 =	sadd.s32 $0xE0, s26;
	[tilespmem:s0+$0x13880] =	vst.msk vm10, v5;
	s0 =	sadd.s32 s20, s0  }
0x74: {  	v5 =	vor.u32 s28, v2;
	[tilespmem:s0+$0x10000] =	vst.msk vm12, v21;
	s29 =	spop (v2sf)  }
0x75: {  	s30 =	sadd.s32 $0xF0, s26;
	[tilespmem:s0+$0x13880] =	vst.msk vm12, v5;
	s1 =	sadd.s32 s29, s0;
	s31 =	spop (v2sf)  }
0x76: {  	s26 =	simm.s32 $0x100;
	v5 =	vor.u32 s30, v2;
	[tilespmem:s1+$0x10000] =	vst.msk vm0, v4;
	s20 =	sadd.s32 s31, s1  }
.LBB2_7:
0x77: {  	p0 =	sne.s32 s26, $0x700  }
0x78: {  	[tilespmem:s1+$0x13880] =	vst.msk vm0, v5;
	s25 =	sadd.s32 $0x800, s25;
	s0 =	smov.u32 s26;
	s26 =	sadd.s32 $0x100, s26  }
0x79: {  	v17 =	vld [tilespmem:s25+$0xFFFFFC00];
	_ =	sdelay $0x1  }
0x7a: {  	v18 =	vld [tilespmem:s25+$0xFFFFFC10];
	_ =	sdelay $0x1  }
0x7b: {  	v19 =	vld [tilespmem:s25+$0xFFFFFC20]  }
0x7c: {  	vm0 =	vgt.f32 v17, $5.000000000e-01  }
0x7d: {  	v4 =	vsel vm0, $0x1, v0;
	v16 =	vld [tilespmem:s25+$0xFFFFFC30]  }
0x7e: {  	vm13 =	vgt.f32 v18, $5.000000000e-01;
	(xrf0) =	vadd.scan.msk.s32 $0xffff, v4  }
0x7f: {  	v4 =	vsel vm13, $0x1, v0;
	v15 =	vld [tilespmem:s25+$0xFFFFFC40]  }
0x80: {  	vm11 =	vgt.f32 v19, $5.000000000e-01;
	(xrf0) =	vadd.scan.msk.s32 $0xffff, v4  }
0x81: {  	v4 =	vsel vm11, $0x1, v0;
	v13 =	vld [tilespmem:s25+$0xFFFFFC50]  }
0x82: {  	vm10 =	vgt.f32 v16, $5.000000000e-01;
	(xrf0) =	vadd.scan.msk.s32 $0xffff, v4  }
0x83: {  	v4 =	vsel vm10, $0x1, v0;
	v8 =	vld [tilespmem:s25+$0xFFFFFC60]  }
0x84: {  	vm7 =	vgt.f32 v15, $5.000000000e-01;
	v6, _, _ =	vpop (xrf0);
	(xrf0) =	vadd.scan.msk.s32 $0xffff, v4  }
0x85: {  	v4 =	vsel vm7, $0x1, v0;
	v5 =	vld [tilespmem:s25+$0xFFFFFC70];
	(v2sf) =	vpush v6, $0xF  }
0x86: {  	vm5 =	vgt.f32 v13, $5.000000000e-01;
	v7, _, _ =	vpop (xrf0);
	(xrf0) =	vadd.scan.msk.s32 $0xffff, v4  }
0x87: {  	v4 =	vsel vm5, $0x1, v0;
	v6 =	vld [tilespmem:s25+$0x0];
	(v2sf) =	vpush v7, $0xF  }
0x88: {  	vm2 =	vgt.f32 v8, $5.000000000e-01;
	v9, _, _ =	vpop (xrf0);
	(xrf0) =	vadd.scan.msk.s32 $0xffff, v4  }
0x89: {  	v4 =	vsel vm2, $0x1, v0;
	v7 =	vld [tilespmem:s25+$0x10];
	(v2sf) =	vpush v9, $0xF  }
0x8a: {  	vm1 =	vgt.f32 v5, $5.000000000e-01;
	v10, _, _ =	vpop (xrf0);
	(xrf0) =	vadd.scan.msk.s32 $0xffff, v4  }
0x8b: {  	v4 =	vsel vm1, $0x1, v0;
	v9 =	vld [tilespmem:s25+$0x20];
	(v2sf) =	vpush v10, $0xF  }
0x8c: {  	vm3 =	vgt.f32 v6, $5.000000000e-01;
	v11, _, _ =	vpop (xrf0);
	(xrf0) =	vadd.scan.msk.s32 $0xffff, v4  }
0x8d: {  	v4 =	vsel vm3, $0x1, v0;
	v10 =	vld [tilespmem:s25+$0x30];
	(v2sf) =	vpush v11, $0xF  }
0x8e: {  	vm4 =	vgt.f32 v7, $5.000000000e-01;
	v12, _, _ =	vpop (xrf0);
	(xrf0) =	vadd.scan.msk.s32 $0xffff, v4  }
0x8f: {  	v4 =	vsel vm4, $0x1, v0;
	v11 =	vld [tilespmem:s25+$0x40];
	(v2sf) =	vpush v12, $0xF  }
0x90: {  	vm6 =	vgt.f32 v9, $5.000000000e-01;
	v14, _, _ =	vpop (xrf0);
	(xrf0) =	vadd.scan.msk.s32 $0xffff, v4  }
0x91: {  	v20 =	vsel vm6, $0x1, v0;
	v12 =	vld [tilespmem:s25+$0x50];
	(v2sf) =	vpush v14, $0xF  }
0x92: {  	vm8 =	vgt.f32 v10, $5.000000000e-01;
	v4 =	vld [tilespmem:s25+$0x70];
	v21, _, _ =	vpop (xrf0);
	(xrf0) =	vadd.scan.msk.s32 $0xffff, v20  }
0x93: {  	s0 =	sadd.s32 s0, s23;
	v20 =	vsel vm8, $0x1, v0;
	v14 =	vld [tilespmem:s25+$0x60];
	(v2sf) =	vpush v21, $0xF  }
0x94: {  	s1 =	sadd.s32 $0x10, s0;
	s11 =	sadd.s32 $0x20, s0;
	v21 =	vor.u32 s0, v2;
	vm9 =	vgt.f32 v11, $5.000000000e-01;
	[tilespmem:s20+$0x10000] =	vst.msk vm0, v17;
	s18 =	spop (v2sf);
	v17, _, _ =	vpop (xrf0);
	(xrf0) =	vadd.scan.msk.s32 $0xffff, v20  }
0x95: {  	s31 =	sadd.s32 $0x40, s0;
	v20 =	vsel vm9, $0x1, v0;
	[tilespmem:s20+$0x13880] =	vst.msk vm0, v21;
	s18 =	sadd.s32 s20, s18;
	v21 =	vor.u32 s11, v2;
	s11 =	sadd.s32 $0x30, s0;
	(v2sf) =	vpush v17, $0xF  }
0x96: {  	s19 =	sadd.s32 $0x50, s0;
	s3 =	sadd.s32 $0x60, s0;
	v17 =	vor.u32 s1, v2;
	vm12 =	vgt.f32 v12, $5.000000000e-01;
	[tilespmem:s18+$0x10000] =	vst.msk vm13, v18;
	s1 =	spop (v2sf);
	v18, _, _ =	vpop (xrf0);
	(xrf0) =	vadd.scan.msk.s32 $0xffff, v20  }
0x97: {  	s4 =	sadd.s32 $0x70, s0;
	s30 =	sadd.s32 $0x80, s0;
	v20 =	vsel vm12, $0x1, v0;
	vm0 =	vgt.f32 v4, $5.000000000e-01;
	[tilespmem:s18+$0x13880] =	vst.msk vm13, v17;
	s1 =	sadd.s32 s1, s18;
	(v2sf) =	vpush v18, $0xF  }
0x98: {  	s29 =	sadd.s32 $0x90, s0;
	s20 =	sadd.s32 $0xA0, s0;
	vm13 =	vgt.f32 v14, $5.000000000e-01;
	v17 =	vsel vm0, $0x1, v0;
	[tilespmem:s1+$0x10000] =	vst.msk vm11, v19;
	s18 =	spop (v2sf);
	v18, _, _ =	vpop (xrf0);
	(xrf0) =	vadd.scan.msk.s32 $0xffff, v20  }
0x99: {  	s28 =	sadd.s32 $0xB0, s0;
	v19 =	vsel vm13, $0x1, v0;
	[tilespmem:s1+$0x13880] =	vst.msk vm11, v21;
	s5 =	sadd.s32 s18, s1;
	s18 =	sadd.s32 $0xC0, s0;
	(v2sf) =	vpush v18, $0xF;
	(xrf0) =	vadd.scan.msk.s32 $0xffff, v17  }
0x9a: {  	v17 =	vor.u32 s11, v2;
	s11 =	sadd.s32 $0xD0, s0;
	s1 =	sadd.s32 $0xE0, s0;
	[tilespmem:s5+$0x10000] =	vst.msk vm10, v16;
	s6 =	spop (v2sf);
	v16, _, _ =	vpop (xrf0);
	(xrf0) =	vadd.scan.msk.s32 $0xffff, v19  }
0x9b: {  	s0 =	sadd.s32 $0xF0, s0;
	[tilespmem:s5+$0x13880] =	vst.msk vm10, v17;
	s5 =	sadd.s32 s6, s5;
	(v2sf) =	vpush v16, $0xF  }
0x9c: {  	v16 =	vor.u32 s31, v2;
	[tilespmem:s5+$0x10000] =	vst.msk vm7, v15;
	s6 =	spop (v2sf);
	v15, _, _ =	vpop (xrf0)  }
0x9d: {  	[tilespmem:s5+$0x13880] =	vst.msk vm7, v16;
	s5 =	sadd.s32 s6, s5;
	(v2sf) =	vpush v15, $0xF  }
0x9e: {  	v15 =	vor.u32 s19, v2;
	[tilespmem:s5+$0x10000] =	vst.msk vm5, v13;
	s6 =	spop (v2sf);
	v13, _, _ =	vpop (xrf0)  }
0x9f: {  	[tilespmem:s5+$0x13880] =	vst.msk vm5, v15;
	s5 =	sadd.s32 s6, s5;
	(v2sf) =	vpush v13, $0xF;
	v13, _, _ =	vpop (xrf0)  }
0xa0: {  	v15 =	vor.u32 s3, v2;
	[tilespmem:s5+$0x10000] =	vst.msk vm2, v8;
	s3 =	spop (v2sf);
	v8, _, _ =	vpop (xrf0)  }
0xa1: {  	[tilespmem:s5+$0x13880] =	vst.msk vm2, v15;
	s3 =	sadd.s32 s3, s5;
	(v2sf) =	vpush v8, $0xF  }
0xa2: {  	v8 =	vor.u32 s4, v2;
	[tilespmem:s3+$0x10000] =	vst.msk vm1, v5;
	s4 =	spop (v2sf);
	(v2sf) =	vpush v13, $0xF  }
0xa3: {  	[tilespmem:s3+$0x13880] =	vst.msk vm1, v8;
	s3 =	sadd.s32 s4, s3  }
0xa4: {  	v5 =	vor.u32 s30, v2;
	[tilespmem:s3+$0x10000] =	vst.msk vm3, v6;
	s4 =	spop (v2sf)  }
0xa5: {  	[tilespmem:s3+$0x13880] =	vst.msk vm3, v5;
	s3 =	sadd.s32 s4, s3  }
0xa6: {  	v5 =	vor.u32 s29, v2;
	[tilespmem:s3+$0x10000] =	vst.msk vm4, v7;
	s4 =	spop (v2sf)  }
0xa7: {  	[tilespmem:s3+$0x13880] =	vst.msk vm4, v5;
	s3 =	sadd.s32 s4, s3  }
0xa8: {  	v5 =	vor.u32 s20, v2;
	[tilespmem:s3+$0x10000] =	vst.msk vm6, v9;
	s4 =	spop (v2sf)  }
0xa9: {  	[tilespmem:s3+$0x13880] =	vst.msk vm6, v5;
	s3 =	sadd.s32 s4, s3  }
0xaa: {  	v5 =	vor.u32 s28, v2;
	[tilespmem:s3+$0x10000] =	vst.msk vm8, v10;
	s4 =	spop (v2sf)  }
0xab: {  	[tilespmem:s3+$0x13880] =	vst.msk vm8, v5;
	s3 =	sadd.s32 s4, s3  }
0xac: {  	v5 =	vor.u32 s18, v2;
	[tilespmem:s3+$0x10000] =	vst.msk vm9, v11;
	s4 =	spop (v2sf)  }
0xad: {  	[tilespmem:s3+$0x13880] =	vst.msk vm9, v5;
	s3 =	sadd.s32 s4, s3  }
.Ltmp4:
0xae: {  	v5 =	vor.u32 s11, v2;
	[tilespmem:s3+$0x10000] =	vst.msk vm12, v12;
	s4 =	spop (v2sf);
	(pc) =	sbr.rel @p0 .LBB2_7-.Ltmp4, $4  }
0xaf: {  	[tilespmem:s3+$0x13880] =	vst.msk vm12, v5;
	s3 =	sadd.s32 s4, s3  }
0xb0: {  	v5 =	vor.u32 s1, v2;
	[tilespmem:s3+$0x10000] =	vst.msk vm13, v14;
	s1 =	spop (v2sf)  }
0xb1: {  	[tilespmem:s3+$0x13880] =	vst.msk vm13, v5;
	s1 =	sadd.s32 s1, s3;
	s3 =	spop (v2sf)  }
0xb2: {  	v5 =	vor.u32 s0, v2;
	[tilespmem:s1+$0x10000] =	vst.msk vm0, v4;
	s20 =	sadd.s32 s3, s1  }
0xb3: {  	p0 =	slt.s32 s20, $0x3000;
	s24 =	sadd.s32 $0x1, s24  }
0xb4: {  	s20 =	simm.s32 @!p0 $0x3000;
	p0 =	sne.s32 s24, $0x10  }
.Ltmp5:
0xb5: {  	_ = 	snop;
	(pc) =	sbr.rel @p0 .LBB2_6-.Ltmp5, $2  }
0xb6: {  	_ =	sdelay $0x2  }
0xb7: {  	[tilespmem:s1+$0x13880] =	vst.msk vm0, v5;
	s23 =	sadd.s32 $0x800, s23;
	s22 =	sadd.s32 $0x800, s22;
	s21 =	sadd.s32 $0x1, s21  }
0xb8: {  	s21 =	simm.s32 $0x0;
	s0 =	rddreg [dreg:$0x4]  }
0xb9: {  	[tilespmem:s21], [sflag:$0x1] =	stream.linear.gather [hbm4b:s0+s21], $0x8000, $0x38;
	[tilespmem:$0x18100] =	vst v63  }
0xba: {  	_ =	swait.ge [sflag:s13], $0x8000  }
0xbb: {  	s22 =	simm.s32 $0x0;
	[sflag:s13] =	ssyncset.done $0x0  }
0xbc: {  	s23 =	smov.u32 s10;
	s24 =	simm.s32 $0x0;
	[sflag:s13] =	ssyncadd.s32 $0xFFFF8000  }
.LBB2_10:
0xbd: {  	s0 =	sshll.u32 s22, $0x2;
	s1 =	sand.u32 $0x7, s21  }
0xbe: {  	s0 =	sand.u32 $0xFFFF0000, s0;
	s1 =	sshll.u32 s1, $0x9  }
0xbf: {  	s0 =	sor.u32 s1, s0  }
0xc0: {  	s0 =	sshrl.u32 s0, $0x2  }
0xc1: {  	s25 =	sadd.s32 $0x8400, s0  }
0xc2: {  	v5 =	vld [tilespmem:s25+$0xFFFFFC00];
	_ =	sdelay $0x1  }
0xc3: {  	v6 =	vld [tilespmem:s25+$0xFFFFFC10];
	_ =	sdelay $0x1  }
0xc4: {  	v7 =	vld [tilespmem:s25+$0xFFFFFC20]  }
0xc5: {  	vm10 =	vgt.f32 v5, $5.000000000e-01  }
0xc6: {  	v8 =	vld [tilespmem:s25+$0xFFFFFC30];
	v4 =	vsel vm10, $0x1, v0  }
0xc7: {  	vm0 =	vgt.f32 v6, $5.000000000e-01;
	(xrf0) =	vadd.scan.msk.s32 $0xffff, v4  }
0xc8: {  	v9 =	vld [tilespmem:s25+$0xFFFFFC40];
	v4 =	vsel vm0, $0x1, v0  }
0xc9: {  	vm13 =	vgt.f32 v7, $5.000000000e-01;
	(xrf0) =	vadd.scan.msk.s32 $0xffff, v4  }
0xca: {  	v4 =	vsel vm13, $0x1, v0  }
0xcb: {  	v10 =	vld [tilespmem:s25+$0xFFFFFC50];
	vm11 =	vgt.f32 v8, $5.000000000e-01;
	(xrf0) =	vadd.scan.msk.s32 $0xffff, v4  }
0xcc: {  	v4 =	vsel vm11, $0x1, v0  }
0xcd: {  	v11 =	vld [tilespmem:s25+$0xFFFFFC60];
	vm9 =	vgt.f32 v9, $5.000000000e-01;
	v12, _, _ =	vpop (xrf0);
	(xrf0) =	vadd.scan.msk.s32 $0xffff, v4  }
0xce: {  	v4 =	vsel vm9, $0x1, v0;
	(v2sf) =	vpush v12, $0xF  }
0xcf: {  	v13 =	vld [tilespmem:s25+$0xFFFFFC70];
	v52, _, _ =	vpop (xrf0);
	(xrf0) =	vadd.scan.msk.s32 $0xffff, v4  }
0xd0: {  	vm8 =	vgt.f32 v10, $5.000000000e-01;
	(v2sf) =	vpush v52, $0xF  }
0xd1: {  	v14 =	vld [tilespmem:s25+$0x0];
	v4 =	vsel vm8, $0x1, v0;
	v53, _, _ =	vpop (xrf0)  }
0xd2: {  	vm7 =	vgt.f32 v11, $5.000000000e-01;
	(xrf0) =	vadd.scan.msk.s32 $0xffff, v4;
	(v2sf) =	vpush v53, $0xF  }
0xd3: {  	v15 =	vld [tilespmem:s25+$0x10];
	v4 =	vsel vm7, $0x1, v0;
	v54, _, _ =	vpop (xrf0)  }
0xd4: {  	vm1 =	vgt.f32 v13, $5.000000000e-01;
	(xrf0) =	vadd.scan.msk.s32 $0xffff, v4;
	(v2sf) =	vpush v54, $0xF  }
0xd5: {  	v16 =	vld [tilespmem:s25+$0x20];
	v4 =	vsel vm1, $0x1, v0;
	v55, _, _ =	vpop (xrf0)  }
0xd6: {  	vm2 =	vgt.f32 v14, $5.000000000e-01;
	(xrf0) =	vadd.scan.msk.s32 $0xffff, v4;
	(v2sf) =	vpush v55, $0xF  }
0xd7: {  	v17 =	vld [tilespmem:s25+$0x30];
	v4 =	vsel vm2, $0x1, v0  }
0xd8: {  	vm3 =	vgt.f32 v15, $5.000000000e-01;
	v56, _, _ =	vpop (xrf0);
	(xrf0) =	vadd.scan.msk.s32 $0xffff, v4  }
0xd9: {  	v18 =	vld [tilespmem:s25+$0x40];
	v4 =	vsel vm3, $0x1, v0;
	(v2sf) =	vpush v56, $0xF  }
0xda: {  	vm4 =	vgt.f32 v16, $5.000000000e-01;
	v57, _, _ =	vpop (xrf0);
	(xrf0) =	vadd.scan.msk.s32 $0xffff, v4  }
0xdb: {  	s26 =	sadd.s32 $0x0, s23;
	v20 =	vld [tilespmem:s25+$0x50];
	v19 =	vsel vm4, $0x1, v0;
	(v2sf) =	vpush v57, $0xF  }
0xdc: {  	s11 =	sadd.s32 $0x8000, s26;
	v21 =	vld [tilespmem:s25+$0x60];
	vm5 =	vgt.f32 v17, $5.000000000e-01;
	v58, _, _ =	vpop (xrf0);
	(xrf0) =	vadd.scan.msk.s32 $0xffff, v19  }
0xdd: {  	v60 =	vor.u32 s11, v2;
	v59 =	vsel vm5, $0x1, v0;
	v4 =	vld [tilespmem:s25+$0x70];
	[tilespmem:s20+$0x10000] =	vst.msk vm10, v5;
	(v2sf) =	vpush v58, $0xF;
	s18 =	spop (v2sf)  }
0xde: {  	s19 =	sadd.s32 $0x8010, s26;
	vm6 =	vgt.f32 v18, $5.000000000e-01;
	[tilespmem:s20+$0x13880] =	vst.msk vm10, v60;
	v5, _, _ =	vpop (xrf0);
	(xrf0) =	vadd.scan.msk.s32 $0xffff, v59;
	s0 =	sadd.s32 s20, s18  }
0xdf: {  	v61 =	vsel vm6, $0x1, v0;
	(v2sf) =	vpush v5, $0xF;
	v5 =	vor.u32 s19, v2;
	s20 =	spop (v2sf);
	[tilespmem:s0+$0x10000] =	vst.msk vm0, v6  }
0xe0: {  	s3 =	sadd.s32 $0x8020, s26;
	vm10 =	vgt.f32 v20, $5.000000000e-01;
	v6, _, _ =	vpop (xrf0);
	(xrf0) =	vadd.scan.msk.s32 $0xffff, v61;
	[tilespmem:s0+$0x13880] =	vst.msk vm0, v5;
	s0 =	sadd.s32 s20, s0  }
0xe1: {  	v62 =	vsel vm10, $0x1, v0;
	s28 =	spop (v2sf);
	(v2sf) =	vpush v6, $0xF;
	v5 =	vor.u32 s3, v2;
	[tilespmem:s0+$0x10000] =	vst.msk vm13, v7  }
0xe2: {  	s29 =	sadd.s32 $0x8030, s26;
	vm12 =	vgt.f32 v21, $5.000000000e-01;
	v6, _, _ =	vpop (xrf0);
	(xrf0) =	vadd.scan.msk.s32 $0xffff, v62;
	vm0 =	vgt.f32 v4, $5.000000000e-01;
	[tilespmem:s0+$0x13880] =	vst.msk vm13, v5;
	s0 =	sadd.s32 s28, s0  }
0xe3: {  	v7 =	vsel vm12, $0x1, v0;
	(v2sf) =	vpush v6, $0xF;
	v6 =	vor.u32 s29, v2;
	[tilespmem:s0+$0x10000] =	vst.msk vm11, v8;
	s30 =	spop (v2sf)  }
0xe4: {  	s31 =	sadd.s32 $0x8040, s26;
	v63, _, _ =	vpop (xrf0);
	v5 =	vsel vm0, $0x1, v0;
	(xrf0) =	vadd.scan.msk.s32 $0xffff, v7;
	[tilespmem:s0+$0x13880] =	vst.msk vm11, v6;
	s0 =	sadd.s32 s30, s0  }
0xe5: {  	(v2sf) =	vpush v63, $0xF;
	(xrf0) =	vadd.scan.msk.s32 $0xffff, v5;
	v5 =	vor.u32 s31, v2;
	s3 =	spop (v2sf);
	[tilespmem:s0+$0x10000] =	vst.msk vm9, v9  }
0xe6: {  	s4 =	sadd.s32 $0x8050, s26;
	v6, _, _ =	vpop (xrf0);
	[tilespmem:s0+$0x13880] =	vst.msk vm9, v5;
	s0 =	sadd.s32 s3, s0  }
0xe7: {  	s6 =	sadd.s32 $0x8060, s26;
	(v2sf) =	vpush v6, $0xF;
	v5 =	vor.u32 s4, v2;
	[tilespmem:s0+$0x10000] =	vst.msk vm8, v10  }
0xe8: {  	s5 =	spop (v2sf);
	v6, _, _ =	vpop (xrf0);
	[tilespmem:s0+$0x13880] =	vst.msk vm8, v5;
	v5 =	vor.u32 s6, v2  }
0xe9: {  	(v2sf) =	vpush v6, $0xF;
	s0 =	sadd.s32 s5, s0  }
0xea: {  	v6, _, _ =	vpop (xrf0);
	[tilespmem:s0+$0x10000] =	vst.msk vm7, v11;
	s11 =	spop (v2sf)  }
0xeb: {  	s18 =	sadd.s32 $0x8070, s26;
	(v2sf) =	vpush v6, $0xF;
	[tilespmem:s0+$0x13880] =	vst.msk vm7, v5;
	s0 =	sadd.s32 s11, s0;
	v5, _, _ =	vpop (xrf0)  }
0xec: {  	v6 =	vor.u32 s18, v2;
	s19 =	spop (v2sf);
	[tilespmem:s0+$0x10000] =	vst.msk vm1, v13;
	(v2sf) =	vpush v5, $0xF  }
0xed: {  	s20 =	sadd.s32 $0x8080, s26;
	[tilespmem:s0+$0x13880] =	vst.msk vm1, v6;
	s0 =	sadd.s32 s19, s0  }
0xee: {  	v5 =	vor.u32 s20, v2;
	s28 =	spop (v2sf);
	[tilespmem:s0+$0x10000] =	vst.msk vm2, v14  }
0xef: {  	s29 =	sadd.s32 $0x8090, s26;
	[tilespmem:s0+$0x13880] =	vst.msk vm2, v5;
	s0 =	sadd.s32 s28, s0  }
0xf0: {  	v5 =	vor.u32 s29, v2;
	[tilespmem:s0+$0x10000] =	vst.msk vm3, v15;
	s30 =	spop (v2sf)  }
0xf1: {  	s31 =	sadd.s32 $0x80A0, s26;
	[tilespmem:s0+$0x13880] =	vst.msk vm3, v5;
	s0 =	sadd.s32 s30, s0  }
0xf2: {  	v5 =	vor.u32 s31, v2;
	s4 =	spop (v2sf);
	[tilespmem:s0+$0x10000] =	vst.msk vm4, v16  }
0xf3: {  	s5 =	sadd.s32 $0x80B0, s26;
	[tilespmem:s0+$0x13880] =	vst.msk vm4, v5;
	s0 =	sadd.s32 s4, s0  }
0xf4: {  	v5 =	vor.u32 s5, v2;
	s6 =	spop (v2sf);
	[tilespmem:s0+$0x10000] =	vst.msk vm5, v17  }
0xf5: {  	s11 =	sadd.s32 $0x80C0, s26;
	[tilespmem:s0+$0x13880] =	vst.msk vm5, v5;
	s0 =	sadd.s32 s6, s0  }
0xf6: {  	v5 =	vor.u32 s11, v2;
	[tilespmem:s0+$0x10000] =	vst.msk vm6, v18;
	s18 =	spop (v2sf)  }
0xf7: {  	s19 =	sadd.s32 $0x80D0, s26;
	[tilespmem:s0+$0x13880] =	vst.msk vm6, v5;
	s0 =	sadd.s32 s18, s0  }
0xf8: {  	v5 =	vor.u32 s19, v2;
	s20 =	spop (v2sf);
	[tilespmem:s0+$0x10000] =	vst.msk vm10, v20  }
0xf9: {  	s28 =	sadd.s32 $0x80E0, s26;
	[tilespmem:s0+$0x13880] =	vst.msk vm10, v5;
	s0 =	sadd.s32 s20, s0  }
0xfa: {  	v5 =	vor.u32 s28, v2;
	s29 =	spop (v2sf);
	[tilespmem:s0+$0x10000] =	vst.msk vm12, v21  }
0xfb: {  	s30 =	sadd.s32 $0x80F0, s26;
	[tilespmem:s0+$0x13880] =	vst.msk vm12, v5;
	s0 =	sadd.s32 s29, s0;
	s31 =	spop (v2sf)  }
0xfc: {  	s26 =	simm.s32 $0x100;
	v5 =	vor.u32 s30, v2;
	[tilespmem:s0+$0x10000] =	vst.msk vm0, v4;
	s20 =	sadd.s32 s31, s0  }
.LBB2_11:
0xfd: {  	p0 =	sne.s32 s26, $0x700  }
0xfe: {  	[tilespmem:s0+$0x13880] =	vst.msk vm0, v5;
	s25 =	sadd.s32 $0x800, s25;
	s0 =	smov.u32 s26;
	s26 =	sadd.s32 $0x100, s26  }
0xff: {  	v18 =	vld [tilespmem:s25+$0xFFFFFC00];
	_ =	sdelay $0x1  }
0x100: {  	v19 =	vld [tilespmem:s25+$0xFFFFFC10];
	_ =	sdelay $0x1  }
0x101: {  	v17 =	vld [tilespmem:s25+$0xFFFFFC20]  }
0x102: {  	vm0 =	vgt.f32 v18, $5.000000000e-01  }
0x103: {  	v4 =	vsel vm0, $0x1, v0;
	v16 =	vld [tilespmem:s25+$0xFFFFFC30]  }
0x104: {  	vm13 =	vgt.f32 v19, $5.000000000e-01;
	(xrf0) =	vadd.scan.msk.s32 $0xffff, v4  }
0x105: {  	v4 =	vsel vm13, $0x1, v0;
	v15 =	vld [tilespmem:s25+$0xFFFFFC40]  }
0x106: {  	vm11 =	vgt.f32 v17, $5.000000000e-01;
	(xrf0) =	vadd.scan.msk.s32 $0xffff, v4  }
0x107: {  	v4 =	vsel vm11, $0x1, v0;
	v13 =	vld [tilespmem:s25+$0xFFFFFC50]  }
0x108: {  	vm9 =	vgt.f32 v16, $5.000000000e-01;
	(xrf0) =	vadd.scan.msk.s32 $0xffff, v4  }
0x109: {  	v4 =	vsel vm9, $0x1, v0;
	v10 =	vld [tilespmem:s25+$0xFFFFFC60]  }
0x10a: {  	vm8 =	vgt.f32 v15, $5.000000000e-01;
	v6, _, _ =	vpop (xrf0);
	(xrf0) =	vadd.scan.msk.s32 $0xffff, v4  }
0x10b: {  	v4 =	vsel vm8, $0x1, v0;
	v5 =	vld [tilespmem:s25+$0xFFFFFC70];
	(v2sf) =	vpush v6, $0xF  }
0x10c: {  	vm6 =	vgt.f32 v13, $5.000000000e-01;
	v7, _, _ =	vpop (xrf0);
	(xrf0) =	vadd.scan.msk.s32 $0xffff, v4  }
0x10d: {  	v4 =	vsel vm6, $0x1, v0;
	v6 =	vld [tilespmem:s25+$0x0];
	(v2sf) =	vpush v7, $0xF  }
0x10e: {  	vm4 =	vgt.f32 v10, $5.000000000e-01;
	v8, _, _ =	vpop (xrf0);
	(xrf0) =	vadd.scan.msk.s32 $0xffff, v4  }
0x10f: {  	v4 =	vsel vm4, $0x1, v0;
	v7 =	vld [tilespmem:s25+$0x10];
	(v2sf) =	vpush v8, $0xF  }
0x110: {  	vm1 =	vgt.f32 v5, $5.000000000e-01;
	v9, _, _ =	vpop (xrf0);
	(xrf0) =	vadd.scan.msk.s32 $0xffff, v4  }
0x111: {  	v4 =	vsel vm1, $0x1, v0;
	v8 =	vld [tilespmem:s25+$0x20];
	(v2sf) =	vpush v9, $0xF  }
0x112: {  	vm2 =	vgt.f32 v6, $5.000000000e-01;
	v11, _, _ =	vpop (xrf0);
	(xrf0) =	vadd.scan.msk.s32 $0xffff, v4  }
0x113: {  	v4 =	vsel vm2, $0x1, v0;
	v9 =	vld [tilespmem:s25+$0x30];
	(v2sf) =	vpush v11, $0xF  }
0x114: {  	vm3 =	vgt.f32 v7, $5.000000000e-01;
	v12, _, _ =	vpop (xrf0);
	(xrf0) =	vadd.scan.msk.s32 $0xffff, v4  }
0x115: {  	v4 =	vsel vm3, $0x1, v0;
	v11 =	vld [tilespmem:s25+$0x40];
	(v2sf) =	vpush v12, $0xF  }
0x116: {  	vm5 =	vgt.f32 v8, $5.000000000e-01;
	v14, _, _ =	vpop (xrf0);
	(xrf0) =	vadd.scan.msk.s32 $0xffff, v4  }
0x117: {  	v20 =	vsel vm5, $0x1, v0;
	v12 =	vld [tilespmem:s25+$0x50];
	(v2sf) =	vpush v14, $0xF  }
0x118: {  	s11 =	sadd.s32 s0, s23;
	vm7 =	vgt.f32 v9, $5.000000000e-01;
	v4 =	vld [tilespmem:s25+$0x70];
	v21, _, _ =	vpop (xrf0);
	(xrf0) =	vadd.scan.msk.s32 $0xffff, v20  }
0x119: {  	s0 =	sadd.s32 $0x8000, s11;
	s1 =	sadd.s32 $0x8010, s11;
	s3 =	sadd.s32 $0x8020, s11;
	v20 =	vsel vm7, $0x1, v0;
	v14 =	vld [tilespmem:s25+$0x60];
	(v2sf) =	vpush v21, $0xF  }
0x11a: {  	s18 =	sadd.s32 $0x8080, s11;
	s31 =	sadd.s32 $0x8090, s11;
	v21 =	vor.u32 s0, v2;
	vm10 =	vgt.f32 v11, $5.000000000e-01;
	[tilespmem:s20+$0x10000] =	vst.msk vm0, v18;
	s0 =	spop (v2sf);
	v18, _, _ =	vpop (xrf0);
	(xrf0) =	vadd.scan.msk.s32 $0xffff, v20  }
0x11b: {  	v20 =	vsel vm10, $0x1, v0;
	[tilespmem:s20+$0x13880] =	vst.msk vm0, v21;
	s4 =	sadd.s32 s20, s0;
	s0 =	sadd.s32 $0x80A0, s11;
	s20 =	sadd.s32 $0x80B0, s11;
	(v2sf) =	vpush v18, $0xF  }
0x11c: {  	s5 =	sadd.s32 $0x8060, s11;
	s28 =	sadd.s32 $0x80C0, s11;
	v18 =	vor.u32 s1, v2;
	vm12 =	vgt.f32 v12, $5.000000000e-01;
	[tilespmem:s4+$0x10000] =	vst.msk vm13, v19;
	s1 =	spop (v2sf);
	v19, _, _ =	vpop (xrf0);
	(xrf0) =	vadd.scan.msk.s32 $0xffff, v20  }
0x11d: {  	s29 =	sadd.s32 $0x80D0, s11;
	v20 =	vsel vm12, $0x1, v0;
	vm0 =	vgt.f32 v4, $5.000000000e-01;
	[tilespmem:s4+$0x13880] =	vst.msk vm13, v18;
	s1 =	sadd.s32 s1, s4;
	s4 =	sadd.s32 $0x8040, s11;
	(v2sf) =	vpush v19, $0xF  }
0x11e: {  	s30 =	sadd.s32 $0x80E0, s11;
	v18 =	vor.u32 s3, v2;
	s3 =	sadd.s32 $0x8050, s11;
	vm13 =	vgt.f32 v14, $5.000000000e-01;
	[tilespmem:s1+$0x10000] =	vst.msk vm11, v17;
	s6 =	spop (v2sf);
	v17, _, _ =	vpop (xrf0);
	(xrf0) =	vadd.scan.msk.s32 $0xffff, v20  }
0x11f: {  	s19 =	sadd.s32 $0x8030, s11;
	v20 =	vsel vm0, $0x1, v0;
	v19 =	vsel vm13, $0x1, v0;
	[tilespmem:s1+$0x13880] =	vst.msk vm11, v18;
	s6 =	sadd.s32 s6, s1;
	s1 =	sadd.s32 $0x80F0, s11;
	(v2sf) =	vpush v17, $0xF  }
0x120: {  	v17 =	vor.u32 s19, v2;
	[tilespmem:s6+$0x10000] =	vst.msk vm9, v16;
	s19 =	spop (v2sf);
	v16, _, _ =	vpop (xrf0);
	(xrf0) =	vadd.scan.msk.s32 $0xffff, v19  }
0x121: {  	[tilespmem:s6+$0x13880] =	vst.msk vm9, v17;
	s6 =	sadd.s32 s19, s6;
	(v2sf) =	vpush v16, $0xF;
	(xrf0) =	vadd.scan.msk.s32 $0xffff, v20  }
0x122: {  	v16 =	vor.u32 s4, v2;
	[tilespmem:s6+$0x10000] =	vst.msk vm8, v15;
	s4 =	spop (v2sf);
	v15, _, _ =	vpop (xrf0)  }
0x123: {  	[tilespmem:s6+$0x13880] =	vst.msk vm8, v16;
	s4 =	sadd.s32 s4, s6;
	(v2sf) =	vpush v15, $0xF  }
0x124: {  	v15 =	vor.u32 s3, v2;
	[tilespmem:s4+$0x10000] =	vst.msk vm6, v13;
	s3 =	spop (v2sf);
	v13, _, _ =	vpop (xrf0)  }
0x125: {  	[tilespmem:s4+$0x13880] =	vst.msk vm6, v15;
	s3 =	sadd.s32 s3, s4;
	(v2sf) =	vpush v13, $0xF  }
0x126: {  	v13 =	vor.u32 s5, v2;
	[tilespmem:s3+$0x10000] =	vst.msk vm4, v10;
	s4 =	spop (v2sf);
	v10, _, _ =	vpop (xrf0)  }
0x127: {  	[tilespmem:s3+$0x13880] =	vst.msk vm4, v13;
	s3 =	sadd.s32 s4, s3;
	s4 =	sadd.s32 $0x8070, s11;
	(v2sf) =	vpush v10, $0xF;
	v10, _, _ =	vpop (xrf0)  }
0x128: {  	v13 =	vor.u32 s4, v2;
	[tilespmem:s3+$0x10000] =	vst.msk vm1, v5;
	s4 =	spop (v2sf);
	(v2sf) =	vpush v10, $0xF  }
0x129: {  	[tilespmem:s3+$0x13880] =	vst.msk vm1, v13;
	s3 =	sadd.s32 s4, s3  }
0x12a: {  	v5 =	vor.u32 s18, v2;
	[tilespmem:s3+$0x10000] =	vst.msk vm2, v6;
	s4 =	spop (v2sf)  }
0x12b: {  	[tilespmem:s3+$0x13880] =	vst.msk vm2, v5;
	s3 =	sadd.s32 s4, s3  }
0x12c: {  	v5 =	vor.u32 s31, v2;
	[tilespmem:s3+$0x10000] =	vst.msk vm3, v7;
	s4 =	spop (v2sf)  }
0x12d: {  	[tilespmem:s3+$0x13880] =	vst.msk vm3, v5;
	s3 =	sadd.s32 s4, s3  }
0x12e: {  	v5 =	vor.u32 s0, v2;
	[tilespmem:s3+$0x10000] =	vst.msk vm5, v8;
	s0 =	spop (v2sf)  }
0x12f: {  	[tilespmem:s3+$0x13880] =	vst.msk vm5, v5;
	s0 =	sadd.s32 s0, s3  }
0x130: {  	v5 =	vor.u32 s20, v2;
	[tilespmem:s0+$0x10000] =	vst.msk vm7, v9;
	s3 =	spop (v2sf)  }
0x131: {  	[tilespmem:s0+$0x13880] =	vst.msk vm7, v5;
	s0 =	sadd.s32 s3, s0  }
0x132: {  	v5 =	vor.u32 s28, v2;
	[tilespmem:s0+$0x10000] =	vst.msk vm10, v11;
	s3 =	spop (v2sf)  }
0x133: {  	[tilespmem:s0+$0x13880] =	vst.msk vm10, v5;
	s0 =	sadd.s32 s3, s0  }
.Ltmp6:
0x134: {  	v5 =	vor.u32 s29, v2;
	[tilespmem:s0+$0x10000] =	vst.msk vm12, v12;
	s3 =	spop (v2sf);
	(pc) =	sbr.rel @p0 .LBB2_11-.Ltmp6, $4  }
0x135: {  	[tilespmem:s0+$0x13880] =	vst.msk vm12, v5;
	s0 =	sadd.s32 s3, s0  }
0x136: {  	v5 =	vor.u32 s30, v2;
	[tilespmem:s0+$0x10000] =	vst.msk vm13, v14;
	s3 =	spop (v2sf)  }
0x137: {  	[tilespmem:s0+$0x13880] =	vst.msk vm13, v5;
	s0 =	sadd.s32 s3, s0;
	s3 =	spop (v2sf)  }
0x138: {  	v5 =	vor.u32 s1, v2;
	[tilespmem:s0+$0x10000] =	vst.msk vm0, v4;
	s20 =	sadd.s32 s3, s0  }
0x139: {  	p0 =	slt.s32 s20, $0x3000;
	s24 =	sadd.s32 $0x1, s24  }
0x13a: {  	s20 =	simm.s32 @!p0 $0x3000;
	p0 =	sne.s32 s24, $0x10  }
.Ltmp7:
0x13b: {  	_ = 	snop;
	(pc) =	sbr.rel @p0 .LBB2_10-.Ltmp7, $2  }
0x13c: {  	_ =	sdelay $0x2  }
0x13d: {  	[tilespmem:s0+$0x13880] =	vst.msk vm0, v5;
	s23 =	sadd.s32 $0x800, s23;
	s22 =	sadd.s32 $0x800, s22;
	s21 =	sadd.s32 $0x1, s21  }
0x13e: {  	_ =	swait.ge [sflag:s12], $0x8000  }
0x13f: {  	s21 =	simm.s32 $0x0;
	s22 =	simm.s32 $0x0;
	[sflag:s12] =	ssyncset.done $0x0  }
0x140: {  	s23 =	smov.u32 s10;
	s24 =	simm.s32 $0x0;
	[sflag:s12] =	ssyncadd.s32 $0xFFFF8000  }
.LBB2_14:
0x141: {  	s0 =	sshll.u32 s22, $0x2;
	s1 =	sand.u32 $0x7, s21  }
0x142: {  	s0 =	sand.u32 $0xFFFF0000, s0;
	s1 =	sshll.u32 s1, $0x9  }
0x143: {  	s0 =	sor.u32 s1, s0  }
0x144: {  	s0 =	sshrl.u32 s0, $0x2  }
0x145: {  	s25 =	sor.u32 $0x400, s0  }
0x146: {  	v5 =	vld [tilespmem:s25+$0xFFFFFC00];
	_ =	sdelay $0x1  }
0x147: {  	v6 =	vld [tilespmem:s25+$0xFFFFFC10];
	_ =	sdelay $0x1  }
0x148: {  	v7 =	vld [tilespmem:s25+$0xFFFFFC20]  }
0x149: {  	vm10 =	vgt.f32 v5, $5.000000000e-01  }
0x14a: {  	v8 =	vld [tilespmem:s25+$0xFFFFFC30];
	v4 =	vsel vm10, $0x1, v0  }
0x14b: {  	vm0 =	vgt.f32 v6, $5.000000000e-01;
	(xrf0) =	vadd.scan.msk.s32 $0xffff, v4  }
0x14c: {  	v9 =	vld [tilespmem:s25+$0xFFFFFC40];
	v4 =	vsel vm0, $0x1, v0  }
0x14d: {  	vm13 =	vgt.f32 v7, $5.000000000e-01;
	(xrf0) =	vadd.scan.msk.s32 $0xffff, v4  }
0x14e: {  	v4 =	vsel vm13, $0x1, v0  }
0x14f: {  	v10 =	vld [tilespmem:s25+$0xFFFFFC50];
	vm11 =	vgt.f32 v8, $5.000000000e-01;
	(xrf0) =	vadd.scan.msk.s32 $0xffff, v4  }
0x150: {  	v4 =	vsel vm11, $0x1, v0  }
0x151: {  	v11 =	vld [tilespmem:s25+$0xFFFFFC60];
	vm9 =	vgt.f32 v9, $5.000000000e-01;
	v12, _, _ =	vpop (xrf0);
	(xrf0) =	vadd.scan.msk.s32 $0xffff, v4  }
0x152: {  	v4 =	vsel vm9, $0x1, v0;
	(v2sf) =	vpush v12, $0xF  }
0x153: {  	v13 =	vld [tilespmem:s25+$0xFFFFFC70];
	v52, _, _ =	vpop (xrf0);
	(xrf0) =	vadd.scan.msk.s32 $0xffff, v4  }
0x154: {  	vm8 =	vgt.f32 v10, $5.000000000e-01;
	(v2sf) =	vpush v52, $0xF  }
0x155: {  	v14 =	vld [tilespmem:s25+$0x0];
	v4 =	vsel vm8, $0x1, v0;
	v53, _, _ =	vpop (xrf0)  }
0x156: {  	vm7 =	vgt.f32 v11, $5.000000000e-01;
	(xrf0) =	vadd.scan.msk.s32 $0xffff, v4;
	(v2sf) =	vpush v53, $0xF  }
0x157: {  	v15 =	vld [tilespmem:s25+$0x10];
	v4 =	vsel vm7, $0x1, v0;
	v54, _, _ =	vpop (xrf0)  }
0x158: {  	vm1 =	vgt.f32 v13, $5.000000000e-01;
	(xrf0) =	vadd.scan.msk.s32 $0xffff, v4;
	(v2sf) =	vpush v54, $0xF  }
0x159: {  	v16 =	vld [tilespmem:s25+$0x20];
	v4 =	vsel vm1, $0x1, v0;
	v55, _, _ =	vpop (xrf0)  }
0x15a: {  	vm2 =	vgt.f32 v14, $5.000000000e-01;
	(xrf0) =	vadd.scan.msk.s32 $0xffff, v4;
	(v2sf) =	vpush v55, $0xF  }
0x15b: {  	v17 =	vld [tilespmem:s25+$0x30];
	v4 =	vsel vm2, $0x1, v0  }
0x15c: {  	vm3 =	vgt.f32 v15, $5.000000000e-01;
	v56, _, _ =	vpop (xrf0);
	(xrf0) =	vadd.scan.msk.s32 $0xffff, v4  }
0x15d: {  	v18 =	vld [tilespmem:s25+$0x40];
	v4 =	vsel vm3, $0x1, v0;
	(v2sf) =	vpush v56, $0xF  }
0x15e: {  	vm4 =	vgt.f32 v16, $5.000000000e-01;
	v57, _, _ =	vpop (xrf0);
	(xrf0) =	vadd.scan.msk.s32 $0xffff, v4  }
0x15f: {  	s26 =	sadd.s32 $0x0, s23;
	v20 =	vld [tilespmem:s25+$0x50];
	v19 =	vsel vm4, $0x1, v0;
	(v2sf) =	vpush v57, $0xF  }
0x160: {  	s11 =	sadd.s32 $0x10000, s26;
	v21 =	vld [tilespmem:s25+$0x60];
	vm5 =	vgt.f32 v17, $5.000000000e-01;
	v58, _, _ =	vpop (xrf0);
	(xrf0) =	vadd.scan.msk.s32 $0xffff, v19  }
0x161: {  	v60 =	vor.u32 s11, v2;
	v59 =	vsel vm5, $0x1, v0;
	v4 =	vld [tilespmem:s25+$0x70];
	[tilespmem:s20+$0x10000] =	vst.msk vm10, v5;
	(v2sf) =	vpush v58, $0xF;
	s18 =	spop (v2sf)  }
0x162: {  	s19 =	sadd.s32 $0x10010, s26;
	vm6 =	vgt.f32 v18, $5.000000000e-01;
	[tilespmem:s20+$0x13880] =	vst.msk vm10, v60;
	v5, _, _ =	vpop (xrf0);
	(xrf0) =	vadd.scan.msk.s32 $0xffff, v59;
	s0 =	sadd.s32 s20, s18  }
0x163: {  	v61 =	vsel vm6, $0x1, v0;
	(v2sf) =	vpush v5, $0xF;
	v5 =	vor.u32 s19, v2;
	s20 =	spop (v2sf);
	[tilespmem:s0+$0x10000] =	vst.msk vm0, v6  }
0x164: {  	s3 =	sadd.s32 $0x10020, s26;
	vm10 =	vgt.f32 v20, $5.000000000e-01;
	v6, _, _ =	vpop (xrf0);
	(xrf0) =	vadd.scan.msk.s32 $0xffff, v61;
	[tilespmem:s0+$0x13880] =	vst.msk vm0, v5;
	s0 =	sadd.s32 s20, s0  }
0x165: {  	v62 =	vsel vm10, $0x1, v0;
	s28 =	spop (v2sf);
	(v2sf) =	vpush v6, $0xF;
	v5 =	vor.u32 s3, v2;
	[tilespmem:s0+$0x10000] =	vst.msk vm13, v7  }
0x166: {  	s29 =	sadd.s32 $0x10030, s26;
	vm12 =	vgt.f32 v21, $5.000000000e-01;
	v6, _, _ =	vpop (xrf0);
	(xrf0) =	vadd.scan.msk.s32 $0xffff, v62;
	vm0 =	vgt.f32 v4, $5.000000000e-01;
	[tilespmem:s0+$0x13880] =	vst.msk vm13, v5;
	s0 =	sadd.s32 s28, s0  }
0x167: {  	v7 =	vsel vm12, $0x1, v0;
	(v2sf) =	vpush v6, $0xF;
	v6 =	vor.u32 s29, v2;
	[tilespmem:s0+$0x10000] =	vst.msk vm11, v8;
	s30 =	spop (v2sf)  }
0x168: {  	s31 =	sadd.s32 $0x10040, s26;
	v63, _, _ =	vpop (xrf0);
	v5 =	vsel vm0, $0x1, v0;
	(xrf0) =	vadd.scan.msk.s32 $0xffff, v7;
	[tilespmem:s0+$0x13880] =	vst.msk vm11, v6;
	s0 =	sadd.s32 s30, s0  }
0x169: {  	(v2sf) =	vpush v63, $0xF;
	(xrf0) =	vadd.scan.msk.s32 $0xffff, v5;
	v5 =	vor.u32 s31, v2;
	s3 =	spop (v2sf);
	[tilespmem:s0+$0x10000] =	vst.msk vm9, v9  }
0x16a: {  	s4 =	sadd.s32 $0x10050, s26;
	v6, _, _ =	vpop (xrf0);
	[tilespmem:s0+$0x13880] =	vst.msk vm9, v5;
	s0 =	sadd.s32 s3, s0  }
0x16b: {  	s6 =	sadd.s32 $0x10060, s26;
	(v2sf) =	vpush v6, $0xF;
	v5 =	vor.u32 s4, v2;
	[tilespmem:s0+$0x10000] =	vst.msk vm8, v10  }
0x16c: {  	s5 =	spop (v2sf);
	v6, _, _ =	vpop (xrf0);
	[tilespmem:s0+$0x13880] =	vst.msk vm8, v5;
	v5 =	vor.u32 s6, v2  }
0x16d: {  	(v2sf) =	vpush v6, $0xF;
	s0 =	sadd.s32 s5, s0  }
0x16e: {  	v6, _, _ =	vpop (xrf0);
	[tilespmem:s0+$0x10000] =	vst.msk vm7, v11;
	s11 =	spop (v2sf)  }
0x16f: {  	s18 =	sadd.s32 $0x10070, s26;
	(v2sf) =	vpush v6, $0xF;
	[tilespmem:s0+$0x13880] =	vst.msk vm7, v5;
	s0 =	sadd.s32 s11, s0;
	v5, _, _ =	vpop (xrf0)  }
0x170: {  	v6 =	vor.u32 s18, v2;
	s19 =	spop (v2sf);
	[tilespmem:s0+$0x10000] =	vst.msk vm1, v13;
	(v2sf) =	vpush v5, $0xF  }
0x171: {  	s20 =	sadd.s32 $0x10080, s26;
	[tilespmem:s0+$0x13880] =	vst.msk vm1, v6;
	s0 =	sadd.s32 s19, s0  }
0x172: {  	v5 =	vor.u32 s20, v2;
	s28 =	spop (v2sf);
	[tilespmem:s0+$0x10000] =	vst.msk vm2, v14  }
0x173: {  	s29 =	sadd.s32 $0x10090, s26;
	[tilespmem:s0+$0x13880] =	vst.msk vm2, v5;
	s0 =	sadd.s32 s28, s0  }
0x174: {  	v5 =	vor.u32 s29, v2;
	[tilespmem:s0+$0x10000] =	vst.msk vm3, v15;
	s30 =	spop (v2sf)  }
0x175: {  	s31 =	sadd.s32 $0x100A0, s26;
	[tilespmem:s0+$0x13880] =	vst.msk vm3, v5;
	s0 =	sadd.s32 s30, s0  }
0x176: {  	v5 =	vor.u32 s31, v2;
	s4 =	spop (v2sf);
	[tilespmem:s0+$0x10000] =	vst.msk vm4, v16  }
0x177: {  	s5 =	sadd.s32 $0x100B0, s26;
	[tilespmem:s0+$0x13880] =	vst.msk vm4, v5;
	s0 =	sadd.s32 s4, s0  }
0x178: {  	v5 =	vor.u32 s5, v2;
	s6 =	spop (v2sf);
	[tilespmem:s0+$0x10000] =	vst.msk vm5, v17  }
0x179: {  	s11 =	sadd.s32 $0x100C0, s26;
	[tilespmem:s0+$0x13880] =	vst.msk vm5, v5;
	s0 =	sadd.s32 s6, s0  }
0x17a: {  	v5 =	vor.u32 s11, v2;
	[tilespmem:s0+$0x10000] =	vst.msk vm6, v18;
	s18 =	spop (v2sf)  }
0x17b: {  	s19 =	sadd.s32 $0x100D0, s26;
	[tilespmem:s0+$0x13880] =	vst.msk vm6, v5;
	s0 =	sadd.s32 s18, s0  }
0x17c: {  	v5 =	vor.u32 s19, v2;
	s20 =	spop (v2sf);
	[tilespmem:s0+$0x10000] =	vst.msk vm10, v20  }
0x17d: {  	s28 =	sadd.s32 $0x100E0, s26;
	[tilespmem:s0+$0x13880] =	vst.msk vm10, v5;
	s0 =	sadd.s32 s20, s0  }
0x17e: {  	v5 =	vor.u32 s28, v2;
	s29 =	spop (v2sf);
	[tilespmem:s0+$0x10000] =	vst.msk vm12, v21  }
0x17f: {  	s30 =	sadd.s32 $0x100F0, s26;
	[tilespmem:s0+$0x13880] =	vst.msk vm12, v5;
	s0 =	sadd.s32 s29, s0;
	s31 =	spop (v2sf)  }
0x180: {  	s20 =	simm.s32 $0x100;
	v5 =	vor.u32 s30, v2;
	[tilespmem:s0+$0x10000] =	vst.msk vm0, v4;
	s26 =	sadd.s32 s31, s0  }
.LBB2_15:
0x181: {  	p0 =	sne.s32 s20, $0x700  }
0x182: {  	[tilespmem:s0+$0x13880] =	vst.msk vm0, v5;
	s25 =	sadd.s32 $0x800, s25;
	s0 =	smov.u32 s20;
	s20 =	sadd.s32 $0x100, s20  }
0x183: {  	v18 =	vld [tilespmem:s25+$0xFFFFFC00];
	_ =	sdelay $0x1  }
0x184: {  	v19 =	vld [tilespmem:s25+$0xFFFFFC10];
	_ =	sdelay $0x1  }
0x185: {  	v17 =	vld [tilespmem:s25+$0xFFFFFC20]  }
0x186: {  	vm0 =	vgt.f32 v18, $5.000000000e-01  }
0x187: {  	v4 =	vsel vm0, $0x1, v0;
	v16 =	vld [tilespmem:s25+$0xFFFFFC30]  }
0x188: {  	vm13 =	vgt.f32 v19, $5.000000000e-01;
	(xrf0) =	vadd.scan.msk.s32 $0xffff, v4  }
0x189: {  	v4 =	vsel vm13, $0x1, v0;
	v15 =	vld [tilespmem:s25+$0xFFFFFC40]  }
0x18a: {  	vm11 =	vgt.f32 v17, $5.000000000e-01;
	(xrf0) =	vadd.scan.msk.s32 $0xffff, v4  }
0x18b: {  	v4 =	vsel vm11, $0x1, v0;
	v13 =	vld [tilespmem:s25+$0xFFFFFC50]  }
0x18c: {  	vm9 =	vgt.f32 v16, $5.000000000e-01;
	(xrf0) =	vadd.scan.msk.s32 $0xffff, v4  }
0x18d: {  	v4 =	vsel vm9, $0x1, v0;
	v10 =	vld [tilespmem:s25+$0xFFFFFC60]  }
0x18e: {  	vm8 =	vgt.f32 v15, $5.000000000e-01;
	v6, _, _ =	vpop (xrf0);
	(xrf0) =	vadd.scan.msk.s32 $0xffff, v4  }
0x18f: {  	v4 =	vsel vm8, $0x1, v0;
	v5 =	vld [tilespmem:s25+$0xFFFFFC70];
	(v2sf) =	vpush v6, $0xF  }
0x190: {  	vm6 =	vgt.f32 v13, $5.000000000e-01;
	v7, _, _ =	vpop (xrf0);
	(xrf0) =	vadd.scan.msk.s32 $0xffff, v4  }
0x191: {  	v4 =	vsel vm6, $0x1, v0;
	v6 =	vld [tilespmem:s25+$0x0];
	(v2sf) =	vpush v7, $0xF  }
0x192: {  	vm4 =	vgt.f32 v10, $5.000000000e-01;
	v8, _, _ =	vpop (xrf0);
	(xrf0) =	vadd.scan.msk.s32 $0xffff, v4  }
0x193: {  	v4 =	vsel vm4, $0x1, v0;
	v7 =	vld [tilespmem:s25+$0x10];
	(v2sf) =	vpush v8, $0xF  }
0x194: {  	vm1 =	vgt.f32 v5, $5.000000000e-01;
	v9, _, _ =	vpop (xrf0);
	(xrf0) =	vadd.scan.msk.s32 $0xffff, v4  }
0x195: {  	v4 =	vsel vm1, $0x1, v0;
	v8 =	vld [tilespmem:s25+$0x20];
	(v2sf) =	vpush v9, $0xF  }
0x196: {  	vm2 =	vgt.f32 v6, $5.000000000e-01;
	v11, _, _ =	vpop (xrf0);
	(xrf0) =	vadd.scan.msk.s32 $0xffff, v4  }
0x197: {  	v4 =	vsel vm2, $0x1, v0;
	v9 =	vld [tilespmem:s25+$0x30];
	(v2sf) =	vpush v11, $0xF  }
0x198: {  	vm3 =	vgt.f32 v7, $5.000000000e-01;
	v12, _, _ =	vpop (xrf0);
	(xrf0) =	vadd.scan.msk.s32 $0xffff, v4  }
0x199: {  	v4 =	vsel vm3, $0x1, v0;
	v11 =	vld [tilespmem:s25+$0x40];
	(v2sf) =	vpush v12, $0xF  }
0x19a: {  	vm5 =	vgt.f32 v8, $5.000000000e-01;
	v14, _, _ =	vpop (xrf0);
	(xrf0) =	vadd.scan.msk.s32 $0xffff, v4  }
0x19b: {  	v20 =	vsel vm5, $0x1, v0;
	v12 =	vld [tilespmem:s25+$0x50];
	(v2sf) =	vpush v14, $0xF  }
0x19c: {  	s11 =	sadd.s32 s0, s23;
	vm7 =	vgt.f32 v9, $5.000000000e-01;
	v4 =	vld [tilespmem:s25+$0x70];
	v21, _, _ =	vpop (xrf0);
	(xrf0) =	vadd.scan.msk.s32 $0xffff, v20  }
0x19d: {  	s0 =	sadd.s32 $0x10000, s11;
	s3 =	sadd.s32 $0x10010, s11;
	s4 =	sadd.s32 $0x10020, s11;
	v20 =	vsel vm7, $0x1, v0;
	v14 =	vld [tilespmem:s25+$0x60];
	(v2sf) =	vpush v21, $0xF  }
0x19e: {  	s18 =	sadd.s32 $0x10080, s11;
	s1 =	sadd.s32 $0x10090, s11;
	v21 =	vor.u32 s0, v2;
	vm10 =	vgt.f32 v11, $5.000000000e-01;
	[tilespmem:s26+$0x10000] =	vst.msk vm0, v18;
	s0 =	spop (v2sf);
	v18, _, _ =	vpop (xrf0);
	(xrf0) =	vadd.scan.msk.s32 $0xffff, v20  }
0x19f: {  	v20 =	vsel vm10, $0x1, v0;
	[tilespmem:s26+$0x13880] =	vst.msk vm0, v21;
	s5 =	sadd.s32 s26, s0;
	s0 =	sadd.s32 $0x100A0, s11;
	s26 =	sadd.s32 $0x100B0, s11;
	(v2sf) =	vpush v18, $0xF  }
0x1a0: {  	s28 =	sadd.s32 $0x100C0, s11;
	v18 =	vor.u32 s3, v2;
	s3 =	sadd.s32 $0x10060, s11;
	vm12 =	vgt.f32 v12, $5.000000000e-01;
	[tilespmem:s5+$0x10000] =	vst.msk vm13, v19;
	s6 =	spop (v2sf);
	v19, _, _ =	vpop (xrf0);
	(xrf0) =	vadd.scan.msk.s32 $0xffff, v20  }
0x1a1: {  	s29 =	sadd.s32 $0x100D0, s11;
	v20 =	vsel vm12, $0x1, v0;
	vm0 =	vgt.f32 v4, $5.000000000e-01;
	[tilespmem:s5+$0x13880] =	vst.msk vm13, v18;
	s5 =	sadd.s32 s6, s5;
	s6 =	sadd.s32 $0x10040, s11;
	(v2sf) =	vpush v19, $0xF  }
0x1a2: {  	s30 =	sadd.s32 $0x100E0, s11;
	v18 =	vor.u32 s4, v2;
	s4 =	sadd.s32 $0x10050, s11;
	vm13 =	vgt.f32 v14, $5.000000000e-01;
	[tilespmem:s5+$0x10000] =	vst.msk vm11, v17;
	s19 =	spop (v2sf);
	v17, _, _ =	vpop (xrf0);
	(xrf0) =	vadd.scan.msk.s32 $0xffff, v20  }
0x1a3: {  	s31 =	sadd.s32 $0x100F0, s11;
	v20 =	vsel vm0, $0x1, v0;
	v19 =	vsel vm13, $0x1, v0;
	[tilespmem:s5+$0x13880] =	vst.msk vm11, v18;
	s5 =	sadd.s32 s19, s5;
	s19 =	sadd.s32 $0x10030, s11;
	(v2sf) =	vpush v17, $0xF  }
0x1a4: {  	v17 =	vor.u32 s19, v2;
	[tilespmem:s5+$0x10000] =	vst.msk vm9, v16;
	s19 =	spop (v2sf);
	v16, _, _ =	vpop (xrf0);
	(xrf0) =	vadd.scan.msk.s32 $0xffff, v19  }
0x1a5: {  	[tilespmem:s5+$0x13880] =	vst.msk vm9, v17;
	s5 =	sadd.s32 s19, s5;
	(v2sf) =	vpush v16, $0xF;
	(xrf0) =	vadd.scan.msk.s32 $0xffff, v20  }
0x1a6: {  	v16 =	vor.u32 s6, v2;
	[tilespmem:s5+$0x10000] =	vst.msk vm8, v15;
	s6 =	spop (v2sf);
	v15, _, _ =	vpop (xrf0)  }
0x1a7: {  	[tilespmem:s5+$0x13880] =	vst.msk vm8, v16;
	s5 =	sadd.s32 s6, s5;
	(v2sf) =	vpush v15, $0xF  }
0x1a8: {  	v15 =	vor.u32 s4, v2;
	[tilespmem:s5+$0x10000] =	vst.msk vm6, v13;
	s4 =	spop (v2sf);
	v13, _, _ =	vpop (xrf0)  }
0x1a9: {  	[tilespmem:s5+$0x13880] =	vst.msk vm6, v15;
	s4 =	sadd.s32 s4, s5;
	(v2sf) =	vpush v13, $0xF  }
0x1aa: {  	v13 =	vor.u32 s3, v2;
	[tilespmem:s4+$0x10000] =	vst.msk vm4, v10;
	s3 =	spop (v2sf);
	v10, _, _ =	vpop (xrf0)  }
0x1ab: {  	[tilespmem:s4+$0x13880] =	vst.msk vm4, v13;
	s3 =	sadd.s32 s3, s4;
	s4 =	sadd.s32 $0x10070, s11;
	(v2sf) =	vpush v10, $0xF;
	v10, _, _ =	vpop (xrf0)  }
0x1ac: {  	v13 =	vor.u32 s4, v2;
	[tilespmem:s3+$0x10000] =	vst.msk vm1, v5;
	s4 =	spop (v2sf);
	(v2sf) =	vpush v10, $0xF  }
0x1ad: {  	[tilespmem:s3+$0x13880] =	vst.msk vm1, v13;
	s3 =	sadd.s32 s4, s3  }
0x1ae: {  	v5 =	vor.u32 s18, v2;
	[tilespmem:s3+$0x10000] =	vst.msk vm2, v6;
	s4 =	spop (v2sf)  }
0x1af: {  	[tilespmem:s3+$0x13880] =	vst.msk vm2, v5;
	s3 =	sadd.s32 s4, s3  }
0x1b0: {  	v5 =	vor.u32 s1, v2;
	[tilespmem:s3+$0x10000] =	vst.msk vm3, v7;
	s1 =	spop (v2sf)  }
0x1b1: {  	[tilespmem:s3+$0x13880] =	vst.msk vm3, v5;
	s1 =	sadd.s32 s1, s3  }
0x1b2: {  	v5 =	vor.u32 s0, v2;
	[tilespmem:s1+$0x10000] =	vst.msk vm5, v8;
	s0 =	spop (v2sf)  }
0x1b3: {  	[tilespmem:s1+$0x13880] =	vst.msk vm5, v5;
	s0 =	sadd.s32 s0, s1  }
0x1b4: {  	v5 =	vor.u32 s26, v2;
	[tilespmem:s0+$0x10000] =	vst.msk vm7, v9;
	s1 =	spop (v2sf)  }
0x1b5: {  	[tilespmem:s0+$0x13880] =	vst.msk vm7, v5;
	s0 =	sadd.s32 s1, s0  }
0x1b6: {  	v5 =	vor.u32 s28, v2;
	[tilespmem:s0+$0x10000] =	vst.msk vm10, v11;
	s1 =	spop (v2sf)  }
0x1b7: {  	[tilespmem:s0+$0x13880] =	vst.msk vm10, v5;
	s0 =	sadd.s32 s1, s0  }
.Ltmp8:
0x1b8: {  	v5 =	vor.u32 s29, v2;
	[tilespmem:s0+$0x10000] =	vst.msk vm12, v12;
	s1 =	spop (v2sf);
	(pc) =	sbr.rel @p0 .LBB2_15-.Ltmp8, $4  }
0x1b9: {  	[tilespmem:s0+$0x13880] =	vst.msk vm12, v5;
	s0 =	sadd.s32 s1, s0  }
0x1ba: {  	v5 =	vor.u32 s30, v2;
	[tilespmem:s0+$0x10000] =	vst.msk vm13, v14;
	s1 =	spop (v2sf)  }
0x1bb: {  	[tilespmem:s0+$0x13880] =	vst.msk vm13, v5;
	s0 =	sadd.s32 s1, s0;
	s1 =	spop (v2sf)  }
0x1bc: {  	v5 =	vor.u32 s31, v2;
	[tilespmem:s0+$0x10000] =	vst.msk vm0, v4;
	s26 =	sadd.s32 s1, s0  }
0x1bd: {  	p0 =	slt.s32 s26, $0x3000;
	s20 =	smov.u32 s26;
	s24 =	sadd.s32 $0x1, s24  }
0x1be: {  	s20 =	simm.s32 @!p0 $0x3000;
	p0 =	sne.s32 s24, $0x10  }
.Ltmp9:
0x1bf: {  	_ = 	snop;
	(pc) =	sbr.rel @p0 .LBB2_14-.Ltmp9, $2  }
0x1c0: {  	_ =	sdelay $0x2  }
0x1c1: {  	[tilespmem:s0+$0x13880] =	vst.msk vm0, v5;
	s23 =	sadd.s32 $0x800, s23;
	s22 =	sadd.s32 $0x800, s22;
	s21 =	sadd.s32 $0x1, s21  }
0x1c2: {  	s0 =	sadd.s32 $0xF, s20  }
0x1c3: {  	s1 =	sand.u32 $0xF, s0  }
0x1c4: {  	p0 =	slt.s32 s26, $0xFFFFFFF2;
	s3 =	sshra.s32 s0, $0x1F;
	p1 =	sne.s32 s1, $0x0  }
0x1c5: {  	s31 =	sshrl.u32 s3, $0x1C;
	p0 =	por !p0, !p1  }
0x1c6: {  	s1 =	simm.s32 $0x1;
	s0 =	sadd.s32 s31, s0;
	p0 =	por !p0, !p0  }
0x1c7: {  	s0 =	sshra.s32 s0, $0x4;
	s1 =	simm.s32 @!p0 $0x0  }
0x1c8: {  	s1 =	ssub.s32 s0, s1  }
0x1c9: {  	p0 =	slt.s32 s1, $0x1  }
.Ltmp10:
0x1ca: {  	_ = 	snop;
	(pc) =	sbr.rel @p0 .LBB2_21-.Ltmp10, $2  }
0x1cb: {  	_ =	sdelay $0x2  }
0x1cc: {  	s0 =	simm.s32 $0x10000  }
0x1cd: {  	p0 =	sne.s32 s1, $0x1  }
.Ltmp11:
0x1ce: {  	v4 =	vld [tilespmem:s0+$0x0];
	(pc) =	sbr.rel @!p0 .LBB2_20-.Ltmp11, $2  }
0x1cf: {  	_ =	sdelay $0x2  }
0x1d0: {  	s1 =	sadd.s32 $0xFFFFFFFF, s1  }
.LBB2_19:
0x1d1: {  	p0 =	sne.s32 s1, $0x1;
	_ =	sdelay $0x3  }
0x1d2: {  	v5 =	vadd.f32 $-5.000000000e-01, v4;
	_ =	sdelay $0x1  }
0x1d3: {  	v5 =	vmul.f32 $8.192000000e+03, v5;
	_ =	sdelay $0x1  }
0x1d4: {  	v5 =	vtrunc.f32 v5  }
0x1d5: {  	vm0 =	vgt.f32 v4, $5.000000000e-01;
	v4 =	vcvt.f32.s32 v5;
	_ =	sdelay $0x2  }
.Ltmp12:
0x1d6: {  	(pc) =	sbr.rel @p0 .LBB2_19-.Ltmp12, $3  }
0x1d7: {  	_ =	sdelay $0x1  }
0x1d8: {  	s0 =	sadd.s32 $0x10, s0;
	[tilespmem:v4+s14+$0x0] =	vst.idx.add.s32.msk vm0, v3  }
0x1d9: {  	s1 =	sadd.s32 $0xFFFFFFFF, s1;
	v4 =	vld [tilespmem:s0+$0x0]  }
.Ltmp13:
0x1da: {  	_ = 	snop;
	(pc) =	sbr.rel .LBB2_20-.Ltmp13, $1  }
0x1db: {  	_ =	sdelay $0x3  }
.LBB2_22:
0x1dc: {  	_ =	sfence.sel $0x180000  }
0x1dd: {  	[bflag:$0x0] =	sbarrier.arrive $0xFFFF  }
0x1de: {  	_ =	strace $0x90000047  }
0x1df: {  	s0 =	stileid.u32;
	[bflag:$0x2] =	sbarrier.arrive $0xFFFF  }
0x1e0: {  	p0 =	sne.s32 s0, $0x0;
	s0 =	rddreg [dreg:$0x1]  }
0x1e1: {  	s0 =	sadd.s32 @!p0 $0x100000, s0  }
0x1e2: {  	[sflag:s0] =	ssyncadd.tile.s32 @!p0 $0x1;
	_ =	shalt  }
.Lfunc_end2:
_tile_overlayer_lowered:
.L_overlay_start_2:
0x1e3: {  	(tag) =	ssettag $0x2  }
0x1e4: {  	s0 =	rddreg [dreg:$0x0];
	s2 =	stileid.u32  }
0x1e5: {  	s1 =	rddreg [dreg:$0x1];
	p0 =	sne.s32 s2, $0x0  }
0x1e6: {  	s3 =	rddreg [dreg:$0x2];
	[bflag:$0x3] =	sbarrier.arrive $0xFFFF;
	s2 =	simm.s32 @!p0 $0x1C03  }
0x1e7: {  	[timem:s3], [sflag:s2] =	dma.local @!p0 [hbm:s0], s1  }
0x1e8: {  	s0 =	simm.s32 @!p0 $0x3  }
0x1e9: {  	_ =	swait.ge @!p0 [sflag:s0], s1  }
0x1ea: {  	s1 =	ssub.s32 @!p0 $0x0, s1;
	[sflag:s0] =	ssyncset.done @!p0 $0x0  }
0x1eb: {  	[sflag:s0] =	ssyncadd.s32 @!p0 s1  }
0x1ec: {  	[bflag:$0x3] =	sbarrier.arrive $0xFFFF  }
0x1ed: {  	_ =	shalt  }

// kernel: kernel.8.cloned.1.call-start
scs
__scs_entry_jumppad:
0x0: {  	(pc) =	sbr.rel $0x88, $3  }
0x1: {  	(tag) =	ssettag $0x0;
	lr =	simm.s32 $0x1  }
0x2: {  	[smem:$0x3F9F] =	sst lr;
	_ =	strace $0xD0000000  }
0x3: {  	_ = 	snop  }
0x4: {  	_ = 	snop  }
0x5: {  	_ = 	snop  }
0x6: {  	_ = 	snop  }
0x7: {  	_ = 	snop  }
__scs_overlays_trampoline_lowered:
0x8: {  	[smem:$0x3FAE] =	sst s0  }
0x9: {  	[smem:$0x3FAF] =	sst s1  }
0xa: {  	[smem:$0x3FB0] =	sst s2  }
0xb: {  	[smem:$0x3FB1] =	sst s3  }
0xc: {  	[smem:$0x3FB2] =	sst s4  }
0xd: {  	[smem:$0x3FB3] =	sst s5  }
0xe: {  	[smem:$0x3FB4] =	sst s6  }
0xf: {  	[smem:$0x3FB5] =	sst s7  }
0x10: {  	[smem:$0x3FB6] =	sst s8  }
0x11: {  	[smem:$0x3FB7] =	sst s9;
	s0 =	simm.s32 @!p0 $0x0  }
0x12: {  	s1 =	sld [smem:$0x3F9D];
	s0 =	simm.s32 @p0 $0x1  }
0x13: {  	[smem:$0x3FB8] =	sst s0;
	s0 =	simm.s32 @!p1 $0x0  }
0x14: {  	s2 =	sld [smem:$0x3F9C];
	s0 =	simm.s32 @p1 $0x1  }
0x15: {  	[smem:$0x3FB9] =	sst s0;
	s0 =	simm.s32 @!p2 $0x0  }
0x16: {  	s3 =	sld [smem:$0x3FDB];
	s0 =	simm.s32 @p2 $0x1  }
0x17: {  	s4 =	simm.s32 $0x1BF5;
	[smem:$0x3FBB] =	sst s0  }
0x18: {  	s0 =	sld [smem:$0x3F9E];
	_ =	swait.ge [sflag:s4], $0x0  }
0x19: {  	s7 =	sld [smem:$0x3F9F]  }
0x1a: {  	s8 =	sadd.s32 $0xFFFFE003, lr  }
0x1b: {  	s9 =	sadd.s32 $0xFFFFFEF7, lr;
	s5 =	simm.s32 $0xFFFFFFFF;
	p2 =	slt.u32 s8, $0xFFFFF086  }
0x1c: {  	p1 =	slt.u32 s9, $0xF7A;
	s5 =	simm.s32 @!p2 $0x0  }
0x1d: {  	s5 =	simm.s32 @p1 $0x1;
	p0 =	seq.s32 s7, s2  }
0x1e: {  	s7 =	smul.u32 @!p0 $0xF7A, s2;
	p2 =	seq.s32 @!p0 s5, $0x0  }
0x1f: {  	s9 =	smul.u32 $0xF7A, s1;
	s8 =	simm.s32 @!p0 $0x1BF5;
	p2 =	por !p2, p0  }
0x20: {  	[sflag:s8] =	ssyncset.s32 @!p0 $0xFFFFF086;
	s6 =	sadd.s32 @!p0 s3, s7;
	s7 =	simm.s32 @!p0 $0x108  }
0x21: {  	s3 =	sadd.s32 s3, s9;
	s6 =	sadd.s32 @!p0 $0x88, s6;
	s7 =	simm.s32 @p2 $0x1082  }
0x22: {  	[simem:s7], [sflag:s8] =	dma.local @!p0 [hbm:s6], $0xF7A  }
0x23: {  	s9 =	sor.u32 $0xD0000000, s2;
	s6 =	simm.s32 $0x108;
	_ =	swait.ge @!p0 [sflag:s8], $0x0  }
0x24: {  	s3 =	sadd.s32 $0x88, s3;
	s6 =	simm.s32 @!p1 $0x1082;
	[sflag:s4] =	ssyncset.s32 $0xFFFFF086  }
0x25: {  	[simem:s6], [sflag:s4] =	dma.local [hbm:s3], $0xF7A  }
0x26: {  	[smem:$0x3F9F] =	sst s1;
	(tag) =	ssettag s2;
	_ =	strace s9  }
0x27: {  	s1 =	sld [smem:$0x3FAF]  }
0x28: {  	s2 =	sld [smem:$0x3FB0]  }
0x29: {  	s4 =	sld [smem:$0x3FB2]  }
0x2a: {  	p0 =	seq.s32 s5, $0x0;
	s5 =	sld [smem:$0x3FB3]  }
0x2b: {  	s6 =	sld [smem:$0x3FB4]  }
0x2c: {  	s7 =	sld [smem:$0x3FB5]  }
0x2d: {  	s3 =	simm.s32 $0x108;
	s8 =	sld [smem:$0x3FB6]  }
0x2e: {  	s3 =	simm.s32 @!p0 $0x1082;
	s9 =	sld [smem:$0x3FB7]  }
0x2f: {  	lr =	sadd.s32 s0, s3;
	s0 =	sld [smem:$0x3FAE]  }
0x30: {  	s3 =	sld [smem:$0x3FB1]  }
0x31: {  	[smem:$0x3FBA] =	sst s10  }
0x32: {  	s10 =	sld [smem:$0x3FB8];
	_ =	sdelay $0x3  }
0x33: {  	p0 =	seq.s32 s10, $0x1;
	s10 =	sld [smem:$0x3FBA];
	_ =	sdelay $0x3  }
0x34: {  	[smem:$0x3FBA] =	sst s10  }
0x35: {  	s10 =	sld [smem:$0x3FB9];
	_ =	sdelay $0x3  }
0x36: {  	p1 =	seq.s32 s10, $0x1;
	s10 =	sld [smem:$0x3FBA];
	_ =	sdelay $0x3  }
0x37: {  	[smem:$0x3FBA] =	sst s10  }
0x38: {  	s10 =	sld [smem:$0x3FBB]  }
0x39: {  	_ = 	snop;
	(pc) =	sbr.ind lr, $3  }
0x3a: {  	_ = 	snop  }
0x3b: {  	_ = 	snop  }
0x3c: {  	p2 =	seq.s32 s10, $0x1;
	s10 =	sld [smem:$0x3FBA]  }
0x3d: {  	_ =	shalt  }
0x3e: {  	_ =	shalt  }
0x3f: {  	_ =	shalt  }
0x40: {  	_ =	shalt  }
0x41: {  	_ =	shalt  }
0x42: {  	_ =	shalt  }
0x43: {  	_ =	shalt  }
0x44: {  	_ =	shalt  }
0x45: {  	_ =	shalt  }
0x46: {  	_ =	shalt  }
0x47: {  	_ =	shalt  }
0x48: {  	_ =	shalt  }
0x49: {  	_ =	shalt  }
0x4a: {  	_ =	shalt  }
0x4b: {  	_ =	shalt  }
0x4c: {  	_ =	shalt  }
0x4d: {  	_ =	shalt  }
0x4e: {  	_ =	shalt  }
0x4f: {  	_ =	shalt  }
0x50: {  	_ =	shalt  }
0x51: {  	_ =	shalt  }
0x52: {  	_ =	shalt  }
0x53: {  	_ =	shalt  }
0x54: {  	_ =	shalt  }
0x55: {  	_ =	shalt  }
0x56: {  	_ =	shalt  }
0x57: {  	_ =	shalt  }
0x58: {  	_ =	shalt  }
0x59: {  	_ =	shalt  }
0x5a: {  	_ =	shalt  }
0x5b: {  	_ =	shalt  }
0x5c: {  	_ =	shalt  }
0x5d: {  	_ =	shalt  }
0x5e: {  	_ =	shalt  }
0x5f: {  	_ =	shalt  }
0x60: {  	_ =	shalt  }
0x61: {  	_ =	shalt  }
0x62: {  	_ =	shalt  }
0x63: {  	_ =	shalt  }
0x64: {  	_ =	shalt  }
0x65: {  	_ =	shalt  }
0x66: {  	_ =	shalt  }
0x67: {  	_ =	shalt  }
0x68: {  	_ =	shalt  }
0x69: {  	_ =	shalt  }
0x6a: {  	_ =	shalt  }
0x6b: {  	_ =	shalt  }
0x6c: {  	_ =	shalt  }
0x6d: {  	_ =	shalt  }
0x6e: {  	_ =	shalt  }
0x6f: {  	_ =	shalt  }
0x70: {  	_ =	shalt  }
0x71: {  	_ =	shalt  }
0x72: {  	_ =	shalt  }
0x73: {  	_ =	shalt  }
0x74: {  	_ =	shalt  }
0x75: {  	_ =	shalt  }
0x76: {  	_ =	shalt  }
0x77: {  	_ =	shalt  }
0x78: {  	_ =	shalt  }
0x79: {  	_ =	shalt  }
0x7a: {  	_ =	shalt  }
0x7b: {  	_ =	shalt  }
0x7c: {  	_ =	shalt  }
0x7d: {  	_ =	shalt  }
0x7e: {  	_ =	shalt  }
0x7f: {  	_ =	shalt  }
0x80: {  	_ =	shalt  }
0x81: {  	_ =	shalt  }
0x82: {  	_ =	shalt  }
0x83: {  	_ =	shalt  }
0x84: {  	_ =	shalt  }
0x85: {  	_ =	shalt  }
0x86: {  	_ =	shalt  }
0x87: {  	_ =	shalt  }
.Lfunc_end0:
.L_simem_size_0:
called_computation.1_lowered:
.L_overlay_start_0:
0x88: {  	s2 =	sld [smem:$0x3FD9]  }
0x89: {  	s3 =	sld [smem:$0x3FFE];
	_ =	sdelay $0x1  }
0x8a: {  	s1 =	srdreg.scid  }
0x8b: {  	s0 =	sand.u32 $0x1, s1  }
0x8c: {  	s14 =	sshll.u32 s0, $0xA;
	s2 =	sadd.s32 s3, s2  }
0x8d: {  	s2 =	sadd.s32 s2, s14  }
0x8e: {  	[smem:$0x3FC6] =	sst s2  }
0x8f: {  	_ = 	snop  }
0x90: {  	s2 =	sld [smem:$0x3FD0];
	_ =	sdelay $0x2  }
0x91: {  	s15 =	simm.s32 $0xA;
	s4 =	simm.s32 $0x10  }
0x92: {  	[smem:s4], [sflag:s15] =	dma.local [hbm:s2], $0x1  }
0x93: {  	_ =	swait.eq [sflag:s15], $0x1  }
0x94: {  	[sflag:s15] =	ssyncset.done $0x0  }
0x95: {  	s16 =	sld [smem:$0x10];
	[sflag:s15] =	ssyncadd.s32 $0xFFFFFFFF  }
0x96: {  	s17 =	sld [smem:$0x11];
	(tm) =	ssettm $0x1  }
0x97: {  	s18 =	sld [smem:$0x3FFB];
	_ =	sdelay $0x3  }
0x98: {  	_ =	strace s18  }
0x99: {  	s4 =	sld [smem:$0x3FFC];
	_ =	sdelay $0x3  }
0x9a: {  	_ =	strace s4  }
0x9b: {  	s4 =	sld [smem:$0x3FFD];
	_ =	sdelay $0x3  }
0x9c: {  	_ =	strace s4  }
0x9d: {  	_ =	strace $0x8FFFFFFF  }
0x9e: {  	s19 =	sld [smem:$0x3FDB];
	_ =	sdelay $0x1  }
0x9f: {  	s5 =	simm.s32 $_scs_section_size  }
0xa0: {  	s6 =	simm.s32 $_size__tile_overlayer_lowered;
	s7 =	simm.s32 $_tile_overlayer_lowered  }
0xa1: {  	s22 =	simm.s32 $0x1BFF;
	s21 =	sshll.u32 s7, $0x1;
	s4 =	sadd.s32 s5, s19  }
0xa2: {  	s8 =	simm.s32 $0x0;
	s20 =	sshll.u32 s6, $0x1;
	s6 =	sadd.s32 s21, s4  }
0xa3: {  	[timem:s8], [sflag:s22] =	dma.local [hbm:s6], s20  }
0xa4: {  	_ =	swait.ge [sflag:s22], s20  }
0xa5: {  	s5 =	ssub.s32 $0x0, s20;
	[sflag:s22] =	ssyncset.done $0x0  }
0xa6: {  	[sflag:s22] =	ssyncadd.s32 s5;
	_ =	sdelay $0x1  }
0xa7: {  	s23 =	simm.s32 $0x1B8B  }
0xa8: {  	_ =	swait.ge [sflag:s23], $0x1  }
0xa9: {  	[sflag:s23] =	ssyncset.done $0x0  }
0xaa: {  	s25 =	simm.s32 $0x1B8E;
	s24 =	sld [smem:$0x3FFE];
	[sflag:s23] =	ssyncadd.s32 $0xFFFFFFFF  }
0xab: {  	s26 =	simm.s32 $execute0_lowered;
	[smem:$0x3FD2] =	sst s25  }
0xac: {  	s6 =	sshll.u32 s26, $0x1;
	_ =	strace $0x80000049;
	[dreg:$0x1] =	wrdreg $0xFFFFFFFF  }
0xad: {  	s28 =	simm.s32 $_size_execute0_lowered;
	s4 =	sadd.s32 s4, s6;
	[dreg:$0x0] =	wrdreg $0x0  }
0xae: {  	s6 =	sshll.u32 s28, $0x1;
	[dreg:$0x2] =	wrdreg s4  }
0xaf: {  	[dreg:$0x3] =	wrdreg s6  }
0xb0: {  	[dreg:$0x4] =	wrdreg $0xC0  }
0xb1: {  	_ =	task [dreg:s8], $0x5FFFF  }
0xb2: {  	[dreg:$0x1] =	wrdreg $0xFFFFFFFF  }
0xb3: {  	[dreg:$0x0] =	wrdreg $0x60  }
0xb4: {  	[dreg:$0x2] =	wrdreg s24  }
0xb5: {  	[dreg:$0x3] =	wrdreg s17  }
0xb6: {  	[dreg:$0x4] =	wrdreg s16  }
0xb7: {  	[dreg:$0x5] =	wrdreg $0x9  }
0xb8: {  	_ =	task.clear_ibuf [dreg:s8], $0x6FFFF;
	_ =	strace $0x90000049  }
0xb9: {  	s29 =	simm.s32 $0x9;
	_ =	strace $0x8000004B  }
0xba: {  	_ =	swait.ge [sflag:s29], $0x1  }
0xbb: {  	[sflag:s29] =	ssyncadd.s32 $0xFFFFFFFF  }
0xbc: {  	_ =	strace $0x9000004B  }
0xbd: {  	_ =	sfence  }
0xbe: {  	s30 =	sld [smem:$0x0];
	_ =	sdelay $0x2  }
0xbf: {  	s31 =	sshll.u32 s1, $0xD;
	s1 =	sshrl.u32 s1, $0x2  }
0xc0: {  	s3 =	sand.u32 $0x4000, s31;
	s1 =	sadd.s32 s1, s30  }
0xc1: {  	s0 =	sor.u32 s3, s0;
	s1 =	sshll.u32 s1, $0x11  }
0xc2: {  	s0 =	sor.u32 s1, s0  }
0xc3: {  	s0 =	sadd.s32 $0x8F2B, s0  }
0xc4: {  	[sflag:s0] =	ssyncadd.remote.s32 $0x1  }
0xc5: {  	_ =	sfence.sel $0xFFFF  }
0xc6: {  	[dreg:$0x0] =	wrdreg $0xFFFFFFFF;
	(pc) =	sbr.abs _section_cstart, $3  }
0xc7: {  	[dreg:$0x1] =	wrdreg $0xFFFFFFFF  }
0xc8: {  	_ =	task.clear_ibuf [dreg:s8], $0x2FFFF;
	_ =	strace $0x9FFFFFFF  }
0xc9: {  	(tm) =	ssettm $0x7FFFFFFF  }
tec
execute0_lowered:
.L_overlay_start_1:
0x0: {  	(tag) =	ssettag $0x1  }
0x1: {  	s7 =	rddreg [dreg:$0x0]  }
0x2: {  	s0 =	srdreg.scid;
	s2 =	rddreg [dreg:$0x1]  }
0x3: {  	s8 =	rddreg [dreg:$0x2];
	s3 =	simm.s32 $0x0;
	s4 =	sand.u32 $0x1, s0  }
0x4: {  	s11 =	simm.s32 $0x80;
	s0 =	stileid.u32;
	s1 =	sshll.u32 s4, $0x4  }
0x5: {  	s12 =	simm.s32 $0x400;
	s13 =	simm.s32 $0x3000;
	s5 =	sor.u32 s0, s1  }
0x6: {  	s14 =	simm.s32 $0x6000;
	s15 =	simm.s32 $0x6100;
	s1 =	sshrl.u32 s5, $0x3  }
0x7: {  	s16 =	simm.s32 $0x0;
	s30 =	sshll.u32 s0, $0x7;
	s6 =	smul.u32 $0x18000, s1  }
0x8: {  	[smem:$0x7FF] =	sst s3;
	s4 =	ssub.s32 $0x2, s4;
	s9 =	sand.u32 $0x380, s30  }
0x9: {  	s31 =	sshrl.u32 s4, $0x1;
	s10 =	sshll.u32 s5, $0x5;
	s6 =	sor.u32 s9, s6  }
0xa: {  	s1 =	rddreg [dreg:$0x3];
	_ =	strace $0x8000004A;
	s6 =	sshrl.u32 s6, $0x3  }
0xb: {  	s9 =	ssub.s32 s4, s31;
	s6 =	sadd.s32 s6, s7;
	s7 =	sadd.s32 s7, s10  }
0xc: {  	s4 =	sadd.s32 $0x64000, s6;
	s5 =	sadd.s32 $0x70000, s6;
	s6 =	sadd.s32 s8, s10  }
0xd: {  	v0 =	vimm.f32 $-Inf;
	v1 =	vimm.s32 $0x0;
	s8 =	smax.u32 s9, $0x1;
	s9 =	simm.s32 $0x6200;
	s10 =	simm.s32 $0x1  }
.LBB2_1:
0xe: {  	[tilespmem:$0x6000] =	vst v0  }
0xf: {  	[tilespmem:$0x6100] =	vst v1  }
0x10: {  	[tilespmem:$0x6010] =	vst v0  }
0x11: {  	[tilespmem:$0x6110] =	vst v1  }
0x12: {  	[tilespmem:$0x6020] =	vst v0  }
0x13: {  	[tilespmem:$0x6120] =	vst v1  }
0x14: {  	[tilespmem:$0x6030] =	vst v0  }
0x15: {  	[tilespmem:$0x6130] =	vst v1  }
0x16: {  	[tilespmem:$0x6040] =	vst v0  }
0x17: {  	[tilespmem:$0x6140] =	vst v1  }
0x18: {  	[tilespmem:$0x6050] =	vst v0  }
0x19: {  	[tilespmem:$0x6150] =	vst v1  }
0x1a: {  	[tilespmem:$0x6060] =	vst v0  }
0x1b: {  	[tilespmem:$0x6160] =	vst v1  }
0x1c: {  	[tilespmem:$0x6070] =	vst v0  }
0x1d: {  	[tilespmem:$0x6170] =	vst v1  }
0x1e: {  	[tilespmem:$0x6080] =	vst v0  }
0x1f: {  	[tilespmem:$0x6180] =	vst v1  }
0x20: {  	[tilespmem:$0x6090] =	vst v0  }
0x21: {  	[tilespmem:$0x6190] =	vst v1  }
0x22: {  	[tilespmem:$0x60A0] =	vst v0  }
0x23: {  	[tilespmem:$0x61A0] =	vst v1  }
0x24: {  	[tilespmem:$0x60B0] =	vst v0  }
0x25: {  	[tilespmem:$0x61B0] =	vst v1  }
0x26: {  	[tilespmem:$0x60C0] =	vst v0  }
0x27: {  	[tilespmem:$0x61C0] =	vst v1  }
0x28: {  	[tilespmem:$0x60D0] =	vst v0  }
0x29: {  	[tilespmem:$0x61D0] =	vst v1  }
0x2a: {  	[tilespmem:$0x60E0] =	vst v0  }
0x2b: {  	[tilespmem:$0x61E0] =	vst v1  }
0x2c: {  	[tilespmem:$0x60F0] =	vst v0  }
0x2d: {  	[tilespmem:$0x61F0] =	vst v1  }
0x2e: {  	[tilespmem:s9], [sflag:$0x1] =	stream.linear.gather [hbm4b:s2+s3], $0x80, $0x38;
	[tilespmem:$0x6280] =	vst v63  }
0x2f: {  	_ =	swait.ge [sflag:s10], $0x80  }
0x30: {  	[sflag:s10] =	ssyncset.done $0x0  }
0x31: {  	[sflag:s10] =	ssyncadd.s32 $0xFFFFFF80  }
0x32: {  	v2 =	vld [tilespmem:$0x6200];
	[tilespmem:s3], [sflag:$0x1] =	stream.strided.gather [hbm4b:s4+s11], $0x3000, s12, s11, $0x38  }
0x33: {  	_ =	swait.ge [sflag:s10], $0x3000  }
0x34: {  	[sflag:s10] =	ssyncset.done $0x0  }
0x35: {  	[sflag:s10] =	ssyncadd.s32 $0xFFFFD000  }
0x36: {  	[tilespmem:s13], [sflag:$0x1] =	stream.strided.gather [hbm4b:s5+s11], $0x3000, s12, s11, $0x38;
	[tilespmem:$0x6280] =	vst v63  }
0x37: {  	_ =	swait.ge [sflag:s10], $0x3000  }
0x38: {  	[sflag:s10] =	ssyncset.done $0x0  }
0x39: {  	s19 =	simm.s32 $0x0;
	[sflag:s10] =	ssyncadd.s32 $0xFFFFD000  }
0x3a: {  	v3 =	vld [tilespmem:s19+$0x0];
	_ =	sdelay $0x4  }
0x3b: {  	vm1 =	vge.f32 v3, v2  }
0x3c: {  	v4 =	vsel vm1, $0x1, v1  }
0x3d: {  	v5 =	vld [tilespmem:s19+$0x10];
	(xrf0) =	vadd.scan.msk.s32 $0xffff, v4;
	_ =	sdelay $0x4  }
0x3e: {  	vm2 =	vge.f32 v5, v2  }
0x3f: {  	v6 =	vsel vm2, $0x1, v1;
	v7, _, _ =	vpop (xrf0)  }
0x40: {  	v8 =	vld [tilespmem:s19+$0x20];
	(xrf0) =	vadd.scan.msk.s32 $0xffff, v6;
	(v2sf) =	vpush v7, $0xF;
	_ =	sdelay $0x4  }
0x41: {  	vm0 =	vge.f32 v8, v2  }
0x42: {  	v9 =	vsel vm0, $0x1, v1;
	v10, _, _ =	vpop (xrf0)  }
0x43: {  	(xrf0) =	vadd.scan.msk.s32 $0xffff, v9;
	(v2sf) =	vpush v10, $0xF;
	_ =	sdelay $0x1  }
0x44: {  	v4 =	vsub.s32 v7, v4  }
0x45: {  	v7 =	vld [tilespmem:s19+$0x30];
	v4 =	vadd.s32 s3, v4  }
0x46: {  	vm3 =	vlt.s32 v4, $0x100  }
0x47: {  	vm4 =	vlt.s32 v4, $0xFF;
	vm3 =	vmand vm1, vm3  }
0x48: {  	v4 =	vnsel vm4, $0xFF, v4;
	v11, _, _ =	vpop (xrf0)  }
0x49: {  	(v2sf) =	vpush v11, $0xF  }
0x4a: {  	vm1 =	vge.f32 v7, v2;
	s17 =	spop (v2sf)  }
0x4b: {  	v6 =	vsub.s32 v10, v6;
	v62 =	vsel vm1, $0x1, v1;
	s17 =	sadd.s32 $0x0, s17  }
0x4c: {  	(xrf0) =	vadd.scan.msk.s32 $0xffff, v62;
	v6 =	vadd.s32 s17, v6  }
0x4d: {  	[tilespmem:v4+s14+$0x0] =	vst.idx.msk vm3, v3;
	vm15 =	vlt.s32 v6, $0x100  }
0x4e: {  	v3 =	vld [tilespmem:s19+$0x3000];
	vm5 =	vlt.s32 v6, $0xFF;
	vm2 =	vmand vm2, vm15  }
0x4f: {  	v6 =	vnsel vm5, $0xFF, v6;
	_ =	sdelay $0x1  }
0x50: {  	s18 =	spop (v2sf)  }
0x51: {  	v9 =	vsub.s32 v11, v9;
	v63, _, _ =	vpop (xrf0);
	s17 =	sadd.s32 s18, s17  }
0x52: {  	[tilespmem:v4+s15+$0x0] =	vst.idx.msk vm3, v3;
	(v2sf) =	vpush v63, $0xF;
	v9 =	vadd.s32 s17, v9  }
0x53: {  	vm3 =	vlt.s32 v9, $0x100;
	[tilespmem:v6+s14+$0x0] =	vst.idx.msk vm2, v5  }
0x54: {  	vm3 =	vmand vm0, vm3;
	vm0 =	vlt.s32 v9, $0xFF;
	v3 =	vld [tilespmem:s19+$0x3010]  }
0x55: {  	v4 =	vnsel vm0, $0xFF, v9;
	_ =	sdelay $0x1  }
0x56: {  	s31 =	spop (v2sf)  }
0x57: {  	v5 =	vsub.s32 v63, v62;
	s20 =	sadd.s32 s31, s17  }
0x58: {  	v5 =	vadd.s32 s20, v5;
	[tilespmem:v6+s15+$0x0] =	vst.idx.msk vm2, v3  }
0x59: {  	vm0 =	vlt.s32 v5, $0x100;
	[tilespmem:v4+s14+$0x0] =	vst.idx.msk vm3, v8  }
0x5a: {  	vm2 =	vlt.s32 v5, $0xFF;
	vm0 =	vmand vm1, vm0;
	v6 =	vld [tilespmem:s19+$0x3020]  }
0x5b: {  	v3 =	vnsel vm2, $0xFF, v5;
	_ =	sdelay $0x3  }
0x5c: {  	[tilespmem:v4+s15+$0x0] =	vst.idx.msk vm3, v6  }
0x5d: {  	s21 =	spop (v2sf);
	[tilespmem:v3+s14+$0x0] =	vst.idx.msk vm0, v7  }
0x5e: {  	s18 =	simm.s32 $0x200;
	s17 =	simm.s32 $0x100;
	s20 =	sadd.s32 s21, s20;
	v4 =	vld [tilespmem:s19+$0x3030]  }
.LBB2_2:
0x5f: {  	_ =	sdelay $0x2  }
0x60: {  	p0 =	sne.s32 s18, $0xBF00  }
0x61: {  	s19 =	sshra.s32 s17, $0x2;
	s17 =	smov.u32 s18;
	s18 =	sadd.s32 $0x100, s18;
	[tilespmem:v3+s15+$0x0] =	vst.idx.msk vm0, v4  }
0x62: {  	v3 =	vld [tilespmem:s19+$0x0]  }
0x63: {  	v4 =	vld [tilespmem:s19+$0x10]  }
0x64: {  	v5 =	vld [tilespmem:s19+$0x20];
	_ =	sdelay $0x2  }
0x65: {  	vm2 =	vge.f32 v3, v2  }
0x66: {  	v6 =	vsel vm2, $0x1, v1;
	vm1 =	vge.f32 v4, v2  }
0x67: {  	v7 =	vsel vm1, $0x1, v1;
	vm0 =	vge.f32 v5, v2;
	(xrf0) =	vadd.scan.msk.s32 $0xffff, v6  }
0x68: {  	v8 =	vsel vm0, $0x1, v1;
	(xrf0) =	vadd.scan.msk.s32 $0xffff, v7  }
0x69: {  	(xrf0) =	vadd.scan.msk.s32 $0xffff, v8;
	_ =	sdelay $0x3  }
0x6a: {  	v9, _, _ =	vpop (xrf0)  }
0x6b: {  	v6 =	vsub.s32 v9, v6;
	(v2sf) =	vpush v9, $0xF;
	v9, _, _ =	vpop (xrf0)  }
0x6c: {  	v7 =	vsub.s32 v9, v7;
	v6 =	vadd.s32 s20, v6;
	(v2sf) =	vpush v9, $0xF;
	v9, _, _ =	vpop (xrf0)  }
0x6d: {  	vm3 =	vlt.s32 v6, $0x100;
	vm4 =	vlt.s32 v6, $0xFF;
	(v2sf) =	vpush v9, $0xF  }
0x6e: {  	v8 =	vsub.s32 v9, v8;
	vm3 =	vmand vm2, vm3;
	_ =	sdelay $0x1  }
0x6f: {  	v9 =	vld [tilespmem:s19+$0x30];
	_ =	sdelay $0x4  }
0x70: {  	vm2 =	vge.f32 v9, v2  }
0x71: {  	v10 =	vsel vm2, $0x1, v1  }
0x72: {  	(xrf0) =	vadd.scan.msk.s32 $0xffff, v10  }
0x73: {  	v6 =	vnsel vm4, $0xFF, v6;
	_ =	sdelay $0x1  }
0x74: {  	s21 =	spop (v2sf)  }
0x75: {  	s20 =	sadd.s32 s20, s21;
	s21 =	spop (v2sf)  }
0x76: {  	v7 =	vadd.s32 s20, v7;
	s20 =	sadd.s32 s21, s20;
	s21 =	spop (v2sf)  }
0x77: {  	[tilespmem:v6+s14+$0x0] =	vst.idx.msk vm3, v3;
	vm4 =	vlt.s32 v7, $0x100;
	vm5 =	vlt.s32 v7, $0xFF;
	v3 =	vadd.s32 s20, v8;
	s20 =	sadd.s32 s21, s20;
	v8, _, _ =	vpop (xrf0)  }
0x78: {  	v10 =	vsub.s32 v8, v10;
	v11 =	vld [tilespmem:s19+$0x3000];
	vm1 =	vmand vm1, vm4;
	vm4 =	vlt.s32 v3, $0x100  }
0x79: {  	v7 =	vnsel vm5, $0xFF, v7;
	v10 =	vadd.s32 s20, v10;
	(v2sf) =	vpush v8, $0xF  }
0x7a: {  	vm5 =	vlt.s32 v10, $0x100;
	vm6 =	vlt.s32 v10, $0xFF;
	_ =	sdelay $0x2  }
0x7b: {  	[tilespmem:v6+s15+$0x0] =	vst.idx.msk vm3, v11  }
0x7c: {  	[tilespmem:v7+s14+$0x0] =	vst.idx.msk vm1, v4  }
0x7d: {  	vm3 =	vmand vm0, vm4;
	vm0 =	vlt.s32 v3, $0xFF;
	v4 =	vld [tilespmem:s19+$0x3010]  }
0x7e: {  	v6 =	vnsel vm0, $0xFF, v3;
	_ =	sdelay $0x3  }
0x7f: {  	[tilespmem:v7+s15+$0x0] =	vst.idx.msk vm1, v4  }
0x80: {  	[tilespmem:v6+s14+$0x0] =	vst.idx.msk vm3, v5  }
0x81: {  	vm0 =	vmand vm2, vm5;
	v4 =	vld [tilespmem:s19+$0x3020]  }
0x82: {  	v3 =	vnsel vm6, $0xFF, v10  }
0x83: {  	s21 =	spop (v2sf)  }
.Ltmp0:
0x84: {  	s20 =	sadd.s32 s21, s20;
	(pc) =	sbr.rel @p0 .LBB2_2-.Ltmp0, $4  }
0x85: {  	_ = 	snop  }
0x86: {  	[tilespmem:v6+s15+$0x0] =	vst.idx.msk vm3, v4  }
0x87: {  	[tilespmem:v3+s14+$0x0] =	vst.idx.msk vm0, v9  }
0x88: {  	v4 =	vld [tilespmem:s19+$0x3030]  }
0x89: {  	_ =	sdelay $0x4  }
0x8a: {  	s17 =	sshra.s32 s17, $0x2;
	[tilespmem:v3+s15+$0x0] =	vst.idx.msk vm0, v4  }
0x8b: {  	v3 =	vld [tilespmem:s17+$0x0];
	_ =	sdelay $0x4  }
0x8c: {  	vm1 =	vge.f32 v3, v2  }
0x8d: {  	v59 =	vsel vm1, $0x1, v1  }
0x8e: {  	v5 =	vld [tilespmem:s17+$0x10];
	(xrf0) =	vadd.scan.msk.s32 $0xffff, v59;
	_ =	sdelay $0x4  }
0x8f: {  	vm2 =	vge.f32 v5, v2  }
0x90: {  	v6 =	vsel vm2, $0x1, v1;
	v7, _, _ =	vpop (xrf0)  }
0x91: {  	v8 =	vld [tilespmem:s17+$0x20];
	(xrf0) =	vadd.scan.msk.s32 $0xffff, v6;
	(v2sf) =	vpush v7, $0xF;
	_ =	sdelay $0x4  }
0x92: {  	vm8 =	vge.f32 v8, v2  }
0x93: {  	v9 =	vsel vm8, $0x1, v1;
	v10, _, _ =	vpop (xrf0)  }
0x94: {  	(xrf0) =	vadd.scan.msk.s32 $0xffff, v9;
	(v2sf) =	vpush v10, $0xF;
	_ =	sdelay $0x1  }
0x95: {  	v4 =	vsub.s32 v7, v59  }
0x96: {  	v4 =	vadd.s32 s20, v4  }
0x97: {  	vm3 =	vlt.s32 v4, $0x100  }
0x98: {  	vm4 =	vlt.s32 v4, $0xFF;
	vm1 =	vmand vm1, vm3  }
0x99: {  	v4 =	vnsel vm4, $0xFF, v4;
	v60, _, _ =	vpop (xrf0)  }
0x9a: {  	(v2sf) =	vpush v60, $0xF  }
0x9b: {  	s18 =	spop (v2sf)  }
0x9c: {  	v61 =	vld [tilespmem:s17+$0x30];
	v6 =	vsub.s32 v10, v6;
	s18 =	sadd.s32 s20, s18  }
0x9d: {  	v6 =	vadd.s32 s18, v6  }
0x9e: {  	[tilespmem:v4+s14+$0x0] =	vst.idx.msk vm1, v3;
	vm9 =	vlt.s32 v6, $0x100  }
0x9f: {  	v3 =	vld [tilespmem:s17+$0x3000];
	vm10 =	vlt.s32 v6, $0xFF;
	vm2 =	vmand vm2, vm9  }
0xa0: {  	v6 =	vnsel vm10, $0xFF, v6  }
0xa1: {  	vm11 =	vge.f32 v61, v2  }
0xa2: {  	v2 =	vsel vm11, $0x1, v1;
	s19 =	spop (v2sf)  }
0xa3: {  	(xrf0) =	vadd.scan.msk.s32 $0xffff, v2;
	v7 =	vsub.s32 v60, v9;
	s18 =	sadd.s32 s19, s18  }
0xa4: {  	[tilespmem:v4+s15+$0x0] =	vst.idx.msk vm1, v3;
	v7 =	vadd.s32 s18, v7  }
0xa5: {  	vm12 =	vlt.s32 v7, $0x100;
	[tilespmem:v6+s14+$0x0] =	vst.idx.msk vm2, v5  }
0xa6: {  	vm13 =	vlt.s32 v7, $0xFF;
	vm0 =	vmand vm8, vm12;
	v3 =	vld [tilespmem:s17+$0x3010]  }
0xa7: {  	v62 =	vnsel vm13, $0xFF, v7;
	_ =	sdelay $0x1  }
0xa8: {  	v63, _, _ =	vpop (xrf0);
	s30 =	spop (v2sf)  }
0xa9: {  	v2 =	vsub.s32 v63, v2;
	(v2sf) =	vpush v63, $0xF;
	s18 =	sadd.s32 s30, s18  }
0xaa: {  	v2 =	vadd.s32 s18, v2;
	[tilespmem:v6+s15+$0x0] =	vst.idx.msk vm2, v3  }
0xab: {  	vm14 =	vlt.s32 v2, $0x100;
	[tilespmem:v62+s14+$0x0] =	vst.idx.msk vm0, v8  }
0xac: {  	vm15 =	vlt.s32 v2, $0xFF;
	vm1 =	vmand vm11, vm14;
	v3 =	vld [tilespmem:s17+$0x3020]  }
0xad: {  	v2 =	vnsel vm15, $0xFF, v2;
	_ =	sdelay $0x3  }
0xae: {  	[tilespmem:v62+s15+$0x0] =	vst.idx.msk vm0, v3  }
0xaf: {  	[tilespmem:v2+s14+$0x0] =	vst.idx.msk vm1, v61  }
0xb0: {  	v3 =	vld [tilespmem:s17+$0x3030];
	_ =	sdelay $0x4  }
0xb1: {  	s31 =	spop (v2sf);
	[tilespmem:v2+s15+$0x0] =	vst.idx.msk vm1, v3  }
0xb2: {  	[hbm4b:s6+s3] =	stream.linear.scatter [tilespmem:s14], [sflag:$0x1], $0x100, $0x38;
	[tilespmem:$0x6280] =	vst v63  }
0xb3: {  	s16 =	sadd.s32 $0x1, s16;
	_ =	swait.ge [sflag:s10], $0x100  }
0xb4: {  	p0 =	sne.s32 s16, s8;
	[sflag:s10] =	ssyncset.done $0x0  }
.Ltmp1:
0xb5: {  	[sflag:s10] =	ssyncadd.s32 $0xFFFFFF00;
	(pc) =	sbr.rel @p0 .LBB2_1-.Ltmp1, $4  }
0xb6: {  	[hbm4b:s7+s3] =	stream.linear.scatter [tilespmem:s15], [sflag:$0x1], $0x100, $0x38;
	[tilespmem:$0x6280] =	vst v63  }
0xb7: {  	_ =	swait.ge [sflag:s10], $0x100  }
0xb8: {  	[sflag:s10] =	ssyncset.done $0x0  }
0xb9: {  	[sflag:s10] =	ssyncadd.s32 $0xFFFFFF00  }
0xba: {  	_ =	sfence.sel $0x180000  }
0xbb: {  	[bflag:$0x0] =	sbarrier.arrive $0xFFFF  }
0xbc: {  	p0 =	sne.s32 s0, $0x0;
	_ =	strace $0x9000004A  }
0xbd: {  	s0 =	sadd.s32 @!p0 $0x100000, s1;
	[bflag:$0x2] =	sbarrier.arrive $0xFFFF  }
0xbe: {  	[sflag:s0] =	ssyncadd.tile.s32 @!p0 $0x1;
	_ =	shalt  }
.Lfunc_end2:
_tile_overlayer_lowered:
.L_overlay_start_2:
0xbf: {  	(tag) =	ssettag $0x2  }
0xc0: {  	s0 =	rddreg [dreg:$0x0];
	s2 =	stileid.u32  }
0xc1: {  	s1 =	rddreg [dreg:$0x1];
	p0 =	sne.s32 s2, $0x0  }
0xc2: {  	s3 =	rddreg [dreg:$0x2];
	[bflag:$0x3] =	sbarrier.arrive $0xFFFF;
	s2 =	simm.s32 @!p0 $0x1C01  }
0xc3: {  	[timem:s3], [sflag:s2] =	dma.local @!p0 [hbm:s0], s1  }
0xc4: {  	s0 =	simm.s32 @!p0 $0x1  }
0xc5: {  	_ =	swait.ge @!p0 [sflag:s0], s1  }
0xc6: {  	s1 =	ssub.s32 @!p0 $0x0, s1;
	[sflag:s0] =	ssyncset.done @!p0 $0x0  }
0xc7: {  	[sflag:s0] =	ssyncadd.s32 @!p0 s1  }
0xc8: {  	[bflag:$0x3] =	sbarrier.arrive $0xFFFF  }
0xc9: {  	_ =	shalt  }

</sc_bundles>
